<compile_context>
chip_gen: v7x
topology: tpu7x:2x2x1
jax: 0.10.2.dev20260603
libtpu: 0.0.44.dev20260713+nightly
codegen_flags: <defaults>
</compile_context>

<pallas_src>
import jax
import jax.numpy as jnp
from jax import lax
from jax.experimental import pallas as pl
from jax.experimental.pallas import tpu as pltpu
from jax.experimental.pallas import tpu_sc as plsc

NUM_CLASSES = 15
K = 300
NFLAT = 5000 * NUM_CLASSES
NW = 16
CHUNK = 4704
NPAD = NW * CHUNK
NV = CHUNK // 16
CCAP = 128
CUSE = 64
DENSE = NW * CUSE
SELCAP = 128
MAXOUT = 512
OSL = MAXOUT // NW
PW = OSL * 12
BIAS = 0x3F000000
KEYMAX = 0x7FFFFF


def _popcnt(mask):
    v = plsc.all_reduce_population_count(mask)
    return jnp.max(v) if v.ndim else v


def _suffix_search(gath, kthr):
    z = jnp.zeros((16,), jnp.int32)

    def jbody(jj, carry):
        carryv, bv, mv = carry
        j = 15 - jj
        tot = z
        for r in range(NW):
            tot = tot + gath[pl.ds(r * 256 + j * 16, 16)]
        cs = plsc.cumsum(lax.rev(tot, (0,)))
        s_incl = lax.rev(cs, (0,)) + carryv
        g = s_incl - tot
        ge = g >= kthr
        bv = bv + plsc.all_reduce_population_count(ge)
        mv = jnp.maximum(mv, jnp.where(ge, 0, g))
        carryv = carryv + jnp.max(cs)
        return carryv, bv, mv

    _, bv, mv = lax.fori_loop(0, 16, jbody, (z, z, z))
    return bv, mv


def _reduce_hist(hist_f, red_v):
    z = jnp.zeros((16,), jnp.int32)

    def rbody(c, _):
        acc = z
        for r in range(NW):
            acc = acc + hist_f[pl.ds(r * 256 + c * 16, 16)]
        red_v[pl.ds(c * 16, 16)] = acc
        return 0
    lax.fori_loop(0, 16, rbody, 0)


def _body(scores_hbm, poses_hbm,
          oscore_hbm, olabel_hbm, oposes_hbm, obox_hbm,
          chunk_v, keys_v, hist_f, red_v, gath_v,
          cand_k, cand_x, allk_v, allx_v, cnt2_v, tmp_v,
          dense_k, dense_x,
          sel_r, sel_s, sel_l, sel_b, sel_w,
          asel_r, asel_s, asel_l, asel_b, asel_w,
          o_score, o_label, o_box, o_row, pidx_v, prow_v,
          sh_hist, sh_cnt, sh_ck, sh_cx,
          sh_selr, sh_sels, sh_sell, sh_selb, sh_selw, sem):
    w = lax.axis_index("s")
    lane = lax.iota(jnp.int32, 16)
    base = w * CHUNK
    kvec = jnp.full((16,), K, jnp.int32)
    zero16 = jnp.zeros((16,), jnp.int32)

    pltpu.sync_copy(scores_hbm.at[pl.ds(base, CHUNK)], chunk_v)

    def zbody(i, _):
        hist_f[pl.ds(i * 16, 16)] = zero16
        return 0
    lax.fori_loop(0, NW * 256 // 16, zbody, 0)

    ones16 = jnp.full((16,), 1, jnp.int32)
    row16 = lane * 256

    def keyhist(i, _):
        sv = chunk_v[pl.ds(i * 16, 16)]
        bits = lax.bitcast_convert_type(sv, jnp.int32)
        validm = sv > 0.5
        keyv = jnp.where(
            validm, jnp.clip(bits - BIAS, 1, KEYMAX), 0)
        keys_v[pl.ds(i * 16, 16)] = keyv
        plsc.addupdate_scatter(hist_f, [row16 + (keyv >> 15)], ones16,
                               mask=keyv > 0)
        return 0
    lax.fori_loop(0, NV, keyhist, 0)

    _reduce_hist(hist_f, red_v)
    pltpu.sync_copy(red_v, sh_hist.at[pl.ds(w * 256, 256)])
    plsc.subcore_barrier()

    pltpu.sync_copy(sh_hist, gath_v)
    b1v, m1v = _suffix_search(gath_v, kvec)

    del m1v
    ktv = jnp.maximum(b1v << 15, 1)

    def czero(v, _):
        cand_k[pl.ds(v * 16, 16)] = zero16
        cand_x[pl.ds(v * 16, 16)] = zero16
        return 0
    lax.fori_loop(0, CCAP // 16, czero, 0)

    def cbody(i, off):
        keyv = keys_v[pl.ds(i * 16, 16)]
        m = keyv >= ktv
        idxv = base + i * 16 + lane
        offc = jnp.minimum(off, CUSE - 16)
        plsc.store_compressed(cand_k.at[pl.ds(offc, 16)], keyv, mask=m)
        plsc.store_compressed(cand_x.at[pl.ds(offc, 16)], idxv, mask=m)
        return off + _popcnt(m)
    myc = lax.fori_loop(0, NV, cbody, jnp.int32(0))
    myc = jnp.minimum(myc, CUSE)

    mycv = jnp.full((16,), myc, jnp.int32)
    for v in range(CCAP // 16):
        tmp_v[pl.ds(v * 16, 16)] = mycv
    cps = [pltpu.async_copy(tmp_v, sh_cnt.at[pl.ds(w * CCAP, CCAP)], sem),
           pltpu.async_copy(cand_k, sh_ck.at[pl.ds(w * CCAP, CCAP)], sem),
           pltpu.async_copy(cand_x, sh_cx.at[pl.ds(w * CCAP, CCAP)], sem)]
    for cp in cps:
        cp.wait()
    plsc.subcore_barrier()

    cps = [pltpu.async_copy(sh_ck, allk_v, sem),
           pltpu.async_copy(sh_cx, allx_v, sem),
           pltpu.async_copy(sh_cnt, cnt2_v, sem)]
    for cp in cps:
        cp.wait()

    def dbody(i, ctot):
        r = i // (CUSE // 16)
        v = i - r * (CUSE // 16)
        cntr = jnp.max(cnt2_v[pl.ds(r * CCAP, 16)])
        m = (v * 16 + lane) < cntr
        kk = allk_v[pl.ds(r * CCAP + v * 16, 16)]
        xx = allx_v[pl.ds(r * CCAP + v * 16, 16)]
        offc = jnp.minimum(ctot, DENSE - 16)
        plsc.store_compressed(dense_k.at[pl.ds(offc, 16)], kk, mask=m)
        plsc.store_compressed(dense_x.at[pl.ds(offc, 16)], xx, mask=m)
        return ctot + _popcnt(m)
    ctot = lax.fori_loop(0, NW * (CUSE // 16), dbody, jnp.int32(0))

    own_k = [cand_k[pl.ds(v * 16, 16)] for v in range(CUSE // 16)]
    own_x = [cand_x[pl.ds(v * 16, 16)] for v in range(CUSE // 16)]

    def rjbody(j, ranks):
        jj = jnp.full((16,), j, jnp.int32)
        kj = plsc.load_gather(dense_k, [jj])
        xj = plsc.load_gather(dense_x, [jj])
        out = []
        for v in range(CUSE // 16):
            beat = (kj > own_k[v]) | ((kj == own_k[v]) & (xj < own_x[v]))
            out.append(ranks[v] + jnp.where(beat, 1, 0))
        return tuple(out)
    ranks = lax.fori_loop(0, ctot, rjbody,
                          tuple(zero16 for _ in range(CUSE // 16)))

    def pfill(v, _):
        sel_r[pl.ds(v * 16, 16)] = K + v * 16 + lane
        return 0
    lax.fori_loop(0, SELCAP // 16, pfill, 0)

    selcnt = jnp.int32(0)
    for v in range(CUSE // 16):
        selm = (ranks[v] < kvec) & (own_k[v] > 0)
        sc = jnp.minimum(selcnt, SELCAP - 16)
        scorev = lax.bitcast_convert_type(own_k[v] + BIAS, jnp.float32)
        plsc.store_compressed(sel_r.at[pl.ds(sc, 16)], ranks[v], mask=selm)
        plsc.store_compressed(sel_s.at[pl.ds(sc, 16)], scorev, mask=selm)
        plsc.store_compressed(sel_l.at[pl.ds(sc, 16)],
                              own_x[v] % NUM_CLASSES, mask=selm)
        plsc.store_compressed(sel_b.at[pl.ds(sc, 16)],
                              own_x[v] // NUM_CLASSES, mask=selm)
        plsc.store_compressed(sel_w.at[pl.ds(sc, 16)], own_x[v], mask=selm)
        selcnt = selcnt + _popcnt(selm)

    cps = [pltpu.async_copy(sel_r, sh_selr.at[pl.ds(w * SELCAP, SELCAP)], sem),
           pltpu.async_copy(sel_s, sh_sels.at[pl.ds(w * SELCAP, SELCAP)], sem),
           pltpu.async_copy(sel_l, sh_sell.at[pl.ds(w * SELCAP, SELCAP)], sem),
           pltpu.async_copy(sel_b, sh_selb.at[pl.ds(w * SELCAP, SELCAP)], sem),
           pltpu.async_copy(sel_w, sh_selw.at[pl.ds(w * SELCAP, SELCAP)], sem)]
    for cp in cps:
        cp.wait()
    plsc.subcore_barrier()

    cps = [pltpu.async_copy(sh_selr, asel_r, sem),
           pltpu.async_copy(sh_sels, asel_s, sem),
           pltpu.async_copy(sh_sell, asel_l, sem),
           pltpu.async_copy(sh_selb, asel_b, sem),
           pltpu.async_copy(sh_selw, asel_w, sem)]
    for cp in cps:
        cp.wait()

    neg1f = jnp.full((16,), -1.0, jnp.float32)
    neg1i = jnp.full((16,), -1, jnp.int32)
    for v in range(OSL // 16):
        o_score[pl.ds(v * 16, 16)] = neg1f
        o_label[pl.ds(v * 16, 16)] = neg1i
        o_box[pl.ds(v * 16, 16)] = neg1i
        o_row[pl.ds(v * 16, 16)] = zero16

    slot0 = w * OSL

    def abody(t, _):
        rks = asel_r[pl.ds(t * 16, 16)]
        loc = rks - slot0
        inm = (loc >= 0) & (loc < OSL)
        plsc.store_scatter(o_score, [loc],
                           asel_s[pl.ds(t * 16, 16)], mask=inm)
        plsc.store_scatter(o_label, [loc],
                           asel_l[pl.ds(t * 16, 16)], mask=inm)
        plsc.store_scatter(o_box, [loc],
                           asel_b[pl.ds(t * 16, 16)], mask=inm)
        plsc.store_scatter(o_row, [loc],
                           asel_w[pl.ds(t * 16, 16)], mask=inm)
        return 0
    lax.fori_loop(0, NW * SELCAP // 16, abody, 0)

    for j in range(PW // 128):
        for i in range(8):
            p = j * 128 + i * 16 + lane
            slot = p // 12
            rem = p - slot * 12
            rowv = plsc.load_gather(o_row, [slot])
            pidx_v[j, pl.ds(i * 16, 16)] = rowv * 12 + rem

    cps = [pltpu.async_copy(
        poses_hbm.at[pidx_v.at[j]],
        prow_v.at[pl.ds(j * 128, 128)], sem) for j in range(PW // 128)]
    for cp in cps:
        cp.wait()

    def mbody(i, _):
        p = i * 16 + lane
        slot = p // 12
        sv = plsc.load_gather(o_score, [slot])
        pv = prow_v[pl.ds(i * 16, 16)]
        prow_v[pl.ds(i * 16, 16)] = jnp.where(sv > 0.0, pv, -1.0)
        return 0
    lax.fori_loop(0, PW // 16, mbody, 0)

    cps = [pltpu.async_copy(o_score, oscore_hbm.at[pl.ds(slot0, OSL)], sem),
           pltpu.async_copy(o_label, olabel_hbm.at[pl.ds(slot0, OSL)], sem),
           pltpu.async_copy(o_box, obox_hbm.at[pl.ds(slot0, OSL)], sem),
           pltpu.async_copy(prow_v, oposes_hbm.at[pl.ds(w * PW, PW)], sem)]
    for cp in cps:
        cp.wait()


_mesh = plsc.VectorSubcoreMesh(
    core_axis_name="c", subcore_axis_name="s", num_cores=1)

_topk_sc = pl.kernel(
    _body,
    out_type=(
        jax.ShapeDtypeStruct((MAXOUT,), jnp.float32),
        jax.ShapeDtypeStruct((MAXOUT,), jnp.int32),
        jax.ShapeDtypeStruct((NW * PW,), jnp.float32),
        jax.ShapeDtypeStruct((MAXOUT,), jnp.int32),
    ),
    mesh=_mesh,
    compiler_params=pltpu.CompilerParams(needs_layout_passes=False),
    scratch_types=[
        pltpu.VMEM((CHUNK,), jnp.float32),
        pltpu.VMEM((CHUNK,), jnp.int32),
        pltpu.VMEM((NW * 256,), jnp.int32),
        pltpu.VMEM((256,), jnp.int32),
        pltpu.VMEM((NW * 256,), jnp.int32),
        pltpu.VMEM((CCAP,), jnp.int32),
        pltpu.VMEM((CCAP,), jnp.int32),
        pltpu.VMEM((NW * CCAP,), jnp.int32),
        pltpu.VMEM((NW * CCAP,), jnp.int32),
        pltpu.VMEM((NW * CCAP,), jnp.int32),
        pltpu.VMEM((CCAP,), jnp.int32),
        pltpu.VMEM((DENSE,), jnp.int32),
        pltpu.VMEM((DENSE,), jnp.int32),
        pltpu.VMEM((SELCAP,), jnp.int32),
        pltpu.VMEM((SELCAP,), jnp.float32),
        pltpu.VMEM((SELCAP,), jnp.int32),
        pltpu.VMEM((SELCAP,), jnp.int32),
        pltpu.VMEM((SELCAP,), jnp.int32),
        pltpu.VMEM((NW * SELCAP,), jnp.int32),
        pltpu.VMEM((NW * SELCAP,), jnp.float32),
        pltpu.VMEM((NW * SELCAP,), jnp.int32),
        pltpu.VMEM((NW * SELCAP,), jnp.int32),
        pltpu.VMEM((NW * SELCAP,), jnp.int32),
        pltpu.VMEM((OSL,), jnp.float32),
        pltpu.VMEM((OSL,), jnp.int32),
        pltpu.VMEM((OSL,), jnp.int32),
        pltpu.VMEM((OSL,), jnp.int32),
        pltpu.VMEM((PW // 128, 128), jnp.int32),
        pltpu.VMEM((PW,), jnp.float32),
        pltpu.VMEM_SHARED((NW * 256,), jnp.int32),
        pltpu.VMEM_SHARED((NW * CCAP,), jnp.int32),
        pltpu.VMEM_SHARED((NW * CCAP,), jnp.int32),
        pltpu.VMEM_SHARED((NW * CCAP,), jnp.int32),
        pltpu.VMEM_SHARED((NW * SELCAP,), jnp.int32),
        pltpu.VMEM_SHARED((NW * SELCAP,), jnp.float32),
        pltpu.VMEM_SHARED((NW * SELCAP,), jnp.int32),
        pltpu.VMEM_SHARED((NW * SELCAP,), jnp.int32),
        pltpu.VMEM_SHARED((NW * SELCAP,), jnp.int32),
        pltpu.SemaphoreType.DMA,
    ],
)


def kernel(boxes3D, classification, poses, confidence):
    scores = jnp.concatenate(
        [classification.reshape(-1),
         jnp.zeros((NPAD - NFLAT,), jnp.float32)])
    poses_flat = poses.reshape(-1)
    oscore, olabel, oposes, obox = _topk_sc(scores, poses_flat)
    return (oscore[:K], olabel[:K],
            oposes[: K * 12].reshape(K, 12), obox[:K])

# --- scband reference (transcript-rebuilt; emitter-appended) ---
"""Pipeline reference for scband-filter-detections-6992206758510 (READ-ONLY COPY).

The authoritative reference and input builder live on the scoring server;
editing this copy changes nothing except your own understanding.
"""

import jax, jax.numpy as jnp
import numpy as np

SCORE_THRESHOLD = 0.5
MAX_DETECTIONS = 300
NUM_CLASSES = 15
NUM_BOXES = 5000


def setup_inputs(seed: int = 0) -> dict:
    key = jax.random.key(seed)
    k1, k2, k3, k4 = jax.random.split(key, 4)
    boxes3D = jax.random.uniform(k1, (NUM_BOXES, NUM_CLASSES, 16), dtype=jnp.float32) * 512.0
    classification = jax.random.uniform(k2, (NUM_BOXES, NUM_CLASSES), dtype=jnp.float32)
    poses = jax.random.normal(k3, (NUM_BOXES, NUM_CLASSES, 12), dtype=jnp.float32)
    confidence = jax.random.uniform(k4, (NUM_BOXES, NUM_CLASSES), dtype=jnp.float32)
    return {"boxes3D": boxes3D, "classification": classification, "poses": poses, "confidence": confidence}


def reference(boxes3D, classification, poses, confidence):
    # Per-class score thresholding (the original loops classes and uses tf.where on
    # scores > score_threshold). In JAX we implement the same selection with a mask
    # so shapes stay static, then take the global top-k exactly like the original
    # tf.math.top_k over the concatenated per-class survivors, padding with -1.
    N, C = classification.shape
    scores_flat = classification.reshape(-1)  # [N*C], class-major within each box row
    valid = scores_flat > SCORE_THRESHOLD
    masked_scores = jnp.where(valid, scores_flat, -jnp.inf)
    top_scores, top_idx = jax.lax.top_k(masked_scores, MAX_DETECTIONS)
    box_idx = top_idx // C
    cls_idx = top_idx % C
    valid_top = top_scores > SCORE_THRESHOLD
    # gather per-detection pose for the winning (box, class) pair
    poses_out = poses[box_idx, cls_idx]  # [max_detections, 12]
    # pad entries below threshold with -1 (original pads short result with -1)
    scores_out = jnp.where(valid_top, top_scores, -1.0)
    labels_out = jnp.where(valid_top, cls_idx, -1).astype(jnp.int32)
    poses_out = jnp.where(valid_top[:, None], poses_out, -1.0)
    indices_out = jnp.where(valid_top, box_idx, -1).astype(jnp.int32)
    return scores_out, labels_out, poses_out, indices_out

if __name__ == "__main__":
    import jax
    _d = setup_inputs()
    print(jax.jit(kernel)(*tuple(_d.values())))

</pallas_src>

<mosaic_0001>
#map = affine_map<(d0, d1) -> (0)>
module attributes {stable_mosaic.version = 14 : i64} {
  func.func @_body(%arg0: i32, %arg1: i32, %arg2: memref<75264xf32, #tpu.memory_space<hbm>>, %arg3: memref<900000xf32, #tpu.memory_space<hbm>>, %arg4: memref<512xf32, #tpu.memory_space<hbm>>, %arg5: memref<512xi32, #tpu.memory_space<hbm>>, %arg6: memref<6144xf32, #tpu.memory_space<hbm>>, %arg7: memref<512xi32, #tpu.memory_space<hbm>>, %arg8: memref<4704xf32, #tpu.memory_space<vmem>>, %arg9: memref<4704xi32, #tpu.memory_space<vmem>>, %arg10: memref<4096xi32, #tpu.memory_space<vmem>>, %arg11: memref<256xi32, #tpu.memory_space<vmem>>, %arg12: memref<4096xi32, #tpu.memory_space<vmem>>, %arg13: memref<128xi32, #tpu.memory_space<vmem>>, %arg14: memref<128xi32, #tpu.memory_space<vmem>>, %arg15: memref<2048xi32, #tpu.memory_space<vmem>>, %arg16: memref<2048xi32, #tpu.memory_space<vmem>>, %arg17: memref<2048xi32, #tpu.memory_space<vmem>>, %arg18: memref<128xi32, #tpu.memory_space<vmem>>, %arg19: memref<1024xi32, #tpu.memory_space<vmem>>, %arg20: memref<1024xi32, #tpu.memory_space<vmem>>, %arg21: memref<128xi32, #tpu.memory_space<vmem>>, %arg22: memref<128xf32, #tpu.memory_space<vmem>>, %arg23: memref<128xi32, #tpu.memory_space<vmem>>, %arg24: memref<128xi32, #tpu.memory_space<vmem>>, %arg25: memref<128xi32, #tpu.memory_space<vmem>>, %arg26: memref<2048xi32, #tpu.memory_space<vmem>>, %arg27: memref<2048xf32, #tpu.memory_space<vmem>>, %arg28: memref<2048xi32, #tpu.memory_space<vmem>>, %arg29: memref<2048xi32, #tpu.memory_space<vmem>>, %arg30: memref<2048xi32, #tpu.memory_space<vmem>>, %arg31: memref<32xf32, #tpu.memory_space<vmem>>, %arg32: memref<32xi32, #tpu.memory_space<vmem>>, %arg33: memref<32xi32, #tpu.memory_space<vmem>>, %arg34: memref<32xi32, #tpu.memory_space<vmem>>, %arg35: memref<3x128xi32, #tpu.memory_space<vmem>>, %arg36: memref<384xf32, #tpu.memory_space<vmem>>, %arg37: memref<4096xi32, #tpu.memory_space<vmem_shared>>, %arg38: memref<2048xi32, #tpu.memory_space<vmem_shared>>, %arg39: memref<2048xi32, #tpu.memory_space<vmem_shared>>, %arg40: memref<2048xi32, #tpu.memory_space<vmem_shared>>, %arg41: memref<2048xi32, #tpu.memory_space<vmem_shared>>, %arg42: memref<2048xf32, #tpu.memory_space<vmem_shared>>, %arg43: memref<2048xi32, #tpu.memory_space<vmem_shared>>, %arg44: memref<2048xi32, #tpu.memory_space<vmem_shared>>, %arg45: memref<2048xi32, #tpu.memory_space<vmem_shared>>, %arg46: memref<!tpu.dma_semaphore, #tpu.memory_space<semaphore_mem>>) attributes {dimension_semantics = [#tpu.dimension_semantics<core_parallel>, #tpu.dimension_semantics<subcore_parallel>], iteration_bounds = array<i64: 1, 16>, scalar_prefetch = 0 : i64, scratch_operands = 39 : i64, tpu.core_type = #tpu.core_type<sc_vector_subcore>, window_params = [{transform_indices = #map}, {transform_indices = #map}, {transform_indices = #map}, {transform_indices = #map}, {transform_indices = #map}, {transform_indices = #map}]} {
    %iota3A = tpu.iota {dimensions = array<i32: 0>} : vector<16xi32>
    %mul3A = arith.constant 4704 : i32
    %mul3A_0 = arith.muli %arg1, %mul3A : i32
    %broadcast_in_dim3A = arith.constant 300 : i32
    %broadcast_in_dim3A_1 = vector.broadcast %broadcast_in_dim3A : i32 to vector<16xi32>
    %broadcast_in_dim3A_2 = arith.constant 0 : i32
    %broadcast_in_dim3A_3 = vector.broadcast %broadcast_in_dim3A_2 : i32 to vector<16xi32>
    "tpu.region"() ({
      %run_scoped3A = tpu.sem_alloc : memref<!tpu.dma_semaphore, #tpu.memory_space<semaphore_mem>>
      %dma_start3A_1715 = tpu.memref_slice %arg2[%mul3A_0] : memref<75264xf32, #tpu.memory_space<hbm>> -> memref<4704xf32, #tpu.memory_space<hbm>>
      %dma_start3A_1716 = tpu.memref_slice %arg2[%mul3A_0] : memref<75264xf32, #tpu.memory_space<hbm>> -> memref<4704xf32, #tpu.memory_space<hbm>>
      tpu.enqueue_dma source(%dma_start3A_1716 : memref<4704xf32, #tpu.memory_space<hbm>>) target(%arg8 : memref<4704xf32, #tpu.memory_space<vmem>>) target_semaphore(%run_scoped3A : memref<!tpu.dma_semaphore, #tpu.memory_space<semaphore_mem>>)
      %dma_wait3A_1717 = tpu.memref_slice %arg2[%mul3A_0] : memref<75264xf32, #tpu.memory_space<hbm>> -> memref<4704xf32, #tpu.memory_space<hbm>>
      %dma_wait3A_1718 = tpu.memref_slice %arg2[%mul3A_0] : memref<75264xf32, #tpu.memory_space<hbm>> -> memref<4704xf32, #tpu.memory_space<hbm>>
      tpu.wait_dma2 semaphore(%run_scoped3A : memref<!tpu.dma_semaphore, #tpu.memory_space<semaphore_mem>>) src(%dma_wait3A_1718 : memref<4704xf32, #tpu.memory_space<hbm>>) dst(%arg8 : memref<4704xf32, #tpu.memory_space<vmem>>)
      tpu.yield
    }) : () -> ()
    %scan3A = arith.constant 0 : i32
    %scan3A_4 = arith.constant 0 : i32
    %scan3A_5 = arith.constant 256 : i32
    %scan3A_6 = arith.addi %scan3A_4, %scan3A_5 : i32
    %scan3A_7 = arith.constant 1 : i32
    %scan3A_8 = scf.for %scan3A_1715 = %scan3A_4 to %scan3A_6 step %scan3A_7 iter_args(%scan3A_1716 = %scan3A) -> (i32)  : i32 {
      %mul3A_1717 = arith.constant 16 : i32
      %mul3A_1718 = arith.muli %scan3A_1715, %mul3A_1717 : i32
      %swap3A_1719 = arith.index_cast %mul3A_1718 : i32 to index
      %swap3A_1720 = tpu.vector_load %arg10[%swap3A_1719] {strides = array<i32>} : memref<4096xi32, #tpu.memory_space<vmem>>, vector<16xi32>,
      tpu.vector_store %arg10[%swap3A_1719], %broadcast_in_dim3A_3 {strides = array<i32>} : memref<4096xi32, #tpu.memory_space<vmem>>, vector<16xi32>,
      %scan3A_1721 = arith.constant 0 : i32
      scf.yield %scan3A_1721 : i32
    }
    %scan3A_9 = arith.constant 256 : i32
    %broadcast_in_dim3A_10 = arith.constant 1 : i32
    %broadcast_in_dim3A_11 = vector.broadcast %broadcast_in_dim3A_10 : i32 to vector<16xi32>
    %mul3A_12 = arith.constant 256 : i32
    %mul3A_13 = vector.broadcast %mul3A_12 : i32 to vector<16xi32>
    %mul3A_14 = arith.muli %iota3A, %mul3A_13 : vector<16xi32>
    %scan3A_15 = arith.constant 0 : i32
    %scan3A_16 = arith.constant 0 : i32
    %scan3A_17 = arith.constant 294 : i32
    %scan3A_18 = arith.addi %scan3A_16, %scan3A_17 : i32
    %scan3A_19 = arith.constant 1 : i32
    %scan3A_20 = scf.for %scan3A_1715 = %scan3A_16 to %scan3A_18 step %scan3A_19 iter_args(%scan3A_1716 = %scan3A_15) -> (i32)  : i32 {
      %mul3A_1717 = arith.constant 16 : i32
      %mul3A_1718 = arith.muli %scan3A_1715, %mul3A_1717 : i32
      %get3A_1719 = arith.index_cast %mul3A_1718 : i32 to index
      %get3A_1720 = tpu.vector_load %arg8[%get3A_1719] {strides = array<i32>} : memref<4704xf32, #tpu.memory_space<vmem>>, vector<16xf32>,
      %bitcast_convert_type3A_1721 = tpu.bitcast %get3A_1720 : vector<16xf32> -> vector<16xi32>
      %gt3A_1722 = arith.constant 5.000000e-01 : f32
      %gt3A_1723 = vector.broadcast %gt3A_1722 : f32 to vector<16xf32>
      %gt3A_1724 = arith.cmpf ogt, %get3A_1720, %gt3A_1723 : vector<16xf32>
      %sub3A_1725 = arith.constant 1056964608 : i32
      %sub3A_1726 = vector.broadcast %sub3A_1725 : i32 to vector<16xi32>
      %sub3A_1727 = arith.subi %bitcast_convert_type3A_1721, %sub3A_1726 : vector<16xi32>
      %jit3A_1728 = arith.constant 1 : i32
      %jit3A_1729 = arith.constant 8388607 : i32
      %max3A_1730 = vector.broadcast %jit3A_1728 : i32 to vector<16xi32>
      %max3A_1731 = arith.maxsi %max3A_1730, %sub3A_1727 : vector<16xi32>
      %min3A_1732 = vector.broadcast %jit3A_1729 : i32 to vector<16xi32>
      %min3A_1733 = arith.minsi %min3A_1732, %max3A_1731 : vector<16xi32>
      %jit3A_1734 = arith.constant 0 : i32
      %broadcast_in_dim3A_1735 = vector.broadcast %jit3A_1734 : i32 to vector<16xi32>
      %select_n3A_1736 = arith.select %gt3A_1724, %min3A_1733, %broadcast_in_dim3A_1735 : vector<16xi1>, vector<16xi32>
      %mul3A_1737 = arith.constant 16 : i32
      %mul3A_1738 = arith.muli %scan3A_1715, %mul3A_1737 : i32
      %swap3A_1739 = arith.index_cast %mul3A_1738 : i32 to index
      %swap3A_1740 = tpu.vector_load %arg9[%swap3A_1739] {strides = array<i32>} : memref<4704xi32, #tpu.memory_space<vmem>>, vector<16xi32>,
      tpu.vector_store %arg9[%swap3A_1739], %select_n3A_1736 {strides = array<i32>} : memref<4704xi32, #tpu.memory_space<vmem>>, vector<16xi32>,
      %shift_right_arithmetic3A = arith.constant 15 : i32
      %shift_right_arithmetic3A_1741 = vector.broadcast %shift_right_arithmetic3A : i32 to vector<16xi32>
      %shift_right_arithmetic3A_1742 = arith.shrsi %select_n3A_1736, %shift_right_arithmetic3A_1741 : vector<16xi32>
      %add3A_1743 = arith.addi %mul3A_14, %shift_right_arithmetic3A_1742 : vector<16xi32>
      %gt3A_1744 = arith.constant 0 : i32
      %gt3A_1745 = vector.broadcast %gt3A_1744 : i32 to vector<16xi32>
      %gt3A_1746 = arith.cmpi sgt, %select_n3A_1736, %gt3A_1745 : vector<16xi32>
      tpu.vector_store_idx %arg10[%add3A_1743], %broadcast_in_dim3A_11 masked %gt3A_1746 {add = true} : memref<4096xi32, #tpu.memory_space<vmem>>[vector<16xi32>], vector<16xi32>, vector<16xi1>
      %scan3A_1747 = arith.constant 0 : i32
      scf.yield %scan3A_1747 : i32
    }
    %scan3A_21 = arith.constant 294 : i32
    %broadcast_in_dim3A_22 = arith.constant 0 : i32
    %broadcast_in_dim3A_23 = vector.broadcast %broadcast_in_dim3A_22 : i32 to vector<16xi32>
    %scan3A_24 = arith.constant 0 : i32
    %scan3A_25 = arith.constant 0 : i32
    %scan3A_26 = arith.constant 16 : i32
    %scan3A_27 = arith.addi %scan3A_25, %scan3A_26 : i32
    %scan3A_28 = arith.constant 1 : i32
    %scan3A_29 = scf.for %scan3A_1715 = %scan3A_25 to %scan3A_27 step %scan3A_28 iter_args(%scan3A_1716 = %scan3A_24) -> (i32)  : i32 {
      %mul3A_1717 = arith.constant 16 : i32
      %mul3A_1718 = arith.muli %scan3A_1715, %mul3A_1717 : i32
      %add3A_1719 = arith.constant 0 : i32
      %add3A_1720 = arith.addi %add3A_1719, %mul3A_1718 : i32
      %get3A_1721 = arith.index_cast %add3A_1720 : i32 to index
      %get3A_1722 = tpu.vector_load %arg10[%get3A_1721] {strides = array<i32>} : memref<4096xi32, #tpu.memory_space<vmem>>, vector<16xi32>,
      %add3A_1723 = arith.addi %broadcast_in_dim3A_23, %get3A_1722 : vector<16xi32>
      %mul3A_1724 = arith.constant 16 : i32
      %mul3A_1725 = arith.muli %scan3A_1715, %mul3A_1724 : i32
      %add3A_1726 = arith.constant 256 : i32
      %add3A_1727 = arith.addi %add3A_1726, %mul3A_1725 : i32
      %get3A_1728 = arith.index_cast %add3A_1727 : i32 to index
      %get3A_1729 = tpu.vector_load %arg10[%get3A_1728] {strides = array<i32>} : memref<4096xi32, #tpu.memory_space<vmem>>, vector<16xi32>,
      %add3A_1730 = arith.addi %add3A_1723, %get3A_1729 : vector<16xi32>
      %mul3A_1731 = arith.constant 16 : i32
      %mul3A_1732 = arith.muli %scan3A_1715, %mul3A_1731 : i32
      %add3A_1733 = arith.constant 512 : i32
      %add3A_1734 = arith.addi %add3A_1733, %mul3A_1732 : i32
      %get3A_1735 = arith.index_cast %add3A_1734 : i32 to index
      %get3A_1736 = tpu.vector_load %arg10[%get3A_1735] {strides = array<i32>} : memref<4096xi32, #tpu.memory_space<vmem>>, vector<16xi32>,
      %add3A_1737 = arith.addi %add3A_1730, %get3A_1736 : vector<16xi32>
      %mul3A_1738 = arith.constant 16 : i32
      %mul3A_1739 = arith.muli %scan3A_1715, %mul3A_1738 : i32
      %add3A_1740 = arith.constant 768 : i32
      %add3A_1741 = arith.addi %add3A_1740, %mul3A_1739 : i32
      %get3A_1742 = arith.index_cast %add3A_1741 : i32 to index
      %get3A_1743 = tpu.vector_load %arg10[%get3A_1742] {strides = array<i32>} : memref<4096xi32, #tpu.memory_space<vmem>>, vector<16xi32>,
      %add3A_1744 = arith.addi %add3A_1737, %get3A_1743 : vector<16xi32>
      %mul3A_1745 = arith.constant 16 : i32
      %mul3A_1746 = arith.muli %scan3A_1715, %mul3A_1745 : i32
      %add3A_1747 = arith.constant 1024 : i32
      %add3A_1748 = arith.addi %add3A_1747, %mul3A_1746 : i32
      %get3A_1749 = arith.index_cast %add3A_1748 : i32 to index
      %get3A_1750 = tpu.vector_load %arg10[%get3A_1749] {strides = array<i32>} : memref<4096xi32, #tpu.memory_space<vmem>>, vector<16xi32>,
      %add3A_1751 = arith.addi %add3A_1744, %get3A_1750 : vector<16xi32>
      %mul3A_1752 = arith.constant 16 : i32
      %mul3A_1753 = arith.muli %scan3A_1715, %mul3A_1752 : i32
      %add3A_1754 = arith.constant 1280 : i32
      %add3A_1755 = arith.addi %add3A_1754, %mul3A_1753 : i32
      %get3A_1756 = arith.index_cast %add3A_1755 : i32 to index
      %get3A_1757 = tpu.vector_load %arg10[%get3A_1756] {strides = array<i32>} : memref<4096xi32, #tpu.memory_space<vmem>>, vector<16xi32>,
      %add3A_1758 = arith.addi %add3A_1751, %get3A_1757 : vector<16xi32>
      %mul3A_1759 = arith.constant 16 : i32
      %mul3A_1760 = arith.muli %scan3A_1715, %mul3A_1759 : i32
      %add3A_1761 = arith.constant 1536 : i32
      %add3A_1762 = arith.addi %add3A_1761, %mul3A_1760 : i32
      %get3A_1763 = arith.index_cast %add3A_1762 : i32 to index
      %get3A_1764 = tpu.vector_load %arg10[%get3A_1763] {strides = array<i32>} : memref<4096xi32, #tpu.memory_space<vmem>>, vector<16xi32>,
      %add3A_1765 = arith.addi %add3A_1758, %get3A_1764 : vector<16xi32>
      %mul3A_1766 = arith.constant 16 : i32
      %mul3A_1767 = arith.muli %scan3A_1715, %mul3A_1766 : i32
      %add3A_1768 = arith.constant 1792 : i32
      %add3A_1769 = arith.addi %add3A_1768, %mul3A_1767 : i32
      %get3A_1770 = arith.index_cast %add3A_1769 : i32 to index
      %get3A_1771 = tpu.vector_load %arg10[%get3A_1770] {strides = array<i32>} : memref<4096xi32, #tpu.memory_space<vmem>>, vector<16xi32>,
      %add3A_1772 = arith.addi %add3A_1765, %get3A_1771 : vector<16xi32>
      %mul3A_1773 = arith.constant 16 : i32
      %mul3A_1774 = arith.muli %scan3A_1715, %mul3A_1773 : i32
      %add3A_1775 = arith.constant 2048 : i32
      %add3A_1776 = arith.addi %add3A_1775, %mul3A_1774 : i32
      %get3A_1777 = arith.index_cast %add3A_1776 : i32 to index
      %get3A_1778 = tpu.vector_load %arg10[%get3A_1777] {strides = array<i32>} : memref<4096xi32, #tpu.memory_space<vmem>>, vector<16xi32>,
      %add3A_1779 = arith.addi %add3A_1772, %get3A_1778 : vector<16xi32>
      %mul3A_1780 = arith.constant 16 : i32
      %mul3A_1781 = arith.muli %scan3A_1715, %mul3A_1780 : i32
      %add3A_1782 = arith.constant 2304 : i32
      %add3A_1783 = arith.addi %add3A_1782, %mul3A_1781 : i32
      %get3A_1784 = arith.index_cast %add3A_1783 : i32 to index
      %get3A_1785 = tpu.vector_load %arg10[%get3A_1784] {strides = array<i32>} : memref<4096xi32, #tpu.memory_space<vmem>>, vector<16xi32>,
      %add3A_1786 = arith.addi %add3A_1779, %get3A_1785 : vector<16xi32>
      %mul3A_1787 = arith.constant 16 : i32
      %mul3A_1788 = arith.muli %scan3A_1715, %mul3A_1787 : i32
      %add3A_1789 = arith.constant 2560 : i32
      %add3A_1790 = arith.addi %add3A_1789, %mul3A_1788 : i32
      %get3A_1791 = arith.index_cast %add3A_1790 : i32 to index
      %get3A_1792 = tpu.vector_load %arg10[%get3A_1791] {strides = array<i32>} : memref<4096xi32, #tpu.memory_space<vmem>>, vector<16xi32>,
      %add3A_1793 = arith.addi %add3A_1786, %get3A_1792 : vector<16xi32>
      %mul3A_1794 = arith.constant 16 : i32
      %mul3A_1795 = arith.muli %scan3A_1715, %mul3A_1794 : i32
      %add3A_1796 = arith.constant 2816 : i32
      %add3A_1797 = arith.addi %add3A_1796, %mul3A_1795 : i32
      %get3A_1798 = arith.index_cast %add3A_1797 : i32 to index
      %get3A_1799 = tpu.vector_load %arg10[%get3A_1798] {strides = array<i32>} : memref<4096xi32, #tpu.memory_space<vmem>>, vector<16xi32>,
      %add3A_1800 = arith.addi %add3A_1793, %get3A_1799 : vector<16xi32>
      %mul3A_1801 = arith.constant 16 : i32
      %mul3A_1802 = arith.muli %scan3A_1715, %mul3A_1801 : i32
      %add3A_1803 = arith.constant 3072 : i32
      %add3A_1804 = arith.addi %add3A_1803, %mul3A_1802 : i32
      %get3A_1805 = arith.index_cast %add3A_1804 : i32 to index
      %get3A_1806 = tpu.vector_load %arg10[%get3A_1805] {strides = array<i32>} : memref<4096xi32, #tpu.memory_space<vmem>>, vector<16xi32>,
      %add3A_1807 = arith.addi %add3A_1800, %get3A_1806 : vector<16xi32>
      %mul3A_1808 = arith.constant 16 : i32
      %mul3A_1809 = arith.muli %scan3A_1715, %mul3A_1808 : i32
      %add3A_1810 = arith.constant 3328 : i32
      %add3A_1811 = arith.addi %add3A_1810, %mul3A_1809 : i32
      %get3A_1812 = arith.index_cast %add3A_1811 : i32 to index
      %get3A_1813 = tpu.vector_load %arg10[%get3A_1812] {strides = array<i32>} : memref<4096xi32, #tpu.memory_space<vmem>>, vector<16xi32>,
      %add3A_1814 = arith.addi %add3A_1807, %get3A_1813 : vector<16xi32>
      %mul3A_1815 = arith.constant 16 : i32
      %mul3A_1816 = arith.muli %scan3A_1715, %mul3A_1815 : i32
      %add3A_1817 = arith.constant 3584 : i32
      %add3A_1818 = arith.addi %add3A_1817, %mul3A_1816 : i32
      %get3A_1819 = arith.index_cast %add3A_1818 : i32 to index
      %get3A_1820 = tpu.vector_load %arg10[%get3A_1819] {strides = array<i32>} : memref<4096xi32, #tpu.memory_space<vmem>>, vector<16xi32>,
      %add3A_1821 = arith.addi %add3A_1814, %get3A_1820 : vector<16xi32>
      %mul3A_1822 = arith.constant 16 : i32
      %mul3A_1823 = arith.muli %scan3A_1715, %mul3A_1822 : i32
      %add3A_1824 = arith.constant 3840 : i32
      %add3A_1825 = arith.addi %add3A_1824, %mul3A_1823 : i32
      %get3A_1826 = arith.index_cast %add3A_1825 : i32 to index
      %get3A_1827 = tpu.vector_load %arg10[%get3A_1826] {strides = array<i32>} : memref<4096xi32, #tpu.memory_space<vmem>>, vector<16xi32>,
      %add3A_1828 = arith.addi %add3A_1821, %get3A_1827 : vector<16xi32>
      %mul3A_1829 = arith.constant 16 : i32
      %mul3A_1830 = arith.muli %scan3A_1715, %mul3A_1829 : i32
      %swap3A_1831 = arith.index_cast %mul3A_1830 : i32 to index
      %swap3A_1832 = tpu.vector_load %arg11[%swap3A_1831] {strides = array<i32>} : memref<256xi32, #tpu.memory_space<vmem>>, vector<16xi32>,
      tpu.vector_store %arg11[%swap3A_1831], %add3A_1828 {strides = array<i32>} : memref<256xi32, #tpu.memory_space<vmem>>, vector<16xi32>,
      %scan3A_1833 = arith.constant 0 : i32
      scf.yield %scan3A_1833 : i32
    }
    %scan3A_30 = arith.constant 16 : i32
    %mul3A_31 = arith.constant 256 : i32
    %mul3A_32 = arith.muli %arg1, %mul3A_31 : i32
    "tpu.region"() ({
      %run_scoped3A = tpu.sem_alloc : memref<!tpu.dma_semaphore, #tpu.memory_space<semaphore_mem>>
      %dma_start3A_1715 = tpu.memref_slice %arg37[%mul3A_32] : memref<4096xi32, #tpu.memory_space<vmem_shared>> -> memref<256xi32, #tpu.memory_space<vmem_shared>>
      %dma_start3A_1716 = tpu.memref_slice %arg37[%mul3A_32] : memref<4096xi32, #tpu.memory_space<vmem_shared>> -> memref<256xi32, #tpu.memory_space<vmem_shared>>
      tpu.enqueue_dma source(%arg11 : memref<256xi32, #tpu.memory_space<vmem>>) target(%dma_start3A_1716 : memref<256xi32, #tpu.memory_space<vmem_shared>>) target_semaphore(%run_scoped3A : memref<!tpu.dma_semaphore, #tpu.memory_space<semaphore_mem>>)
      %dma_wait3A_1717 = tpu.memref_slice %arg37[%mul3A_32] : memref<4096xi32, #tpu.memory_space<vmem_shared>> -> memref<256xi32, #tpu.memory_space<vmem_shared>>
      %dma_wait3A_1718 = tpu.memref_slice %arg37[%mul3A_32] : memref<4096xi32, #tpu.memory_space<vmem_shared>> -> memref<256xi32, #tpu.memory_space<vmem_shared>>
      tpu.wait_dma2 semaphore(%run_scoped3A : memref<!tpu.dma_semaphore, #tpu.memory_space<semaphore_mem>>) src(%arg11 : memref<256xi32, #tpu.memory_space<vmem>>) dst(%dma_wait3A_1718 : memref<256xi32, #tpu.memory_space<vmem_shared>>)
      tpu.yield
    }) : () -> ()
    %barrier3A = arith.constant 0 : index
    tpu.barrier barrier_id(%barrier3A)
    "tpu.region"() ({
      %run_scoped3A = tpu.sem_alloc : memref<!tpu.dma_semaphore, #tpu.memory_space<semaphore_mem>>
      tpu.enqueue_dma source(%arg37 : memref<4096xi32, #tpu.memory_space<vmem_shared>>) target(%arg12 : memref<4096xi32, #tpu.memory_space<vmem>>) target_semaphore(%run_scoped3A : memref<!tpu.dma_semaphore, #tpu.memory_space<semaphore_mem>>)
      tpu.wait_dma2 semaphore(%run_scoped3A : memref<!tpu.dma_semaphore, #tpu.memory_space<semaphore_mem>>) src(%arg37 : memref<4096xi32, #tpu.memory_space<vmem_shared>>) dst(%arg12 : memref<4096xi32, #tpu.memory_space<vmem>>)
      tpu.yield
    }) : () -> ()
    %broadcast_in_dim3A_33 = arith.constant 0 : i32
    %broadcast_in_dim3A_34 = vector.broadcast %broadcast_in_dim3A_33 : i32 to vector<16xi32>
    %scan3A_35 = arith.constant 0 : i32
    %scan3A_36 = arith.constant 16 : i32
    %scan3A_37 = arith.addi %scan3A_35, %scan3A_36 : i32
    %scan3A_38 = arith.constant 1 : i32
    %scan3A_39:3 = scf.for %scan3A_1715 = %scan3A_35 to %scan3A_37 step %scan3A_38 iter_args(%scan3A_1716 = %broadcast_in_dim3A_34, %scan3A_1717 = %broadcast_in_dim3A_34, %scan3A_1718 = %broadcast_in_dim3A_34) -> (vector<16xi32>, vector<16xi32>, vector<16xi32>)  : i32 {
      %sub3A_1719 = arith.constant 15 : i32
      %sub3A_1720 = arith.subi %sub3A_1719, %scan3A_1715 : i32
      %mul3A_1721 = arith.constant 16 : i32
      %mul3A_1722 = arith.muli %sub3A_1720, %mul3A_1721 : i32
      %add3A_1723 = arith.constant 0 : i32
      %add3A_1724 = arith.addi %add3A_1723, %mul3A_1722 : i32
      %get3A_1725 = arith.index_cast %add3A_1724 : i32 to index
      %get3A_1726 = tpu.vector_load %arg12[%get3A_1725] {strides = array<i32>} : memref<4096xi32, #tpu.memory_space<vmem>>, vector<16xi32>,
      %add3A_1727 = arith.addi %broadcast_in_dim3A_34, %get3A_1726 : vector<16xi32>
      %mul3A_1728 = arith.constant 16 : i32
      %mul3A_1729 = arith.muli %sub3A_1720, %mul3A_1728 : i32
      %add3A_1730 = arith.constant 256 : i32
      %add3A_1731 = arith.addi %add3A_1730, %mul3A_1729 : i32
      %get3A_1732 = arith.index_cast %add3A_1731 : i32 to index
      %get3A_1733 = tpu.vector_load %arg12[%get3A_1732] {strides = array<i32>} : memref<4096xi32, #tpu.memory_space<vmem>>, vector<16xi32>,
      %add3A_1734 = arith.addi %add3A_1727, %get3A_1733 : vector<16xi32>
      %mul3A_1735 = arith.constant 16 : i32
      %mul3A_1736 = arith.muli %sub3A_1720, %mul3A_1735 : i32
      %add3A_1737 = arith.constant 512 : i32
      %add3A_1738 = arith.addi %add3A_1737, %mul3A_1736 : i32
      %get3A_1739 = arith.index_cast %add3A_1738 : i32 to index
      %get3A_1740 = tpu.vector_load %arg12[%get3A_1739] {strides = array<i32>} : memref<4096xi32, #tpu.memory_space<vmem>>, vector<16xi32>,
      %add3A_1741 = arith.addi %add3A_1734, %get3A_1740 : vector<16xi32>
      %mul3A_1742 = arith.constant 16 : i32
      %mul3A_1743 = arith.muli %sub3A_1720, %mul3A_1742 : i32
      %add3A_1744 = arith.constant 768 : i32
      %add3A_1745 = arith.addi %add3A_1744, %mul3A_1743 : i32
      %get3A_1746 = arith.index_cast %add3A_1745 : i32 to index
      %get3A_1747 = tpu.vector_load %arg12[%get3A_1746] {strides = array<i32>} : memref<4096xi32, #tpu.memory_space<vmem>>, vector<16xi32>,
      %add3A_1748 = arith.addi %add3A_1741, %get3A_1747 : vector<16xi32>
      %mul3A_1749 = arith.constant 16 : i32
      %mul3A_1750 = arith.muli %sub3A_1720, %mul3A_1749 : i32
      %add3A_1751 = arith.constant 1024 : i32
      %add3A_1752 = arith.addi %add3A_1751, %mul3A_1750 : i32
      %get3A_1753 = arith.index_cast %add3A_1752 : i32 to index
      %get3A_1754 = tpu.vector_load %arg12[%get3A_1753] {strides = array<i32>} : memref<4096xi32, #tpu.memory_space<vmem>>, vector<16xi32>,
      %add3A_1755 = arith.addi %add3A_1748, %get3A_1754 : vector<16xi32>
      %mul3A_1756 = arith.constant 16 : i32
      %mul3A_1757 = arith.muli %sub3A_1720, %mul3A_1756 : i32
      %add3A_1758 = arith.constant 1280 : i32
      %add3A_1759 = arith.addi %add3A_1758, %mul3A_1757 : i32
      %get3A_1760 = arith.index_cast %add3A_1759 : i32 to index
      %get3A_1761 = tpu.vector_load %arg12[%get3A_1760] {strides = array<i32>} : memref<4096xi32, #tpu.memory_space<vmem>>, vector<16xi32>,
      %add3A_1762 = arith.addi %add3A_1755, %get3A_1761 : vector<16xi32>
      %mul3A_1763 = arith.constant 16 : i32
      %mul3A_1764 = arith.muli %sub3A_1720, %mul3A_1763 : i32
      %add3A_1765 = arith.constant 1536 : i32
      %add3A_1766 = arith.addi %add3A_1765, %mul3A_1764 : i32
      %get3A_1767 = arith.index_cast %add3A_1766 : i32 to index
      %get3A_1768 = tpu.vector_load %arg12[%get3A_1767] {strides = array<i32>} : memref<4096xi32, #tpu.memory_space<vmem>>, vector<16xi32>,
      %add3A_1769 = arith.addi %add3A_1762, %get3A_1768 : vector<16xi32>
      %mul3A_1770 = arith.constant 16 : i32
      %mul3A_1771 = arith.muli %sub3A_1720, %mul3A_1770 : i32
      %add3A_1772 = arith.constant 1792 : i32
      %add3A_1773 = arith.addi %add3A_1772, %mul3A_1771 : i32
      %get3A_1774 = arith.index_cast %add3A_1773 : i32 to index
      %get3A_1775 = tpu.vector_load %arg12[%get3A_1774] {strides = array<i32>} : memref<4096xi32, #tpu.memory_space<vmem>>, vector<16xi32>,
      %add3A_1776 = arith.addi %add3A_1769, %get3A_1775 : vector<16xi32>
      %mul3A_1777 = arith.constant 16 : i32
      %mul3A_1778 = arith.muli %sub3A_1720, %mul3A_1777 : i32
      %add3A_1779 = arith.constant 2048 : i32
      %add3A_1780 = arith.addi %add3A_1779, %mul3A_1778 : i32
      %get3A_1781 = arith.index_cast %add3A_1780 : i32 to index
      %get3A_1782 = tpu.vector_load %arg12[%get3A_1781] {strides = array<i32>} : memref<4096xi32, #tpu.memory_space<vmem>>, vector<16xi32>,
      %add3A_1783 = arith.addi %add3A_1776, %get3A_1782 : vector<16xi32>
      %mul3A_1784 = arith.constant 16 : i32
      %mul3A_1785 = arith.muli %sub3A_1720, %mul3A_1784 : i32
      %add3A_1786 = arith.constant 2304 : i32
      %add3A_1787 = arith.addi %add3A_1786, %mul3A_1785 : i32
      %get3A_1788 = arith.index_cast %add3A_1787 : i32 to index
      %get3A_1789 = tpu.vector_load %arg12[%get3A_1788] {strides = array<i32>} : memref<4096xi32, #tpu.memory_space<vmem>>, vector<16xi32>,
      %add3A_1790 = arith.addi %add3A_1783, %get3A_1789 : vector<16xi32>
      %mul3A_1791 = arith.constant 16 : i32
      %mul3A_1792 = arith.muli %sub3A_1720, %mul3A_1791 : i32
      %add3A_1793 = arith.constant 2560 : i32
      %add3A_1794 = arith.addi %add3A_1793, %mul3A_1792 : i32
      %get3A_1795 = arith.index_cast %add3A_1794 : i32 to index
      %get3A_1796 = tpu.vector_load %arg12[%get3A_1795] {strides = array<i32>} : memref<4096xi32, #tpu.memory_space<vmem>>, vector<16xi32>,
      %add3A_1797 = arith.addi %add3A_1790, %get3A_1796 : vector<16xi32>
      %mul3A_1798 = arith.constant 16 : i32
      %mul3A_1799 = arith.muli %sub3A_1720, %mul3A_1798 : i32
      %add3A_1800 = arith.constant 2816 : i32
      %add3A_1801 = arith.addi %add3A_1800, %mul3A_1799 : i32
      %get3A_1802 = arith.index_cast %add3A_1801 : i32 to index
      %get3A_1803 = tpu.vector_load %arg12[%get3A_1802] {strides = array<i32>} : memref<4096xi32, #tpu.memory_space<vmem>>, vector<16xi32>,
      %add3A_1804 = arith.addi %add3A_1797, %get3A_1803 : vector<16xi32>
      %mul3A_1805 = arith.constant 16 : i32
      %mul3A_1806 = arith.muli %sub3A_1720, %mul3A_1805 : i32
      %add3A_1807 = arith.constant 3072 : i32
      %add3A_1808 = arith.addi %add3A_1807, %mul3A_1806 : i32
      %get3A_1809 = arith.index_cast %add3A_1808 : i32 to index
      %get3A_1810 = tpu.vector_load %arg12[%get3A_1809] {strides = array<i32>} : memref<4096xi32, #tpu.memory_space<vmem>>, vector<16xi32>,
      %add3A_1811 = arith.addi %add3A_1804, %get3A_1810 : vector<16xi32>
      %mul3A_1812 = arith.constant 16 : i32
      %mul3A_1813 = arith.muli %sub3A_1720, %mul3A_1812 : i32
      %add3A_1814 = arith.constant 3328 : i32
      %add3A_1815 = arith.addi %add3A_1814, %mul3A_1813 : i32
      %get3A_1816 = arith.index_cast %add3A_1815 : i32 to index
      %get3A_1817 = tpu.vector_load %arg12[%get3A_1816] {strides = array<i32>} : memref<4096xi32, #tpu.memory_space<vmem>>, vector<16xi32>,
      %add3A_1818 = arith.addi %add3A_1811, %get3A_1817 : vector<16xi32>
      %mul3A_1819 = arith.constant 16 : i32
      %mul3A_1820 = arith.muli %sub3A_1720, %mul3A_1819 : i32
      %add3A_1821 = arith.constant 3584 : i32
      %add3A_1822 = arith.addi %add3A_1821, %mul3A_1820 : i32
      %get3A_1823 = arith.index_cast %add3A_1822 : i32 to index
      %get3A_1824 = tpu.vector_load %arg12[%get3A_1823] {strides = array<i32>} : memref<4096xi32, #tpu.memory_space<vmem>>, vector<16xi32>,
      %add3A_1825 = arith.addi %add3A_1818, %get3A_1824 : vector<16xi32>
      %mul3A_1826 = arith.constant 16 : i32
      %mul3A_1827 = arith.muli %sub3A_1720, %mul3A_1826 : i32
      %add3A_1828 = arith.constant 3840 : i32
      %add3A_1829 = arith.addi %add3A_1828, %mul3A_1827 : i32
      %get3A_1830 = arith.index_cast %add3A_1829 : i32 to index
      %get3A_1831 = tpu.vector_load %arg12[%get3A_1830] {strides = array<i32>} : memref<4096xi32, #tpu.memory_space<vmem>>, vector<16xi32>,
      %add3A_1832 = arith.addi %add3A_1825, %get3A_1831 : vector<16xi32>
      %rev3A = arith.constant 15 : i32
      %rev3A_1833 = vector.broadcast %rev3A : i32 to vector<16xi32>
      %rev3A_1834 = tpu.iota {dimensions = array<i32: 0>} : vector<16xi32>
      %rev3A_1835 = arith.subi %rev3A_1833, %rev3A_1834 : vector<16xi32>
      %rev3A_1836 = tpu.dynamic_gather %add3A_1832[%rev3A_1835] in [0] : vector<16xi32>, vector<16xi32> -> vector<16xi32>
      %broadcast_in_dim3A_1837 = arith.constant true
      %broadcast_in_dim3A_1838 = vector.broadcast %broadcast_in_dim3A_1837 : i1 to vector<16xi1>
      %masked_cumsum3A = tpu.scan <sum>, %rev3A_1836 masked %broadcast_in_dim3A_1838 : vector<16xi32>, vector<16xi1> -> vector<16xi32>
      %rev3A_1839 = arith.constant 15 : i32
      %rev3A_1840 = vector.broadcast %rev3A_1839 : i32 to vector<16xi32>
      %rev3A_1841 = tpu.iota {dimensions = array<i32: 0>} : vector<16xi32>
      %rev3A_1842 = arith.subi %rev3A_1840, %rev3A_1841 : vector<16xi32>
      %rev3A_1843 = tpu.dynamic_gather %masked_cumsum3A[%rev3A_1842] in [0] : vector<16xi32>, vector<16xi32> -> vector<16xi32>
      %add3A_1844 = arith.addi %rev3A_1843, %scan3A_1716 : vector<16xi32>
      %sub3A_1845 = arith.subi %add3A_1844, %add3A_1832 : vector<16xi32>
      %ge3A = arith.cmpi sge, %sub3A_1845, %broadcast_in_dim3A_1 : vector<16xi32>
      %all_reduce_population_count3A_1846 = tpu.all_reduce %ge3A {dim = 0 : i64, kind = #tpu.reduction_kind<sum>} : vector<16xi1> -> vector<16xi32>
      %add3A_1847 = arith.addi %scan3A_1717, %all_reduce_population_count3A_1846 : vector<16xi32>
      %jit3A_1848 = arith.constant 0 : i32
      %broadcast_in_dim3A_1849 = vector.broadcast %jit3A_1848 : i32 to vector<16xi32>
      %select_n3A_1850 = arith.select %ge3A, %broadcast_in_dim3A_1849, %sub3A_1845 : vector<16xi1>, vector<16xi32>
      %max3A_1851 = arith.maxsi %scan3A_1718, %select_n3A_1850 : vector<16xi32>
      %reduce_max3A_1852 = arith.constant true
      %reduce_max3A_1853 = vector.broadcast %reduce_max3A_1852 : i1 to vector<16xi1>
      %reduce_max3A_1854 = arith.constant -2147483648 : i32
      %reduce_max3A_1855 = vector.broadcast %reduce_max3A_1854 : i32 to vector<16xi32>
      %reduce_max3A_1856 = arith.xori %masked_cumsum3A, %reduce_max3A_1855 : vector<16xi32>
      %reduce_max3A_1857 = tpu.scan <max>, %reduce_max3A_1856 masked %reduce_max3A_1853 : vector<16xi32>, vector<16xi1> -> vector<16xi32>
      %reduce_max3A_1858 = arith.xori %reduce_max3A_1857, %reduce_max3A_1855 : vector<16xi32>
      %reduce_max3A_1859 = vector.extract %reduce_max3A_1858[15] : i32 from vector<16xi32>
      %add3A_1860 = vector.broadcast %reduce_max3A_1859 : i32 to vector<16xi32>
      %add3A_1861 = arith.addi %scan3A_1716, %add3A_1860 : vector<16xi32>
      scf.yield %add3A_1861, %add3A_1847, %max3A_1851 : vector<16xi32>, vector<16xi32>, vector<16xi32>
    }
    %scan3A_40 = arith.constant 16 : i32
    %shift_left3A = arith.constant 15 : i32
    %shift_left3A_41 = vector.broadcast %shift_left3A : i32 to vector<16xi32>
    %shift_left3A_42 = arith.shli %scan3A_39#1, %shift_left3A_41 : vector<16xi32>
    %max3A = arith.constant 1 : i32
    %max3A_43 = vector.broadcast %max3A : i32 to vector<16xi32>
    %max3A_44 = arith.maxsi %shift_left3A_42, %max3A_43 : vector<16xi32>
    %scan3A_45 = arith.constant 0 : i32
    %scan3A_46 = arith.constant 0 : i32
    %scan3A_47 = arith.constant 8 : i32
    %scan3A_48 = arith.addi %scan3A_46, %scan3A_47 : i32
    %scan3A_49 = arith.constant 1 : i32
    %scan3A_50 = scf.for %scan3A_1715 = %scan3A_46 to %scan3A_48 step %scan3A_49 iter_args(%scan3A_1716 = %scan3A_45) -> (i32)  : i32 {
      %mul3A_1717 = arith.constant 16 : i32
      %mul3A_1718 = arith.muli %scan3A_1715, %mul3A_1717 : i32
      %swap3A_1719 = arith.index_cast %mul3A_1718 : i32 to index
      %swap3A_1720 = tpu.vector_load %arg13[%swap3A_1719] {strides = array<i32>} : memref<128xi32, #tpu.memory_space<vmem>>, vector<16xi32>,
      tpu.vector_store %arg13[%swap3A_1719], %broadcast_in_dim3A_3 {strides = array<i32>} : memref<128xi32, #tpu.memory_space<vmem>>, vector<16xi32>,
      %mul3A_1721 = arith.constant 16 : i32
      %mul3A_1722 = arith.muli %scan3A_1715, %mul3A_1721 : i32
      %swap3A_1723 = arith.index_cast %mul3A_1722 : i32 to index
      %swap3A_1724 = tpu.vector_load %arg14[%swap3A_1723] {strides = array<i32>} : memref<128xi32, #tpu.memory_space<vmem>>, vector<16xi32>,
      tpu.vector_store %arg14[%swap3A_1723], %broadcast_in_dim3A_3 {strides = array<i32>} : memref<128xi32, #tpu.memory_space<vmem>>, vector<16xi32>,
      %scan3A_1725 = arith.constant 0 : i32
      scf.yield %scan3A_1725 : i32
    }
    %scan3A_51 = arith.constant 8 : i32
    %scan3A_52 = arith.constant 0 : i32
    %scan3A_53 = arith.constant 0 : i32
    %scan3A_54 = arith.constant 294 : i32
    %scan3A_55 = arith.addi %scan3A_53, %scan3A_54 : i32
    %scan3A_56 = arith.constant 1 : i32
    %scan3A_57 = scf.for %scan3A_1715 = %scan3A_53 to %scan3A_55 step %scan3A_56 iter_args(%scan3A_1716 = %scan3A_52) -> (i32)  : i32 {
      %mul3A_1717 = arith.constant 16 : i32
      %mul3A_1718 = arith.muli %scan3A_1715, %mul3A_1717 : i32
      %get3A_1719 = arith.index_cast %mul3A_1718 : i32 to index
      %get3A_1720 = tpu.vector_load %arg9[%get3A_1719] {strides = array<i32>} : memref<4704xi32, #tpu.memory_space<vmem>>, vector<16xi32>,
      %ge3A = arith.cmpi sge, %get3A_1720, %max3A_44 : vector<16xi32>
      %mul3A_1721 = arith.constant 16 : i32
      %mul3A_1722 = arith.muli %scan3A_1715, %mul3A_1721 : i32
      %add3A_1723 = arith.addi %mul3A_0, %mul3A_1722 : i32
      %add3A_1724 = vector.broadcast %add3A_1723 : i32 to vector<16xi32>
      %add3A_1725 = arith.addi %add3A_1724, %iota3A : vector<16xi32>
      %min3A_1726 = arith.constant 48 : i32
      %min3A_1727 = arith.minsi %scan3A_1716, %min3A_1726 : i32
      %swap3A_1728 = arith.index_cast %min3A_1727 : i32 to index
      %swap3A_1729 = tpu.vector_load %arg13[%swap3A_1728] masked %ge3A {strides = array<i32>} : memref<128xi32, #tpu.memory_space<vmem>>, vector<16xi32>, vector<16xi1>
      tpu.vector_store %arg13[%swap3A_1728], %get3A_1720 masked %ge3A {strides = array<i32>} : memref<128xi32, #tpu.memory_space<vmem>>, vector<16xi32>, vector<16xi1>
      %swap3A_1730 = arith.index_cast %min3A_1727 : i32 to index
      %swap3A_1731 = tpu.vector_load %arg14[%swap3A_1730] masked %ge3A {strides = array<i32>} : memref<128xi32, #tpu.memory_space<vmem>>, vector<16xi32>, vector<16xi1>
      tpu.vector_store %arg14[%swap3A_1730], %add3A_1725 masked %ge3A {strides = array<i32>} : memref<128xi32, #tpu.memory_space<vmem>>, vector<16xi32>, vector<16xi1>
      %all_reduce_population_count3A_1732 = tpu.all_reduce %ge3A {dim = 0 : i64, kind = #tpu.reduction_kind<sum>} : vector<16xi1> -> vector<16xi32>
      %reduce_max3A_1733 = arith.constant true
      %reduce_max3A_1734 = vector.broadcast %reduce_max3A_1733 : i1 to vector<16xi1>
      %reduce_max3A_1735 = arith.constant -2147483648 : i32
      %reduce_max3A_1736 = vector.broadcast %reduce_max3A_1735 : i32 to vector<16xi32>
      %reduce_max3A_1737 = arith.xori %all_reduce_population_count3A_1732, %reduce_max3A_1736 : vector<16xi32>
      %reduce_max3A_1738 = tpu.scan <max>, %reduce_max3A_1737 masked %reduce_max3A_1734 : vector<16xi32>, vector<16xi1> -> vector<16xi32>
      %reduce_max3A_1739 = arith.xori %reduce_max3A_1738, %reduce_max3A_1736 : vector<16xi32>
      %reduce_max3A_1740 = vector.extract %reduce_max3A_1739[15] : i32 from vector<16xi32>
      %add3A_1741 = arith.addi %scan3A_1716, %reduce_max3A_1740 : i32
      scf.yield %add3A_1741 : i32
    }
    %scan3A_58 = arith.constant 294 : i32
    %min3A = arith.constant 64 : i32
    %min3A_59 = arith.minsi %scan3A_57, %min3A : i32
    %broadcast_in_dim3A_60 = vector.broadcast %min3A_59 : i32 to vector<16xi32>
    %swap3A = arith.constant 0 : index
    %swap3A_61 = tpu.vector_load %arg18[%swap3A] {strides = array<i32>} : memref<128xi32, #tpu.memory_space<vmem>>, vector<16xi32>,
    tpu.vector_store %arg18[%swap3A], %broadcast_in_dim3A_60 {strides = array<i32>} : memref<128xi32, #tpu.memory_space<vmem>>, vector<16xi32>,
    %swap3A_62 = arith.constant 16 : index
    %swap3A_63 = tpu.vector_load %arg18[%swap3A_62] {strides = array<i32>} : memref<128xi32, #tpu.memory_space<vmem>>, vector<16xi32>,
    tpu.vector_store %arg18[%swap3A_62], %broadcast_in_dim3A_60 {strides = array<i32>} : memref<128xi32, #tpu.memory_space<vmem>>, vector<16xi32>,
    %swap3A_64 = arith.constant 32 : index
    %swap3A_65 = tpu.vector_load %arg18[%swap3A_64] {strides = array<i32>} : memref<128xi32, #tpu.memory_space<vmem>>, vector<16xi32>,
    tpu.vector_store %arg18[%swap3A_64], %broadcast_in_dim3A_60 {strides = array<i32>} : memref<128xi32, #tpu.memory_space<vmem>>, vector<16xi32>,
    %swap3A_66 = arith.constant 48 : index
    %swap3A_67 = tpu.vector_load %arg18[%swap3A_66] {strides = array<i32>} : memref<128xi32, #tpu.memory_space<vmem>>, vector<16xi32>,
    tpu.vector_store %arg18[%swap3A_66], %broadcast_in_dim3A_60 {strides = array<i32>} : memref<128xi32, #tpu.memory_space<vmem>>, vector<16xi32>,
    %swap3A_68 = arith.constant 64 : index
    %swap3A_69 = tpu.vector_load %arg18[%swap3A_68] {strides = array<i32>} : memref<128xi32, #tpu.memory_space<vmem>>, vector<16xi32>,
    tpu.vector_store %arg18[%swap3A_68], %broadcast_in_dim3A_60 {strides = array<i32>} : memref<128xi32, #tpu.memory_space<vmem>>, vector<16xi32>,
    %swap3A_70 = arith.constant 80 : index
    %swap3A_71 = tpu.vector_load %arg18[%swap3A_70] {strides = array<i32>} : memref<128xi32, #tpu.memory_space<vmem>>, vector<16xi32>,
    tpu.vector_store %arg18[%swap3A_70], %broadcast_in_dim3A_60 {strides = array<i32>} : memref<128xi32, #tpu.memory_space<vmem>>, vector<16xi32>,
    %swap3A_72 = arith.constant 96 : index
    %swap3A_73 = tpu.vector_load %arg18[%swap3A_72] {strides = array<i32>} : memref<128xi32, #tpu.memory_space<vmem>>, vector<16xi32>,
    tpu.vector_store %arg18[%swap3A_72], %broadcast_in_dim3A_60 {strides = array<i32>} : memref<128xi32, #tpu.memory_space<vmem>>, vector<16xi32>,
    %swap3A_74 = arith.constant 112 : index
    %swap3A_75 = tpu.vector_load %arg18[%swap3A_74] {strides = array<i32>} : memref<128xi32, #tpu.memory_space<vmem>>, vector<16xi32>,
    tpu.vector_store %arg18[%swap3A_74], %broadcast_in_dim3A_60 {strides = array<i32>} : memref<128xi32, #tpu.memory_space<vmem>>, vector<16xi32>,
    %mul3A_76 = arith.constant 128 : i32
    %mul3A_77 = arith.muli %arg1, %mul3A_76 : i32
    %dma_start3A = tpu.memref_slice %arg38[%mul3A_77] : memref<2048xi32, #tpu.memory_space<vmem_shared>> -> memref<128xi32, #tpu.memory_space<vmem_shared>>
    %dma_start3A_78 = tpu.memref_slice %arg38[%mul3A_77] : memref<2048xi32, #tpu.memory_space<vmem_shared>> -> memref<128xi32, #tpu.memory_space<vmem_shared>>
    tpu.enqueue_dma source(%arg18 : memref<128xi32, #tpu.memory_space<vmem>>) target(%dma_start3A_78 : memref<128xi32, #tpu.memory_space<vmem_shared>>) target_semaphore(%arg46 : memref<!tpu.dma_semaphore, #tpu.memory_space<semaphore_mem>>)
    %mul3A_79 = arith.constant 128 : i32
    %mul3A_80 = arith.muli %arg1, %mul3A_79 : i32
    %dma_start3A_81 = tpu.memref_slice %arg39[%mul3A_80] : memref<2048xi32, #tpu.memory_space<vmem_shared>> -> memref<128xi32, #tpu.memory_space<vmem_shared>>
    %dma_start3A_82 = tpu.memref_slice %arg39[%mul3A_80] : memref<2048xi32, #tpu.memory_space<vmem_shared>> -> memref<128xi32, #tpu.memory_space<vmem_shared>>
    tpu.enqueue_dma source(%arg13 : memref<128xi32, #tpu.memory_space<vmem>>) target(%dma_start3A_82 : memref<128xi32, #tpu.memory_space<vmem_shared>>) target_semaphore(%arg46 : memref<!tpu.dma_semaphore, #tpu.memory_space<semaphore_mem>>)
    %mul3A_83 = arith.constant 128 : i32
    %mul3A_84 = arith.muli %arg1, %mul3A_83 : i32
    %dma_start3A_85 = tpu.memref_slice %arg40[%mul3A_84] : memref<2048xi32, #tpu.memory_space<vmem_shared>> -> memref<128xi32, #tpu.memory_space<vmem_shared>>
    %dma_start3A_86 = tpu.memref_slice %arg40[%mul3A_84] : memref<2048xi32, #tpu.memory_space<vmem_shared>> -> memref<128xi32, #tpu.memory_space<vmem_shared>>
    tpu.enqueue_dma source(%arg14 : memref<128xi32, #tpu.memory_space<vmem>>) target(%dma_start3A_86 : memref<128xi32, #tpu.memory_space<vmem_shared>>) target_semaphore(%arg46 : memref<!tpu.dma_semaphore, #tpu.memory_space<semaphore_mem>>)
    %dma_wait3A = tpu.memref_slice %arg38[%mul3A_77] : memref<2048xi32, #tpu.memory_space<vmem_shared>> -> memref<128xi32, #tpu.memory_space<vmem_shared>>
    %dma_wait3A_87 = tpu.memref_slice %arg38[%mul3A_77] : memref<2048xi32, #tpu.memory_space<vmem_shared>> -> memref<128xi32, #tpu.memory_space<vmem_shared>>
    tpu.wait_dma2 semaphore(%arg46 : memref<!tpu.dma_semaphore, #tpu.memory_space<semaphore_mem>>) src(%arg18 : memref<128xi32, #tpu.memory_space<vmem>>) dst(%dma_wait3A_87 : memref<128xi32, #tpu.memory_space<vmem_shared>>)
    %dma_wait3A_88 = tpu.memref_slice %arg39[%mul3A_80] : memref<2048xi32, #tpu.memory_space<vmem_shared>> -> memref<128xi32, #tpu.memory_space<vmem_shared>>
    %dma_wait3A_89 = tpu.memref_slice %arg39[%mul3A_80] : memref<2048xi32, #tpu.memory_space<vmem_shared>> -> memref<128xi32, #tpu.memory_space<vmem_shared>>
    tpu.wait_dma2 semaphore(%arg46 : memref<!tpu.dma_semaphore, #tpu.memory_space<semaphore_mem>>) src(%arg13 : memref<128xi32, #tpu.memory_space<vmem>>) dst(%dma_wait3A_89 : memref<128xi32, #tpu.memory_space<vmem_shared>>)
    %dma_wait3A_90 = tpu.memref_slice %arg40[%mul3A_84] : memref<2048xi32, #tpu.memory_space<vmem_shared>> -> memref<128xi32, #tpu.memory_space<vmem_shared>>
    %dma_wait3A_91 = tpu.memref_slice %arg40[%mul3A_84] : memref<2048xi32, #tpu.memory_space<vmem_shared>> -> memref<128xi32, #tpu.memory_space<vmem_shared>>
    tpu.wait_dma2 semaphore(%arg46 : memref<!tpu.dma_semaphore, #tpu.memory_space<semaphore_mem>>) src(%arg14 : memref<128xi32, #tpu.memory_space<vmem>>) dst(%dma_wait3A_91 : memref<128xi32, #tpu.memory_space<vmem_shared>>)
    %barrier3A_92 = arith.constant 0 : index
    tpu.barrier barrier_id(%barrier3A_92)
    tpu.enqueue_dma source(%arg39 : memref<2048xi32, #tpu.memory_space<vmem_shared>>) target(%arg15 : memref<2048xi32, #tpu.memory_space<vmem>>) target_semaphore(%arg46 : memref<!tpu.dma_semaphore, #tpu.memory_space<semaphore_mem>>)
    tpu.enqueue_dma source(%arg40 : memref<2048xi32, #tpu.memory_space<vmem_shared>>) target(%arg16 : memref<2048xi32, #tpu.memory_space<vmem>>) target_semaphore(%arg46 : memref<!tpu.dma_semaphore, #tpu.memory_space<semaphore_mem>>)
    tpu.enqueue_dma source(%arg38 : memref<2048xi32, #tpu.memory_space<vmem_shared>>) target(%arg17 : memref<2048xi32, #tpu.memory_space<vmem>>) target_semaphore(%arg46 : memref<!tpu.dma_semaphore, #tpu.memory_space<semaphore_mem>>)
    tpu.wait_dma2 semaphore(%arg46 : memref<!tpu.dma_semaphore, #tpu.memory_space<semaphore_mem>>) src(%arg39 : memref<2048xi32, #tpu.memory_space<vmem_shared>>) dst(%arg15 : memref<2048xi32, #tpu.memory_space<vmem>>)
    tpu.wait_dma2 semaphore(%arg46 : memref<!tpu.dma_semaphore, #tpu.memory_space<semaphore_mem>>) src(%arg40 : memref<2048xi32, #tpu.memory_space<vmem_shared>>) dst(%arg16 : memref<2048xi32, #tpu.memory_space<vmem>>)
    tpu.wait_dma2 semaphore(%arg46 : memref<!tpu.dma_semaphore, #tpu.memory_space<semaphore_mem>>) src(%arg38 : memref<2048xi32, #tpu.memory_space<vmem_shared>>) dst(%arg17 : memref<2048xi32, #tpu.memory_space<vmem>>)
    %scan3A_93 = arith.constant 0 : i32
    %scan3A_94 = arith.constant 0 : i32
    %scan3A_95 = arith.constant 64 : i32
    %scan3A_96 = arith.addi %scan3A_94, %scan3A_95 : i32
    %scan3A_97 = arith.constant 1 : i32
    %scan3A_98 = scf.for %scan3A_1715 = %scan3A_94 to %scan3A_96 step %scan3A_97 iter_args(%scan3A_1716 = %scan3A_93) -> (i32)  : i32 {
      %jit3A_1717 = arith.constant 4 : i32
      %div3A_1718 = arith.divsi %scan3A_1715, %jit3A_1717 : i32
      %sign3A_1719 = arith.constant 0 : i32
      %sign3A_1720 = arith.cmpi sgt, %scan3A_1715, %sign3A_1719 : i32
      %sign3A_1721 = arith.extui %sign3A_1720 : i1 to i32
      %sign3A_1722 = arith.constant 0 : i32
      %sign3A_1723 = arith.cmpi slt, %scan3A_1715, %sign3A_1722 : i32
      %sign3A_1724 = arith.extui %sign3A_1723 : i1 to i32
      %sign3A_1725 = arith.subi %sign3A_1721, %sign3A_1724 : i32
      %sign3A_1726 = arith.constant 0 : i32
      %sign3A_1727 = arith.cmpi sgt, %jit3A_1717, %sign3A_1726 : i32
      %sign3A_1728 = arith.extui %sign3A_1727 : i1 to i32
      %sign3A_1729 = arith.constant 0 : i32
      %sign3A_1730 = arith.cmpi slt, %jit3A_1717, %sign3A_1729 : i32
      %sign3A_1731 = arith.extui %sign3A_1730 : i1 to i32
      %sign3A_1732 = arith.subi %sign3A_1728, %sign3A_1731 : i32
      %ne3A_1733 = arith.cmpi ne, %sign3A_1725, %sign3A_1732 : i32
      %rem3A_1734 = arith.remsi %scan3A_1715, %jit3A_1717 : i32
      %ne3A_1735 = arith.constant 0 : i32
      %ne3A_1736 = arith.cmpi ne, %rem3A_1734, %ne3A_1735 : i32
      %and3A_1737 = arith.andi %ne3A_1733, %ne3A_1736 : i1
      %sub3A_1738 = arith.constant 1 : i32
      %sub3A_1739 = arith.subi %div3A_1718, %sub3A_1738 : i32
      %select_n3A_1740 = arith.select %and3A_1737, %sub3A_1739, %div3A_1718 : i32
      %mul3A_1741 = arith.constant 4 : i32
      %mul3A_1742 = arith.muli %select_n3A_1740, %mul3A_1741 : i32
      %sub3A_1743 = arith.subi %scan3A_1715, %mul3A_1742 : i32
      %mul3A_1744 = arith.constant 128 : i32
      %mul3A_1745 = arith.muli %select_n3A_1740, %mul3A_1744 : i32
      %get3A_1746 = arith.index_cast %mul3A_1745 : i32 to index
      %get3A_1747 = tpu.vector_load %arg17[%get3A_1746] {strides = array<i32>} : memref<2048xi32, #tpu.memory_space<vmem>>, vector<16xi32>,
      %reduce_max3A_1748 = arith.constant true
      %reduce_max3A_1749 = vector.broadcast %reduce_max3A_1748 : i1 to vector<16xi1>
      %reduce_max3A_1750 = arith.constant -2147483648 : i32
      %reduce_max3A_1751 = vector.broadcast %reduce_max3A_1750 : i32 to vector<16xi32>
      %reduce_max3A_1752 = arith.xori %get3A_1747, %reduce_max3A_1751 : vector<16xi32>
      %reduce_max3A_1753 = tpu.scan <max>, %reduce_max3A_1752 masked %reduce_max3A_1749 : vector<16xi32>, vector<16xi1> -> vector<16xi32>
      %reduce_max3A_1754 = arith.xori %reduce_max3A_1753, %reduce_max3A_1751 : vector<16xi32>
      %reduce_max3A_1755 = vector.extract %reduce_max3A_1754[15] : i32 from vector<16xi32>
      %mul3A_1756 = arith.constant 16 : i32
      %mul3A_1757 = arith.muli %sub3A_1743, %mul3A_1756 : i32
      %add3A_1758 = vector.broadcast %mul3A_1757 : i32 to vector<16xi32>
      %add3A_1759 = arith.addi %add3A_1758, %iota3A : vector<16xi32>
      %lt3A_1760 = vector.broadcast %reduce_max3A_1755 : i32 to vector<16xi32>
      %lt3A_1761 = arith.cmpi slt, %add3A_1759, %lt3A_1760 : vector<16xi32>
      %mul3A_1762 = arith.constant 128 : i32
      %mul3A_1763 = arith.muli %select_n3A_1740, %mul3A_1762 : i32
      %mul3A_1764 = arith.constant 16 : i32
      %mul3A_1765 = arith.muli %sub3A_1743, %mul3A_1764 : i32
      %add3A_1766 = arith.addi %mul3A_1763, %mul3A_1765 : i32
      %get3A_1767 = arith.index_cast %add3A_1766 : i32 to index
      %get3A_1768 = tpu.vector_load %arg15[%get3A_1767] {strides = array<i32>} : memref<2048xi32, #tpu.memory_space<vmem>>, vector<16xi32>,
      %mul3A_1769 = arith.constant 128 : i32
      %mul3A_1770 = arith.muli %select_n3A_1740, %mul3A_1769 : i32
      %mul3A_1771 = arith.constant 16 : i32
      %mul3A_1772 = arith.muli %sub3A_1743, %mul3A_1771 : i32
      %add3A_1773 = arith.addi %mul3A_1770, %mul3A_1772 : i32
      %get3A_1774 = arith.index_cast %add3A_1773 : i32 to index
      %get3A_1775 = tpu.vector_load %arg16[%get3A_1774] {strides = array<i32>} : memref<2048xi32, #tpu.memory_space<vmem>>, vector<16xi32>,
      %min3A_1776 = arith.constant 1008 : i32
      %min3A_1777 = arith.minsi %scan3A_1716, %min3A_1776 : i32
      %swap3A_1778 = arith.index_cast %min3A_1777 : i32 to index
      %swap3A_1779 = tpu.vector_load %arg19[%swap3A_1778] masked %lt3A_1761 {strides = array<i32>} : memref<1024xi32, #tpu.memory_space<vmem>>, vector<16xi32>, vector<16xi1>
      tpu.vector_store %arg19[%swap3A_1778], %get3A_1768 masked %lt3A_1761 {strides = array<i32>} : memref<1024xi32, #tpu.memory_space<vmem>>, vector<16xi32>, vector<16xi1>
      %swap3A_1780 = arith.index_cast %min3A_1777 : i32 to index
      %swap3A_1781 = tpu.vector_load %arg20[%swap3A_1780] masked %lt3A_1761 {strides = array<i32>} : memref<1024xi32, #tpu.memory_space<vmem>>, vector<16xi32>, vector<16xi1>
      tpu.vector_store %arg20[%swap3A_1780], %get3A_1775 masked %lt3A_1761 {strides = array<i32>} : memref<1024xi32, #tpu.memory_space<vmem>>, vector<16xi32>, vector<16xi1>
      %all_reduce_population_count3A_1782 = tpu.all_reduce %lt3A_1761 {dim = 0 : i64, kind = #tpu.reduction_kind<sum>} : vector<16xi1> -> vector<16xi32>
      %reduce_max3A_1783 = arith.constant true
      %reduce_max3A_1784 = vector.broadcast %reduce_max3A_1783 : i1 to vector<16xi1>
      %reduce_max3A_1785 = arith.constant -2147483648 : i32
      %reduce_max3A_1786 = vector.broadcast %reduce_max3A_1785 : i32 to vector<16xi32>
      %reduce_max3A_1787 = arith.xori %all_reduce_population_count3A_1782, %reduce_max3A_1786 : vector<16xi32>
      %reduce_max3A_1788 = tpu.scan <max>, %reduce_max3A_1787 masked %reduce_max3A_1784 : vector<16xi32>, vector<16xi1> -> vector<16xi32>
      %reduce_max3A_1789 = arith.xori %reduce_max3A_1788, %reduce_max3A_1786 : vector<16xi32>
      %reduce_max3A_1790 = vector.extract %reduce_max3A_1789[15] : i32 from vector<16xi32>
      %add3A_1791 = arith.addi %scan3A_1716, %reduce_max3A_1790 : i32
      scf.yield %add3A_1791 : i32
    }
    %scan3A_99 = arith.constant 64 : i32
    %get3A = arith.constant 0 : index
    %get3A_100 = tpu.vector_load %arg13[%get3A] {strides = array<i32>} : memref<128xi32, #tpu.memory_space<vmem>>, vector<16xi32>,
    %get3A_101 = arith.constant 16 : index
    %get3A_102 = tpu.vector_load %arg13[%get3A_101] {strides = array<i32>} : memref<128xi32, #tpu.memory_space<vmem>>, vector<16xi32>,
    %get3A_103 = arith.constant 32 : index
    %get3A_104 = tpu.vector_load %arg13[%get3A_103] {strides = array<i32>} : memref<128xi32, #tpu.memory_space<vmem>>, vector<16xi32>,
    %get3A_105 = arith.constant 48 : index
    %get3A_106 = tpu.vector_load %arg13[%get3A_105] {strides = array<i32>} : memref<128xi32, #tpu.memory_space<vmem>>, vector<16xi32>,
    %get3A_107 = arith.constant 0 : index
    %get3A_108 = tpu.vector_load %arg14[%get3A_107] {strides = array<i32>} : memref<128xi32, #tpu.memory_space<vmem>>, vector<16xi32>,
    %get3A_109 = arith.constant 16 : index
    %get3A_110 = tpu.vector_load %arg14[%get3A_109] {strides = array<i32>} : memref<128xi32, #tpu.memory_space<vmem>>, vector<16xi32>,
    %get3A_111 = arith.constant 32 : index
    %get3A_112 = tpu.vector_load %arg14[%get3A_111] {strides = array<i32>} : memref<128xi32, #tpu.memory_space<vmem>>, vector<16xi32>,
    %get3A_113 = arith.constant 48 : index
    %get3A_114 = tpu.vector_load %arg14[%get3A_113] {strides = array<i32>} : memref<128xi32, #tpu.memory_space<vmem>>, vector<16xi32>,
    %while3A = arith.constant 0 : i32
    %while3A_115 = arith.subi %scan3A_98, %while3A : i32
    %while3A_116 = arith.addi %while3A, %while3A_115 : i32
    %while3A_117 = arith.constant 1 : i32
    %while3A_118 = arith.divsi %while3A_115, %while3A_117 : i32
    %while3A_119 = arith.muli %while3A_118, %while3A_117 : i32
    %while3A_120 = arith.addi %while3A, %while3A_119 : i32
    %while3A_121 = arith.constant 1 : i32
    %while3A_122:4 = scf.for %while3A_1715 = %while3A to %while3A_120 step %while3A_121 iter_args(%while3A_1716 = %broadcast_in_dim3A_3, %while3A_1717 = %broadcast_in_dim3A_3, %while3A_1718 = %broadcast_in_dim3A_3, %while3A_1719 = %broadcast_in_dim3A_3) -> (vector<16xi32>, vector<16xi32>, vector<16xi32>, vector<16xi32>)  : i32 {
      %broadcast_in_dim3A_1720 = vector.broadcast %while3A_1715 : i32 to vector<16xi32>
      %gather3A_1721 = tpu.vector_load_idx %arg19[%broadcast_in_dim3A_1720] : memref<1024xi32, #tpu.memory_space<vmem>>[vector<16xi32>], vector<16xi32>,
      %gather3A_1722 = tpu.vector_load_idx %arg20[%broadcast_in_dim3A_1720] : memref<1024xi32, #tpu.memory_space<vmem>>[vector<16xi32>], vector<16xi32>,
      %gt3A_1723 = arith.cmpi sgt, %gather3A_1721, %get3A_100 : vector<16xi32>
      %eq3A_1724 = arith.cmpi eq, %gather3A_1721, %get3A_100 : vector<16xi32>
      %lt3A_1725 = arith.cmpi slt, %gather3A_1722, %get3A_108 : vector<16xi32>
      %and3A_1726 = arith.andi %eq3A_1724, %lt3A_1725 : vector<16xi1>
      %or3A = arith.ori %gt3A_1723, %and3A_1726 : vector<16xi1>
      %jit3A_1727 = arith.constant 1 : i32
      %jit3A_1728 = arith.constant 0 : i32
      %broadcast_in_dim3A_1729 = vector.broadcast %jit3A_1727 : i32 to vector<16xi32>
      %broadcast_in_dim3A_1730 = vector.broadcast %jit3A_1728 : i32 to vector<16xi32>
      %select_n3A_1731 = arith.select %or3A, %broadcast_in_dim3A_1729, %broadcast_in_dim3A_1730 : vector<16xi1>, vector<16xi32>
      %add3A_1732 = arith.addi %while3A_1716, %select_n3A_1731 : vector<16xi32>
      %gt3A_1733 = arith.cmpi sgt, %gather3A_1721, %get3A_102 : vector<16xi32>
      %eq3A_1734 = arith.cmpi eq, %gather3A_1721, %get3A_102 : vector<16xi32>
      %lt3A_1735 = arith.cmpi slt, %gather3A_1722, %get3A_110 : vector<16xi32>
      %and3A_1736 = arith.andi %eq3A_1734, %lt3A_1735 : vector<16xi1>
      %or3A_1737 = arith.ori %gt3A_1733, %and3A_1736 : vector<16xi1>
      %jit3A_1738 = arith.constant 1 : i32
      %jit3A_1739 = arith.constant 0 : i32
      %broadcast_in_dim3A_1740 = vector.broadcast %jit3A_1738 : i32 to vector<16xi32>
      %broadcast_in_dim3A_1741 = vector.broadcast %jit3A_1739 : i32 to vector<16xi32>
      %select_n3A_1742 = arith.select %or3A_1737, %broadcast_in_dim3A_1740, %broadcast_in_dim3A_1741 : vector<16xi1>, vector<16xi32>
      %add3A_1743 = arith.addi %while3A_1717, %select_n3A_1742 : vector<16xi32>
      %gt3A_1744 = arith.cmpi sgt, %gather3A_1721, %get3A_104 : vector<16xi32>
      %eq3A_1745 = arith.cmpi eq, %gather3A_1721, %get3A_104 : vector<16xi32>
      %lt3A_1746 = arith.cmpi slt, %gather3A_1722, %get3A_112 : vector<16xi32>
      %and3A_1747 = arith.andi %eq3A_1745, %lt3A_1746 : vector<16xi1>
      %or3A_1748 = arith.ori %gt3A_1744, %and3A_1747 : vector<16xi1>
      %jit3A_1749 = arith.constant 1 : i32
      %jit3A_1750 = arith.constant 0 : i32
      %broadcast_in_dim3A_1751 = vector.broadcast %jit3A_1749 : i32 to vector<16xi32>
      %broadcast_in_dim3A_1752 = vector.broadcast %jit3A_1750 : i32 to vector<16xi32>
      %select_n3A_1753 = arith.select %or3A_1748, %broadcast_in_dim3A_1751, %broadcast_in_dim3A_1752 : vector<16xi1>, vector<16xi32>
      %add3A_1754 = arith.addi %while3A_1718, %select_n3A_1753 : vector<16xi32>
      %gt3A_1755 = arith.cmpi sgt, %gather3A_1721, %get3A_106 : vector<16xi32>
      %eq3A_1756 = arith.cmpi eq, %gather3A_1721, %get3A_106 : vector<16xi32>
      %lt3A_1757 = arith.cmpi slt, %gather3A_1722, %get3A_114 : vector<16xi32>
      %and3A_1758 = arith.andi %eq3A_1756, %lt3A_1757 : vector<16xi1>
      %or3A_1759 = arith.ori %gt3A_1755, %and3A_1758 : vector<16xi1>
      %jit3A_1760 = arith.constant 1 : i32
      %jit3A_1761 = arith.constant 0 : i32
      %broadcast_in_dim3A_1762 = vector.broadcast %jit3A_1760 : i32 to vector<16xi32>
      %broadcast_in_dim3A_1763 = vector.broadcast %jit3A_1761 : i32 to vector<16xi32>
      %select_n3A_1764 = arith.select %or3A_1759, %broadcast_in_dim3A_1762, %broadcast_in_dim3A_1763 : vector<16xi1>, vector<16xi32>
      %add3A_1765 = arith.addi %while3A_1719, %select_n3A_1764 : vector<16xi32>
      scf.yield %add3A_1732, %add3A_1743, %add3A_1754, %add3A_1765 : vector<16xi32>, vector<16xi32>, vector<16xi32>, vector<16xi32>
    }
    %while3A_123 = arith.constant 1 : i32
    %while3A_124:4 = scf.for %while3A_1715 = %while3A_120 to %while3A_116 step %while3A_123 iter_args(%while3A_1716 = %while3A_122#0, %while3A_1717 = %while3A_122#1, %while3A_1718 = %while3A_122#2, %while3A_1719 = %while3A_122#3) -> (vector<16xi32>, vector<16xi32>, vector<16xi32>, vector<16xi32>)  : i32 {
      %broadcast_in_dim3A_1720 = vector.broadcast %while3A_1715 : i32 to vector<16xi32>
      %gather3A_1721 = tpu.vector_load_idx %arg19[%broadcast_in_dim3A_1720] : memref<1024xi32, #tpu.memory_space<vmem>>[vector<16xi32>], vector<16xi32>,
      %gather3A_1722 = tpu.vector_load_idx %arg20[%broadcast_in_dim3A_1720] : memref<1024xi32, #tpu.memory_space<vmem>>[vector<16xi32>], vector<16xi32>,
      %gt3A_1723 = arith.cmpi sgt, %gather3A_1721, %get3A_100 : vector<16xi32>
      %eq3A_1724 = arith.cmpi eq, %gather3A_1721, %get3A_100 : vector<16xi32>
      %lt3A_1725 = arith.cmpi slt, %gather3A_1722, %get3A_108 : vector<16xi32>
      %and3A_1726 = arith.andi %eq3A_1724, %lt3A_1725 : vector<16xi1>
      %or3A = arith.ori %gt3A_1723, %and3A_1726 : vector<16xi1>
      %jit3A_1727 = arith.constant 1 : i32
      %jit3A_1728 = arith.constant 0 : i32
      %broadcast_in_dim3A_1729 = vector.broadcast %jit3A_1727 : i32 to vector<16xi32>
      %broadcast_in_dim3A_1730 = vector.broadcast %jit3A_1728 : i32 to vector<16xi32>
      %select_n3A_1731 = arith.select %or3A, %broadcast_in_dim3A_1729, %broadcast_in_dim3A_1730 : vector<16xi1>, vector<16xi32>
      %add3A_1732 = arith.addi %while3A_1716, %select_n3A_1731 : vector<16xi32>
      %gt3A_1733 = arith.cmpi sgt, %gather3A_1721, %get3A_102 : vector<16xi32>
      %eq3A_1734 = arith.cmpi eq, %gather3A_1721, %get3A_102 : vector<16xi32>
      %lt3A_1735 = arith.cmpi slt, %gather3A_1722, %get3A_110 : vector<16xi32>
      %and3A_1736 = arith.andi %eq3A_1734, %lt3A_1735 : vector<16xi1>
      %or3A_1737 = arith.ori %gt3A_1733, %and3A_1736 : vector<16xi1>
      %jit3A_1738 = arith.constant 1 : i32
      %jit3A_1739 = arith.constant 0 : i32
      %broadcast_in_dim3A_1740 = vector.broadcast %jit3A_1738 : i32 to vector<16xi32>
      %broadcast_in_dim3A_1741 = vector.broadcast %jit3A_1739 : i32 to vector<16xi32>
      %select_n3A_1742 = arith.select %or3A_1737, %broadcast_in_dim3A_1740, %broadcast_in_dim3A_1741 : vector<16xi1>, vector<16xi32>
      %add3A_1743 = arith.addi %while3A_1717, %select_n3A_1742 : vector<16xi32>
      %gt3A_1744 = arith.cmpi sgt, %gather3A_1721, %get3A_104 : vector<16xi32>
      %eq3A_1745 = arith.cmpi eq, %gather3A_1721, %get3A_104 : vector<16xi32>
      %lt3A_1746 = arith.cmpi slt, %gather3A_1722, %get3A_112 : vector<16xi32>
      %and3A_1747 = arith.andi %eq3A_1745, %lt3A_1746 : vector<16xi1>
      %or3A_1748 = arith.ori %gt3A_1744, %and3A_1747 : vector<16xi1>
      %jit3A_1749 = arith.constant 1 : i32
      %jit3A_1750 = arith.constant 0 : i32
      %broadcast_in_dim3A_1751 = vector.broadcast %jit3A_1749 : i32 to vector<16xi32>
      %broadcast_in_dim3A_1752 = vector.broadcast %jit3A_1750 : i32 to vector<16xi32>
      %select_n3A_1753 = arith.select %or3A_1748, %broadcast_in_dim3A_1751, %broadcast_in_dim3A_1752 : vector<16xi1>, vector<16xi32>
      %add3A_1754 = arith.addi %while3A_1718, %select_n3A_1753 : vector<16xi32>
      %gt3A_1755 = arith.cmpi sgt, %gather3A_1721, %get3A_106 : vector<16xi32>
      %eq3A_1756 = arith.cmpi eq, %gather3A_1721, %get3A_106 : vector<16xi32>
      %lt3A_1757 = arith.cmpi slt, %gather3A_1722, %get3A_114 : vector<16xi32>
      %and3A_1758 = arith.andi %eq3A_1756, %lt3A_1757 : vector<16xi1>
      %or3A_1759 = arith.ori %gt3A_1755, %and3A_1758 : vector<16xi1>
      %jit3A_1760 = arith.constant 1 : i32
      %jit3A_1761 = arith.constant 0 : i32
      %broadcast_in_dim3A_1762 = vector.broadcast %jit3A_1760 : i32 to vector<16xi32>
      %broadcast_in_dim3A_1763 = vector.broadcast %jit3A_1761 : i32 to vector<16xi32>
      %select_n3A_1764 = arith.select %or3A_1759, %broadcast_in_dim3A_1762, %broadcast_in_dim3A_1763 : vector<16xi1>, vector<16xi32>
      %add3A_1765 = arith.addi %while3A_1719, %select_n3A_1764 : vector<16xi32>
      scf.yield %add3A_1732, %add3A_1743, %add3A_1754, %add3A_1765 : vector<16xi32>, vector<16xi32>, vector<16xi32>, vector<16xi32>
    }
    %scan3A_125 = arith.constant 0 : i32
    %scan3A_126 = arith.constant 0 : i32
    %scan3A_127 = arith.constant 8 : i32
    %scan3A_128 = arith.addi %scan3A_126, %scan3A_127 : i32
    %scan3A_129 = arith.constant 1 : i32
    %scan3A_130 = scf.for %scan3A_1715 = %scan3A_126 to %scan3A_128 step %scan3A_129 iter_args(%scan3A_1716 = %scan3A_125) -> (i32)  : i32 {
      %mul3A_1717 = arith.constant 16 : i32
      %mul3A_1718 = arith.muli %scan3A_1715, %mul3A_1717 : i32
      %add3A_1719 = arith.constant 300 : i32
      %add3A_1720 = arith.addi %add3A_1719, %mul3A_1718 : i32
      %add3A_1721 = vector.broadcast %add3A_1720 : i32 to vector<16xi32>
      %add3A_1722 = arith.addi %add3A_1721, %iota3A : vector<16xi32>
      %mul3A_1723 = arith.constant 16 : i32
      %mul3A_1724 = arith.muli %scan3A_1715, %mul3A_1723 : i32
      %swap3A_1725 = arith.index_cast %mul3A_1724 : i32 to index
      %swap3A_1726 = tpu.vector_load %arg21[%swap3A_1725] {strides = array<i32>} : memref<128xi32, #tpu.memory_space<vmem>>, vector<16xi32>,
      tpu.vector_store %arg21[%swap3A_1725], %add3A_1722 {strides = array<i32>} : memref<128xi32, #tpu.memory_space<vmem>>, vector<16xi32>,
      %scan3A_1727 = arith.constant 0 : i32
      scf.yield %scan3A_1727 : i32
    }
    %scan3A_131 = arith.constant 8 : i32
    %lt3A = arith.cmpi slt, %while3A_124#0, %broadcast_in_dim3A_1 : vector<16xi32>
    %gt3A = arith.constant 0 : i32
    %gt3A_132 = vector.broadcast %gt3A : i32 to vector<16xi32>
    %gt3A_133 = arith.cmpi sgt, %get3A_100, %gt3A_132 : vector<16xi32>
    %and3A = arith.andi %lt3A, %gt3A_133 : vector<16xi1>
    %min3A_134 = arith.constant 0 : i32
    %min3A_135 = arith.constant 112 : i32
    %min3A_136 = arith.minsi %min3A_134, %min3A_135 : i32
    %add3A = arith.constant 1056964608 : i32
    %add3A_137 = vector.broadcast %add3A : i32 to vector<16xi32>
    %add3A_138 = arith.addi %get3A_100, %add3A_137 : vector<16xi32>
    %bitcast_convert_type3A = tpu.bitcast %add3A_138 : vector<16xi32> -> vector<16xf32>
    %swap3A_139 = arith.index_cast %min3A_136 : i32 to index
    %swap3A_140 = tpu.vector_load %arg21[%swap3A_139] masked %and3A {strides = array<i32>} : memref<128xi32, #tpu.memory_space<vmem>>, vector<16xi32>, vector<16xi1>
    tpu.vector_store %arg21[%swap3A_139], %while3A_124#0 masked %and3A {strides = array<i32>} : memref<128xi32, #tpu.memory_space<vmem>>, vector<16xi32>, vector<16xi1>
    %swap3A_141 = arith.index_cast %min3A_136 : i32 to index
    %swap3A_142 = tpu.vector_load %arg22[%swap3A_141] masked %and3A {strides = array<i32>} : memref<128xf32, #tpu.memory_space<vmem>>, vector<16xf32>, vector<16xi1>
    tpu.vector_store %arg22[%swap3A_141], %bitcast_convert_type3A masked %and3A {strides = array<i32>} : memref<128xf32, #tpu.memory_space<vmem>>, vector<16xf32>, vector<16xi1>
    %jit3A = arith.constant 15 : i32
    %eq3A = arith.constant 0 : i32
    %eq3A_143 = arith.cmpi eq, %jit3A, %eq3A : i32
    %jit3A_144 = arith.constant 1 : i32
    %select_n3A = arith.select %eq3A_143, %jit3A_144, %jit3A : i32
    %rem3A = vector.broadcast %select_n3A : i32 to vector<16xi32>
    %rem3A_145 = arith.remsi %get3A_108, %rem3A : vector<16xi32>
    %ne3A = arith.constant 0 : i32
    %ne3A_146 = vector.broadcast %ne3A : i32 to vector<16xi32>
    %ne3A_147 = arith.cmpi ne, %rem3A_145, %ne3A_146 : vector<16xi32>
    %lt3A_148 = arith.constant 0 : i32
    %lt3A_149 = vector.broadcast %lt3A_148 : i32 to vector<16xi32>
    %lt3A_150 = arith.cmpi slt, %rem3A_145, %lt3A_149 : vector<16xi32>
    %lt3A_151 = arith.constant 0 : i32
    %lt3A_152 = arith.cmpi slt, %select_n3A, %lt3A_151 : i32
    %ne3A_153 = vector.broadcast %lt3A_152 : i1 to vector<16xi1>
    %ne3A_154 = vector.broadcast %ne3A_153 : vector<16xi1> to vector<16xi1>
    %ne3A_155 = arith.xori %lt3A_150, %ne3A_154 : vector<16xi1>
    %and3A_156 = arith.andi %ne3A_155, %ne3A_147 : vector<16xi1>
    %add3A_157 = vector.broadcast %select_n3A : i32 to vector<16xi32>
    %add3A_158 = arith.addi %rem3A_145, %add3A_157 : vector<16xi32>
    %select_n3A_159 = arith.select %and3A_156, %add3A_158, %rem3A_145 : vector<16xi1>, vector<16xi32>
    %swap3A_160 = arith.index_cast %min3A_136 : i32 to index
    %swap3A_161 = tpu.vector_load %arg23[%swap3A_160] masked %and3A {strides = array<i32>} : memref<128xi32, #tpu.memory_space<vmem>>, vector<16xi32>, vector<16xi1>
    tpu.vector_store %arg23[%swap3A_160], %select_n3A_159 masked %and3A {strides = array<i32>} : memref<128xi32, #tpu.memory_space<vmem>>, vector<16xi32>, vector<16xi1>
    %jit3A_162 = arith.constant 15 : i32
    %div3A = vector.broadcast %jit3A_162 : i32 to vector<16xi32>
    %div3A_163 = arith.divsi %get3A_108, %div3A : vector<16xi32>
    %sign3A = arith.constant 0 : i32
    %sign3A_164 = vector.broadcast %sign3A : i32 to vector<16xi32>
    %sign3A_165 = arith.cmpi sgt, %get3A_108, %sign3A_164 : vector<16xi32>
    %sign3A_166 = arith.extui %sign3A_165 : vector<16xi1> to vector<16xi32>
    %sign3A_167 = arith.constant 0 : i32
    %sign3A_168 = vector.broadcast %sign3A_167 : i32 to vector<16xi32>
    %sign3A_169 = arith.cmpi slt, %get3A_108, %sign3A_168 : vector<16xi32>
    %sign3A_170 = arith.extui %sign3A_169 : vector<16xi1> to vector<16xi32>
    %sign3A_171 = arith.subi %sign3A_166, %sign3A_170 : vector<16xi32>
    %sign3A_172 = arith.constant 0 : i32
    %sign3A_173 = arith.cmpi sgt, %jit3A_162, %sign3A_172 : i32
    %sign3A_174 = arith.extui %sign3A_173 : i1 to i32
    %sign3A_175 = arith.constant 0 : i32
    %sign3A_176 = arith.cmpi slt, %jit3A_162, %sign3A_175 : i32
    %sign3A_177 = arith.extui %sign3A_176 : i1 to i32
    %sign3A_178 = arith.subi %sign3A_174, %sign3A_177 : i32
    %ne3A_179 = vector.broadcast %sign3A_178 : i32 to vector<16xi32>
    %ne3A_180 = arith.cmpi ne, %sign3A_171, %ne3A_179 : vector<16xi32>
    %rem3A_181 = vector.broadcast %jit3A_162 : i32 to vector<16xi32>
    %rem3A_182 = arith.remsi %get3A_108, %rem3A_181 : vector<16xi32>
    %ne3A_183 = arith.constant 0 : i32
    %ne3A_184 = vector.broadcast %ne3A_183 : i32 to vector<16xi32>
    %ne3A_185 = arith.cmpi ne, %rem3A_182, %ne3A_184 : vector<16xi32>
    %and3A_186 = arith.andi %ne3A_180, %ne3A_185 : vector<16xi1>
    %sub3A = arith.constant 1 : i32
    %sub3A_187 = vector.broadcast %sub3A : i32 to vector<16xi32>
    %sub3A_188 = arith.subi %div3A_163, %sub3A_187 : vector<16xi32>
    %select_n3A_189 = arith.select %and3A_186, %sub3A_188, %div3A_163 : vector<16xi1>, vector<16xi32>
    %swap3A_190 = arith.index_cast %min3A_136 : i32 to index
    %swap3A_191 = tpu.vector_load %arg24[%swap3A_190] masked %and3A {strides = array<i32>} : memref<128xi32, #tpu.memory_space<vmem>>, vector<16xi32>, vector<16xi1>
    tpu.vector_store %arg24[%swap3A_190], %select_n3A_189 masked %and3A {strides = array<i32>} : memref<128xi32, #tpu.memory_space<vmem>>, vector<16xi32>, vector<16xi1>
    %swap3A_192 = arith.index_cast %min3A_136 : i32 to index
    %swap3A_193 = tpu.vector_load %arg25[%swap3A_192] masked %and3A {strides = array<i32>} : memref<128xi32, #tpu.memory_space<vmem>>, vector<16xi32>, vector<16xi1>
    tpu.vector_store %arg25[%swap3A_192], %get3A_108 masked %and3A {strides = array<i32>} : memref<128xi32, #tpu.memory_space<vmem>>, vector<16xi32>, vector<16xi1>
    %all_reduce_population_count3A = tpu.all_reduce %and3A {dim = 0 : i64, kind = #tpu.reduction_kind<sum>} : vector<16xi1> -> vector<16xi32>
    %reduce_max3A = arith.constant true
    %reduce_max3A_194 = vector.broadcast %reduce_max3A : i1 to vector<16xi1>
    %reduce_max3A_195 = arith.constant -2147483648 : i32
    %reduce_max3A_196 = vector.broadcast %reduce_max3A_195 : i32 to vector<16xi32>
    %reduce_max3A_197 = arith.xori %all_reduce_population_count3A, %reduce_max3A_196 : vector<16xi32>
    %reduce_max3A_198 = tpu.scan <max>, %reduce_max3A_197 masked %reduce_max3A_194 : vector<16xi32>, vector<16xi1> -> vector<16xi32>
    %reduce_max3A_199 = arith.xori %reduce_max3A_198, %reduce_max3A_196 : vector<16xi32>
    %reduce_max3A_200 = vector.extract %reduce_max3A_199[15] : i32 from vector<16xi32>
    %add3A_201 = arith.constant 0 : i32
    %add3A_202 = arith.addi %add3A_201, %reduce_max3A_200 : i32
    %lt3A_203 = arith.cmpi slt, %while3A_124#1, %broadcast_in_dim3A_1 : vector<16xi32>
    %gt3A_204 = arith.constant 0 : i32
    %gt3A_205 = vector.broadcast %gt3A_204 : i32 to vector<16xi32>
    %gt3A_206 = arith.cmpi sgt, %get3A_102, %gt3A_205 : vector<16xi32>
    %and3A_207 = arith.andi %lt3A_203, %gt3A_206 : vector<16xi1>
    %min3A_208 = arith.constant 112 : i32
    %min3A_209 = arith.minsi %add3A_202, %min3A_208 : i32
    %add3A_210 = arith.constant 1056964608 : i32
    %add3A_211 = vector.broadcast %add3A_210 : i32 to vector<16xi32>
    %add3A_212 = arith.addi %get3A_102, %add3A_211 : vector<16xi32>
    %bitcast_convert_type3A_213 = tpu.bitcast %add3A_212 : vector<16xi32> -> vector<16xf32>
    %swap3A_214 = arith.index_cast %min3A_209 : i32 to index
    %swap3A_215 = tpu.vector_load %arg21[%swap3A_214] masked %and3A_207 {strides = array<i32>} : memref<128xi32, #tpu.memory_space<vmem>>, vector<16xi32>, vector<16xi1>
    tpu.vector_store %arg21[%swap3A_214], %while3A_124#1 masked %and3A_207 {strides = array<i32>} : memref<128xi32, #tpu.memory_space<vmem>>, vector<16xi32>, vector<16xi1>
    %swap3A_216 = arith.index_cast %min3A_209 : i32 to index
    %swap3A_217 = tpu.vector_load %arg22[%swap3A_216] masked %and3A_207 {strides = array<i32>} : memref<128xf32, #tpu.memory_space<vmem>>, vector<16xf32>, vector<16xi1>
    tpu.vector_store %arg22[%swap3A_216], %bitcast_convert_type3A_213 masked %and3A_207 {strides = array<i32>} : memref<128xf32, #tpu.memory_space<vmem>>, vector<16xf32>, vector<16xi1>
    %jit3A_218 = arith.constant 15 : i32
    %eq3A_219 = arith.constant 0 : i32
    %eq3A_220 = arith.cmpi eq, %jit3A_218, %eq3A_219 : i32
    %jit3A_221 = arith.constant 1 : i32
    %select_n3A_222 = arith.select %eq3A_220, %jit3A_221, %jit3A_218 : i32
    %rem3A_223 = vector.broadcast %select_n3A_222 : i32 to vector<16xi32>
    %rem3A_224 = arith.remsi %get3A_110, %rem3A_223 : vector<16xi32>
    %ne3A_225 = arith.constant 0 : i32
    %ne3A_226 = vector.broadcast %ne3A_225 : i32 to vector<16xi32>
    %ne3A_227 = arith.cmpi ne, %rem3A_224, %ne3A_226 : vector<16xi32>
    %lt3A_228 = arith.constant 0 : i32
    %lt3A_229 = vector.broadcast %lt3A_228 : i32 to vector<16xi32>
    %lt3A_230 = arith.cmpi slt, %rem3A_224, %lt3A_229 : vector<16xi32>
    %lt3A_231 = arith.constant 0 : i32
    %lt3A_232 = arith.cmpi slt, %select_n3A_222, %lt3A_231 : i32
    %ne3A_233 = vector.broadcast %lt3A_232 : i1 to vector<16xi1>
    %ne3A_234 = vector.broadcast %ne3A_233 : vector<16xi1> to vector<16xi1>
    %ne3A_235 = arith.xori %lt3A_230, %ne3A_234 : vector<16xi1>
    %and3A_236 = arith.andi %ne3A_235, %ne3A_227 : vector<16xi1>
    %add3A_237 = vector.broadcast %select_n3A_222 : i32 to vector<16xi32>
    %add3A_238 = arith.addi %rem3A_224, %add3A_237 : vector<16xi32>
    %select_n3A_239 = arith.select %and3A_236, %add3A_238, %rem3A_224 : vector<16xi1>, vector<16xi32>
    %swap3A_240 = arith.index_cast %min3A_209 : i32 to index
    %swap3A_241 = tpu.vector_load %arg23[%swap3A_240] masked %and3A_207 {strides = array<i32>} : memref<128xi32, #tpu.memory_space<vmem>>, vector<16xi32>, vector<16xi1>
    tpu.vector_store %arg23[%swap3A_240], %select_n3A_239 masked %and3A_207 {strides = array<i32>} : memref<128xi32, #tpu.memory_space<vmem>>, vector<16xi32>, vector<16xi1>
    %jit3A_242 = arith.constant 15 : i32
    %div3A_243 = vector.broadcast %jit3A_242 : i32 to vector<16xi32>
    %div3A_244 = arith.divsi %get3A_110, %div3A_243 : vector<16xi32>
    %sign3A_245 = arith.constant 0 : i32
    %sign3A_246 = vector.broadcast %sign3A_245 : i32 to vector<16xi32>
    %sign3A_247 = arith.cmpi sgt, %get3A_110, %sign3A_246 : vector<16xi32>
    %sign3A_248 = arith.extui %sign3A_247 : vector<16xi1> to vector<16xi32>
    %sign3A_249 = arith.constant 0 : i32
    %sign3A_250 = vector.broadcast %sign3A_249 : i32 to vector<16xi32>
    %sign3A_251 = arith.cmpi slt, %get3A_110, %sign3A_250 : vector<16xi32>
    %sign3A_252 = arith.extui %sign3A_251 : vector<16xi1> to vector<16xi32>
    %sign3A_253 = arith.subi %sign3A_248, %sign3A_252 : vector<16xi32>
    %sign3A_254 = arith.constant 0 : i32
    %sign3A_255 = arith.cmpi sgt, %jit3A_242, %sign3A_254 : i32
    %sign3A_256 = arith.extui %sign3A_255 : i1 to i32
    %sign3A_257 = arith.constant 0 : i32
    %sign3A_258 = arith.cmpi slt, %jit3A_242, %sign3A_257 : i32
    %sign3A_259 = arith.extui %sign3A_258 : i1 to i32
    %sign3A_260 = arith.subi %sign3A_256, %sign3A_259 : i32
    %ne3A_261 = vector.broadcast %sign3A_260 : i32 to vector<16xi32>
    %ne3A_262 = arith.cmpi ne, %sign3A_253, %ne3A_261 : vector<16xi32>
    %rem3A_263 = vector.broadcast %jit3A_242 : i32 to vector<16xi32>
    %rem3A_264 = arith.remsi %get3A_110, %rem3A_263 : vector<16xi32>
    %ne3A_265 = arith.constant 0 : i32
    %ne3A_266 = vector.broadcast %ne3A_265 : i32 to vector<16xi32>
    %ne3A_267 = arith.cmpi ne, %rem3A_264, %ne3A_266 : vector<16xi32>
    %and3A_268 = arith.andi %ne3A_262, %ne3A_267 : vector<16xi1>
    %sub3A_269 = arith.constant 1 : i32
    %sub3A_270 = vector.broadcast %sub3A_269 : i32 to vector<16xi32>
    %sub3A_271 = arith.subi %div3A_244, %sub3A_270 : vector<16xi32>
    %select_n3A_272 = arith.select %and3A_268, %sub3A_271, %div3A_244 : vector<16xi1>, vector<16xi32>
    %swap3A_273 = arith.index_cast %min3A_209 : i32 to index
    %swap3A_274 = tpu.vector_load %arg24[%swap3A_273] masked %and3A_207 {strides = array<i32>} : memref<128xi32, #tpu.memory_space<vmem>>, vector<16xi32>, vector<16xi1>
    tpu.vector_store %arg24[%swap3A_273], %select_n3A_272 masked %and3A_207 {strides = array<i32>} : memref<128xi32, #tpu.memory_space<vmem>>, vector<16xi32>, vector<16xi1>
    %swap3A_275 = arith.index_cast %min3A_209 : i32 to index
    %swap3A_276 = tpu.vector_load %arg25[%swap3A_275] masked %and3A_207 {strides = array<i32>} : memref<128xi32, #tpu.memory_space<vmem>>, vector<16xi32>, vector<16xi1>
    tpu.vector_store %arg25[%swap3A_275], %get3A_110 masked %and3A_207 {strides = array<i32>} : memref<128xi32, #tpu.memory_space<vmem>>, vector<16xi32>, vector<16xi1>
    %all_reduce_population_count3A_277 = tpu.all_reduce %and3A_207 {dim = 0 : i64, kind = #tpu.reduction_kind<sum>} : vector<16xi1> -> vector<16xi32>
    %reduce_max3A_278 = arith.constant true
    %reduce_max3A_279 = vector.broadcast %reduce_max3A_278 : i1 to vector<16xi1>
    %reduce_max3A_280 = arith.constant -2147483648 : i32
    %reduce_max3A_281 = vector.broadcast %reduce_max3A_280 : i32 to vector<16xi32>
    %reduce_max3A_282 = arith.xori %all_reduce_population_count3A_277, %reduce_max3A_281 : vector<16xi32>
    %reduce_max3A_283 = tpu.scan <max>, %reduce_max3A_282 masked %reduce_max3A_279 : vector<16xi32>, vector<16xi1> -> vector<16xi32>
    %reduce_max3A_284 = arith.xori %reduce_max3A_283, %reduce_max3A_281 : vector<16xi32>
    %reduce_max3A_285 = vector.extract %reduce_max3A_284[15] : i32 from vector<16xi32>
    %add3A_286 = arith.addi %add3A_202, %reduce_max3A_285 : i32
    %lt3A_287 = arith.cmpi slt, %while3A_124#2, %broadcast_in_dim3A_1 : vector<16xi32>
    %gt3A_288 = arith.constant 0 : i32
    %gt3A_289 = vector.broadcast %gt3A_288 : i32 to vector<16xi32>
    %gt3A_290 = arith.cmpi sgt, %get3A_104, %gt3A_289 : vector<16xi32>
    %and3A_291 = arith.andi %lt3A_287, %gt3A_290 : vector<16xi1>
    %min3A_292 = arith.constant 112 : i32
    %min3A_293 = arith.minsi %add3A_286, %min3A_292 : i32
    %add3A_294 = arith.constant 1056964608 : i32
    %add3A_295 = vector.broadcast %add3A_294 : i32 to vector<16xi32>
    %add3A_296 = arith.addi %get3A_104, %add3A_295 : vector<16xi32>
    %bitcast_convert_type3A_297 = tpu.bitcast %add3A_296 : vector<16xi32> -> vector<16xf32>
    %swap3A_298 = arith.index_cast %min3A_293 : i32 to index
    %swap3A_299 = tpu.vector_load %arg21[%swap3A_298] masked %and3A_291 {strides = array<i32>} : memref<128xi32, #tpu.memory_space<vmem>>, vector<16xi32>, vector<16xi1>
    tpu.vector_store %arg21[%swap3A_298], %while3A_124#2 masked %and3A_291 {strides = array<i32>} : memref<128xi32, #tpu.memory_space<vmem>>, vector<16xi32>, vector<16xi1>
    %swap3A_300 = arith.index_cast %min3A_293 : i32 to index
    %swap3A_301 = tpu.vector_load %arg22[%swap3A_300] masked %and3A_291 {strides = array<i32>} : memref<128xf32, #tpu.memory_space<vmem>>, vector<16xf32>, vector<16xi1>
    tpu.vector_store %arg22[%swap3A_300], %bitcast_convert_type3A_297 masked %and3A_291 {strides = array<i32>} : memref<128xf32, #tpu.memory_space<vmem>>, vector<16xf32>, vector<16xi1>
    %jit3A_302 = arith.constant 15 : i32
    %eq3A_303 = arith.constant 0 : i32
    %eq3A_304 = arith.cmpi eq, %jit3A_302, %eq3A_303 : i32
    %jit3A_305 = arith.constant 1 : i32
    %select_n3A_306 = arith.select %eq3A_304, %jit3A_305, %jit3A_302 : i32
    %rem3A_307 = vector.broadcast %select_n3A_306 : i32 to vector<16xi32>
    %rem3A_308 = arith.remsi %get3A_112, %rem3A_307 : vector<16xi32>
    %ne3A_309 = arith.constant 0 : i32
    %ne3A_310 = vector.broadcast %ne3A_309 : i32 to vector<16xi32>
    %ne3A_311 = arith.cmpi ne, %rem3A_308, %ne3A_310 : vector<16xi32>
    %lt3A_312 = arith.constant 0 : i32
    %lt3A_313 = vector.broadcast %lt3A_312 : i32 to vector<16xi32>
    %lt3A_314 = arith.cmpi slt, %rem3A_308, %lt3A_313 : vector<16xi32>
    %lt3A_315 = arith.constant 0 : i32
    %lt3A_316 = arith.cmpi slt, %select_n3A_306, %lt3A_315 : i32
    %ne3A_317 = vector.broadcast %lt3A_316 : i1 to vector<16xi1>
    %ne3A_318 = vector.broadcast %ne3A_317 : vector<16xi1> to vector<16xi1>
    %ne3A_319 = arith.xori %lt3A_314, %ne3A_318 : vector<16xi1>
    %and3A_320 = arith.andi %ne3A_319, %ne3A_311 : vector<16xi1>
    %add3A_321 = vector.broadcast %select_n3A_306 : i32 to vector<16xi32>
    %add3A_322 = arith.addi %rem3A_308, %add3A_321 : vector<16xi32>
    %select_n3A_323 = arith.select %and3A_320, %add3A_322, %rem3A_308 : vector<16xi1>, vector<16xi32>
    %swap3A_324 = arith.index_cast %min3A_293 : i32 to index
    %swap3A_325 = tpu.vector_load %arg23[%swap3A_324] masked %and3A_291 {strides = array<i32>} : memref<128xi32, #tpu.memory_space<vmem>>, vector<16xi32>, vector<16xi1>
    tpu.vector_store %arg23[%swap3A_324], %select_n3A_323 masked %and3A_291 {strides = array<i32>} : memref<128xi32, #tpu.memory_space<vmem>>, vector<16xi32>, vector<16xi1>
    %jit3A_326 = arith.constant 15 : i32
    %div3A_327 = vector.broadcast %jit3A_326 : i32 to vector<16xi32>
    %div3A_328 = arith.divsi %get3A_112, %div3A_327 : vector<16xi32>
    %sign3A_329 = arith.constant 0 : i32
    %sign3A_330 = vector.broadcast %sign3A_329 : i32 to vector<16xi32>
    %sign3A_331 = arith.cmpi sgt, %get3A_112, %sign3A_330 : vector<16xi32>
    %sign3A_332 = arith.extui %sign3A_331 : vector<16xi1> to vector<16xi32>
    %sign3A_333 = arith.constant 0 : i32
    %sign3A_334 = vector.broadcast %sign3A_333 : i32 to vector<16xi32>
    %sign3A_335 = arith.cmpi slt, %get3A_112, %sign3A_334 : vector<16xi32>
    %sign3A_336 = arith.extui %sign3A_335 : vector<16xi1> to vector<16xi32>
    %sign3A_337 = arith.subi %sign3A_332, %sign3A_336 : vector<16xi32>
    %sign3A_338 = arith.constant 0 : i32
    %sign3A_339 = arith.cmpi sgt, %jit3A_326, %sign3A_338 : i32
    %sign3A_340 = arith.extui %sign3A_339 : i1 to i32
    %sign3A_341 = arith.constant 0 : i32
    %sign3A_342 = arith.cmpi slt, %jit3A_326, %sign3A_341 : i32
    %sign3A_343 = arith.extui %sign3A_342 : i1 to i32
    %sign3A_344 = arith.subi %sign3A_340, %sign3A_343 : i32
    %ne3A_345 = vector.broadcast %sign3A_344 : i32 to vector<16xi32>
    %ne3A_346 = arith.cmpi ne, %sign3A_337, %ne3A_345 : vector<16xi32>
    %rem3A_347 = vector.broadcast %jit3A_326 : i32 to vector<16xi32>
    %rem3A_348 = arith.remsi %get3A_112, %rem3A_347 : vector<16xi32>
    %ne3A_349 = arith.constant 0 : i32
    %ne3A_350 = vector.broadcast %ne3A_349 : i32 to vector<16xi32>
    %ne3A_351 = arith.cmpi ne, %rem3A_348, %ne3A_350 : vector<16xi32>
    %and3A_352 = arith.andi %ne3A_346, %ne3A_351 : vector<16xi1>
    %sub3A_353 = arith.constant 1 : i32
    %sub3A_354 = vector.broadcast %sub3A_353 : i32 to vector<16xi32>
    %sub3A_355 = arith.subi %div3A_328, %sub3A_354 : vector<16xi32>
    %select_n3A_356 = arith.select %and3A_352, %sub3A_355, %div3A_328 : vector<16xi1>, vector<16xi32>
    %swap3A_357 = arith.index_cast %min3A_293 : i32 to index
    %swap3A_358 = tpu.vector_load %arg24[%swap3A_357] masked %and3A_291 {strides = array<i32>} : memref<128xi32, #tpu.memory_space<vmem>>, vector<16xi32>, vector<16xi1>
    tpu.vector_store %arg24[%swap3A_357], %select_n3A_356 masked %and3A_291 {strides = array<i32>} : memref<128xi32, #tpu.memory_space<vmem>>, vector<16xi32>, vector<16xi1>
    %swap3A_359 = arith.index_cast %min3A_293 : i32 to index
    %swap3A_360 = tpu.vector_load %arg25[%swap3A_359] masked %and3A_291 {strides = array<i32>} : memref<128xi32, #tpu.memory_space<vmem>>, vector<16xi32>, vector<16xi1>
    tpu.vector_store %arg25[%swap3A_359], %get3A_112 masked %and3A_291 {strides = array<i32>} : memref<128xi32, #tpu.memory_space<vmem>>, vector<16xi32>, vector<16xi1>
    %all_reduce_population_count3A_361 = tpu.all_reduce %and3A_291 {dim = 0 : i64, kind = #tpu.reduction_kind<sum>} : vector<16xi1> -> vector<16xi32>
    %reduce_max3A_362 = arith.constant true
    %reduce_max3A_363 = vector.broadcast %reduce_max3A_362 : i1 to vector<16xi1>
    %reduce_max3A_364 = arith.constant -2147483648 : i32
    %reduce_max3A_365 = vector.broadcast %reduce_max3A_364 : i32 to vector<16xi32>
    %reduce_max3A_366 = arith.xori %all_reduce_population_count3A_361, %reduce_max3A_365 : vector<16xi32>
    %reduce_max3A_367 = tpu.scan <max>, %reduce_max3A_366 masked %reduce_max3A_363 : vector<16xi32>, vector<16xi1> -> vector<16xi32>
    %reduce_max3A_368 = arith.xori %reduce_max3A_367, %reduce_max3A_365 : vector<16xi32>
    %reduce_max3A_369 = vector.extract %reduce_max3A_368[15] : i32 from vector<16xi32>
    %add3A_370 = arith.addi %add3A_286, %reduce_max3A_369 : i32
    %lt3A_371 = arith.cmpi slt, %while3A_124#3, %broadcast_in_dim3A_1 : vector<16xi32>
    %gt3A_372 = arith.constant 0 : i32
    %gt3A_373 = vector.broadcast %gt3A_372 : i32 to vector<16xi32>
    %gt3A_374 = arith.cmpi sgt, %get3A_106, %gt3A_373 : vector<16xi32>
    %and3A_375 = arith.andi %lt3A_371, %gt3A_374 : vector<16xi1>
    %min3A_376 = arith.constant 112 : i32
    %min3A_377 = arith.minsi %add3A_370, %min3A_376 : i32
    %add3A_378 = arith.constant 1056964608 : i32
    %add3A_379 = vector.broadcast %add3A_378 : i32 to vector<16xi32>
    %add3A_380 = arith.addi %get3A_106, %add3A_379 : vector<16xi32>
    %bitcast_convert_type3A_381 = tpu.bitcast %add3A_380 : vector<16xi32> -> vector<16xf32>
    %swap3A_382 = arith.index_cast %min3A_377 : i32 to index
    %swap3A_383 = tpu.vector_load %arg21[%swap3A_382] masked %and3A_375 {strides = array<i32>} : memref<128xi32, #tpu.memory_space<vmem>>, vector<16xi32>, vector<16xi1>
    tpu.vector_store %arg21[%swap3A_382], %while3A_124#3 masked %and3A_375 {strides = array<i32>} : memref<128xi32, #tpu.memory_space<vmem>>, vector<16xi32>, vector<16xi1>
    %swap3A_384 = arith.index_cast %min3A_377 : i32 to index
    %swap3A_385 = tpu.vector_load %arg22[%swap3A_384] masked %and3A_375 {strides = array<i32>} : memref<128xf32, #tpu.memory_space<vmem>>, vector<16xf32>, vector<16xi1>
    tpu.vector_store %arg22[%swap3A_384], %bitcast_convert_type3A_381 masked %and3A_375 {strides = array<i32>} : memref<128xf32, #tpu.memory_space<vmem>>, vector<16xf32>, vector<16xi1>
    %jit3A_386 = arith.constant 15 : i32
    %eq3A_387 = arith.constant 0 : i32
    %eq3A_388 = arith.cmpi eq, %jit3A_386, %eq3A_387 : i32
    %jit3A_389 = arith.constant 1 : i32
    %select_n3A_390 = arith.select %eq3A_388, %jit3A_389, %jit3A_386 : i32
    %rem3A_391 = vector.broadcast %select_n3A_390 : i32 to vector<16xi32>
    %rem3A_392 = arith.remsi %get3A_114, %rem3A_391 : vector<16xi32>
    %ne3A_393 = arith.constant 0 : i32
    %ne3A_394 = vector.broadcast %ne3A_393 : i32 to vector<16xi32>
    %ne3A_395 = arith.cmpi ne, %rem3A_392, %ne3A_394 : vector<16xi32>
    %lt3A_396 = arith.constant 0 : i32
    %lt3A_397 = vector.broadcast %lt3A_396 : i32 to vector<16xi32>
    %lt3A_398 = arith.cmpi slt, %rem3A_392, %lt3A_397 : vector<16xi32>
    %lt3A_399 = arith.constant 0 : i32
    %lt3A_400 = arith.cmpi slt, %select_n3A_390, %lt3A_399 : i32
    %ne3A_401 = vector.broadcast %lt3A_400 : i1 to vector<16xi1>
    %ne3A_402 = vector.broadcast %ne3A_401 : vector<16xi1> to vector<16xi1>
    %ne3A_403 = arith.xori %lt3A_398, %ne3A_402 : vector<16xi1>
    %and3A_404 = arith.andi %ne3A_403, %ne3A_395 : vector<16xi1>
    %add3A_405 = vector.broadcast %select_n3A_390 : i32 to vector<16xi32>
    %add3A_406 = arith.addi %rem3A_392, %add3A_405 : vector<16xi32>
    %select_n3A_407 = arith.select %and3A_404, %add3A_406, %rem3A_392 : vector<16xi1>, vector<16xi32>
    %swap3A_408 = arith.index_cast %min3A_377 : i32 to index
    %swap3A_409 = tpu.vector_load %arg23[%swap3A_408] masked %and3A_375 {strides = array<i32>} : memref<128xi32, #tpu.memory_space<vmem>>, vector<16xi32>, vector<16xi1>
    tpu.vector_store %arg23[%swap3A_408], %select_n3A_407 masked %and3A_375 {strides = array<i32>} : memref<128xi32, #tpu.memory_space<vmem>>, vector<16xi32>, vector<16xi1>
    %jit3A_410 = arith.constant 15 : i32
    %div3A_411 = vector.broadcast %jit3A_410 : i32 to vector<16xi32>
    %div3A_412 = arith.divsi %get3A_114, %div3A_411 : vector<16xi32>
    %sign3A_413 = arith.constant 0 : i32
    %sign3A_414 = vector.broadcast %sign3A_413 : i32 to vector<16xi32>
    %sign3A_415 = arith.cmpi sgt, %get3A_114, %sign3A_414 : vector<16xi32>
    %sign3A_416 = arith.extui %sign3A_415 : vector<16xi1> to vector<16xi32>
    %sign3A_417 = arith.constant 0 : i32
    %sign3A_418 = vector.broadcast %sign3A_417 : i32 to vector<16xi32>
    %sign3A_419 = arith.cmpi slt, %get3A_114, %sign3A_418 : vector<16xi32>
    %sign3A_420 = arith.extui %sign3A_419 : vector<16xi1> to vector<16xi32>
    %sign3A_421 = arith.subi %sign3A_416, %sign3A_420 : vector<16xi32>
    %sign3A_422 = arith.constant 0 : i32
    %sign3A_423 = arith.cmpi sgt, %jit3A_410, %sign3A_422 : i32
    %sign3A_424 = arith.extui %sign3A_423 : i1 to i32
    %sign3A_425 = arith.constant 0 : i32
    %sign3A_426 = arith.cmpi slt, %jit3A_410, %sign3A_425 : i32
    %sign3A_427 = arith.extui %sign3A_426 : i1 to i32
    %sign3A_428 = arith.subi %sign3A_424, %sign3A_427 : i32
    %ne3A_429 = vector.broadcast %sign3A_428 : i32 to vector<16xi32>
    %ne3A_430 = arith.cmpi ne, %sign3A_421, %ne3A_429 : vector<16xi32>
    %rem3A_431 = vector.broadcast %jit3A_410 : i32 to vector<16xi32>
    %rem3A_432 = arith.remsi %get3A_114, %rem3A_431 : vector<16xi32>
    %ne3A_433 = arith.constant 0 : i32
    %ne3A_434 = vector.broadcast %ne3A_433 : i32 to vector<16xi32>
    %ne3A_435 = arith.cmpi ne, %rem3A_432, %ne3A_434 : vector<16xi32>
    %and3A_436 = arith.andi %ne3A_430, %ne3A_435 : vector<16xi1>
    %sub3A_437 = arith.constant 1 : i32
    %sub3A_438 = vector.broadcast %sub3A_437 : i32 to vector<16xi32>
    %sub3A_439 = arith.subi %div3A_412, %sub3A_438 : vector<16xi32>
    %select_n3A_440 = arith.select %and3A_436, %sub3A_439, %div3A_412 : vector<16xi1>, vector<16xi32>
    %swap3A_441 = arith.index_cast %min3A_377 : i32 to index
    %swap3A_442 = tpu.vector_load %arg24[%swap3A_441] masked %and3A_375 {strides = array<i32>} : memref<128xi32, #tpu.memory_space<vmem>>, vector<16xi32>, vector<16xi1>
    tpu.vector_store %arg24[%swap3A_441], %select_n3A_440 masked %and3A_375 {strides = array<i32>} : memref<128xi32, #tpu.memory_space<vmem>>, vector<16xi32>, vector<16xi1>
    %swap3A_443 = arith.index_cast %min3A_377 : i32 to index
    %swap3A_444 = tpu.vector_load %arg25[%swap3A_443] masked %and3A_375 {strides = array<i32>} : memref<128xi32, #tpu.memory_space<vmem>>, vector<16xi32>, vector<16xi1>
    tpu.vector_store %arg25[%swap3A_443], %get3A_114 masked %and3A_375 {strides = array<i32>} : memref<128xi32, #tpu.memory_space<vmem>>, vector<16xi32>, vector<16xi1>
    %all_reduce_population_count3A_445 = tpu.all_reduce %and3A_375 {dim = 0 : i64, kind = #tpu.reduction_kind<sum>} : vector<16xi1> -> vector<16xi32>
    %reduce_max3A_446 = arith.constant true
    %reduce_max3A_447 = vector.broadcast %reduce_max3A_446 : i1 to vector<16xi1>
    %reduce_max3A_448 = arith.constant -2147483648 : i32
    %reduce_max3A_449 = vector.broadcast %reduce_max3A_448 : i32 to vector<16xi32>
    %reduce_max3A_450 = arith.xori %all_reduce_population_count3A_445, %reduce_max3A_449 : vector<16xi32>
    %reduce_max3A_451 = tpu.scan <max>, %reduce_max3A_450 masked %reduce_max3A_447 : vector<16xi32>, vector<16xi1> -> vector<16xi32>
    %reduce_max3A_452 = arith.xori %reduce_max3A_451, %reduce_max3A_449 : vector<16xi32>
    %reduce_max3A_453 = vector.extract %reduce_max3A_452[15] : i32 from vector<16xi32>
    %add3A_454 = arith.addi %add3A_370, %reduce_max3A_453 : i32
    %mul3A_455 = arith.constant 128 : i32
    %mul3A_456 = arith.muli %arg1, %mul3A_455 : i32
    %dma_start3A_457 = tpu.memref_slice %arg41[%mul3A_456] : memref<2048xi32, #tpu.memory_space<vmem_shared>> -> memref<128xi32, #tpu.memory_space<vmem_shared>>
    %dma_start3A_458 = tpu.memref_slice %arg41[%mul3A_456] : memref<2048xi32, #tpu.memory_space<vmem_shared>> -> memref<128xi32, #tpu.memory_space<vmem_shared>>
    tpu.enqueue_dma source(%arg21 : memref<128xi32, #tpu.memory_space<vmem>>) target(%dma_start3A_458 : memref<128xi32, #tpu.memory_space<vmem_shared>>) target_semaphore(%arg46 : memref<!tpu.dma_semaphore, #tpu.memory_space<semaphore_mem>>)
    %mul3A_459 = arith.constant 128 : i32
    %mul3A_460 = arith.muli %arg1, %mul3A_459 : i32
    %dma_start3A_461 = tpu.memref_slice %arg42[%mul3A_460] : memref<2048xf32, #tpu.memory_space<vmem_shared>> -> memref<128xf32, #tpu.memory_space<vmem_shared>>
    %dma_start3A_462 = tpu.memref_slice %arg42[%mul3A_460] : memref<2048xf32, #tpu.memory_space<vmem_shared>> -> memref<128xf32, #tpu.memory_space<vmem_shared>>
    tpu.enqueue_dma source(%arg22 : memref<128xf32, #tpu.memory_space<vmem>>) target(%dma_start3A_462 : memref<128xf32, #tpu.memory_space<vmem_shared>>) target_semaphore(%arg46 : memref<!tpu.dma_semaphore, #tpu.memory_space<semaphore_mem>>)
    %mul3A_463 = arith.constant 128 : i32
    %mul3A_464 = arith.muli %arg1, %mul3A_463 : i32
    %dma_start3A_465 = tpu.memref_slice %arg43[%mul3A_464] : memref<2048xi32, #tpu.memory_space<vmem_shared>> -> memref<128xi32, #tpu.memory_space<vmem_shared>>
    %dma_start3A_466 = tpu.memref_slice %arg43[%mul3A_464] : memref<2048xi32, #tpu.memory_space<vmem_shared>> -> memref<128xi32, #tpu.memory_space<vmem_shared>>
    tpu.enqueue_dma source(%arg23 : memref<128xi32, #tpu.memory_space<vmem>>) target(%dma_start3A_466 : memref<128xi32, #tpu.memory_space<vmem_shared>>) target_semaphore(%arg46 : memref<!tpu.dma_semaphore, #tpu.memory_space<semaphore_mem>>)
    %mul3A_467 = arith.constant 128 : i32
    %mul3A_468 = arith.muli %arg1, %mul3A_467 : i32
    %dma_start3A_469 = tpu.memref_slice %arg44[%mul3A_468] : memref<2048xi32, #tpu.memory_space<vmem_shared>> -> memref<128xi32, #tpu.memory_space<vmem_shared>>
    %dma_start3A_470 = tpu.memref_slice %arg44[%mul3A_468] : memref<2048xi32, #tpu.memory_space<vmem_shared>> -> memref<128xi32, #tpu.memory_space<vmem_shared>>
    tpu.enqueue_dma source(%arg24 : memref<128xi32, #tpu.memory_space<vmem>>) target(%dma_start3A_470 : memref<128xi32, #tpu.memory_space<vmem_shared>>) target_semaphore(%arg46 : memref<!tpu.dma_semaphore, #tpu.memory_space<semaphore_mem>>)
    %mul3A_471 = arith.constant 128 : i32
    %mul3A_472 = arith.muli %arg1, %mul3A_471 : i32
    %dma_start3A_473 = tpu.memref_slice %arg45[%mul3A_472] : memref<2048xi32, #tpu.memory_space<vmem_shared>> -> memref<128xi32, #tpu.memory_space<vmem_shared>>
    %dma_start3A_474 = tpu.memref_slice %arg45[%mul3A_472] : memref<2048xi32, #tpu.memory_space<vmem_shared>> -> memref<128xi32, #tpu.memory_space<vmem_shared>>
    tpu.enqueue_dma source(%arg25 : memref<128xi32, #tpu.memory_space<vmem>>) target(%dma_start3A_474 : memref<128xi32, #tpu.memory_space<vmem_shared>>) target_semaphore(%arg46 : memref<!tpu.dma_semaphore, #tpu.memory_space<semaphore_mem>>)
    %dma_wait3A_475 = tpu.memref_slice %arg41[%mul3A_456] : memref<2048xi32, #tpu.memory_space<vmem_shared>> -> memref<128xi32, #tpu.memory_space<vmem_shared>>
    %dma_wait3A_476 = tpu.memref_slice %arg41[%mul3A_456] : memref<2048xi32, #tpu.memory_space<vmem_shared>> -> memref<128xi32, #tpu.memory_space<vmem_shared>>
    tpu.wait_dma2 semaphore(%arg46 : memref<!tpu.dma_semaphore, #tpu.memory_space<semaphore_mem>>) src(%arg21 : memref<128xi32, #tpu.memory_space<vmem>>) dst(%dma_wait3A_476 : memref<128xi32, #tpu.memory_space<vmem_shared>>)
    %dma_wait3A_477 = tpu.memref_slice %arg42[%mul3A_460] : memref<2048xf32, #tpu.memory_space<vmem_shared>> -> memref<128xf32, #tpu.memory_space<vmem_shared>>
    %dma_wait3A_478 = tpu.memref_slice %arg42[%mul3A_460] : memref<2048xf32, #tpu.memory_space<vmem_shared>> -> memref<128xf32, #tpu.memory_space<vmem_shared>>
    tpu.wait_dma2 semaphore(%arg46 : memref<!tpu.dma_semaphore, #tpu.memory_space<semaphore_mem>>) src(%arg22 : memref<128xf32, #tpu.memory_space<vmem>>) dst(%dma_wait3A_478 : memref<128xf32, #tpu.memory_space<vmem_shared>>)
    %dma_wait3A_479 = tpu.memref_slice %arg43[%mul3A_464] : memref<2048xi32, #tpu.memory_space<vmem_shared>> -> memref<128xi32, #tpu.memory_space<vmem_shared>>
    %dma_wait3A_480 = tpu.memref_slice %arg43[%mul3A_464] : memref<2048xi32, #tpu.memory_space<vmem_shared>> -> memref<128xi32, #tpu.memory_space<vmem_shared>>
    tpu.wait_dma2 semaphore(%arg46 : memref<!tpu.dma_semaphore, #tpu.memory_space<semaphore_mem>>) src(%arg23 : memref<128xi32, #tpu.memory_space<vmem>>) dst(%dma_wait3A_480 : memref<128xi32, #tpu.memory_space<vmem_shared>>)
    %dma_wait3A_481 = tpu.memref_slice %arg44[%mul3A_468] : memref<2048xi32, #tpu.memory_space<vmem_shared>> -> memref<128xi32, #tpu.memory_space<vmem_shared>>
    %dma_wait3A_482 = tpu.memref_slice %arg44[%mul3A_468] : memref<2048xi32, #tpu.memory_space<vmem_shared>> -> memref<128xi32, #tpu.memory_space<vmem_shared>>
    tpu.wait_dma2 semaphore(%arg46 : memref<!tpu.dma_semaphore, #tpu.memory_space<semaphore_mem>>) src(%arg24 : memref<128xi32, #tpu.memory_space<vmem>>) dst(%dma_wait3A_482 : memref<128xi32, #tpu.memory_space<vmem_shared>>)
    %dma_wait3A_483 = tpu.memref_slice %arg45[%mul3A_472] : memref<2048xi32, #tpu.memory_space<vmem_shared>> -> memref<128xi32, #tpu.memory_space<vmem_shared>>
    %dma_wait3A_484 = tpu.memref_slice %arg45[%mul3A_472] : memref<2048xi32, #tpu.memory_space<vmem_shared>> -> memref<128xi32, #tpu.memory_space<vmem_shared>>
    tpu.wait_dma2 semaphore(%arg46 : memref<!tpu.dma_semaphore, #tpu.memory_space<semaphore_mem>>) src(%arg25 : memref<128xi32, #tpu.memory_space<vmem>>) dst(%dma_wait3A_484 : memref<128xi32, #tpu.memory_space<vmem_shared>>)
    %barrier3A_485 = arith.constant 0 : index
    tpu.barrier barrier_id(%barrier3A_485)
    tpu.enqueue_dma source(%arg41 : memref<2048xi32, #tpu.memory_space<vmem_shared>>) target(%arg26 : memref<2048xi32, #tpu.memory_space<vmem>>) target_semaphore(%arg46 : memref<!tpu.dma_semaphore, #tpu.memory_space<semaphore_mem>>)
    tpu.enqueue_dma source(%arg42 : memref<2048xf32, #tpu.memory_space<vmem_shared>>) target(%arg27 : memref<2048xf32, #tpu.memory_space<vmem>>) target_semaphore(%arg46 : memref<!tpu.dma_semaphore, #tpu.memory_space<semaphore_mem>>)
    tpu.enqueue_dma source(%arg43 : memref<2048xi32, #tpu.memory_space<vmem_shared>>) target(%arg28 : memref<2048xi32, #tpu.memory_space<vmem>>) target_semaphore(%arg46 : memref<!tpu.dma_semaphore, #tpu.memory_space<semaphore_mem>>)
    tpu.enqueue_dma source(%arg44 : memref<2048xi32, #tpu.memory_space<vmem_shared>>) target(%arg29 : memref<2048xi32, #tpu.memory_space<vmem>>) target_semaphore(%arg46 : memref<!tpu.dma_semaphore, #tpu.memory_space<semaphore_mem>>)
    tpu.enqueue_dma source(%arg45 : memref<2048xi32, #tpu.memory_space<vmem_shared>>) target(%arg30 : memref<2048xi32, #tpu.memory_space<vmem>>) target_semaphore(%arg46 : memref<!tpu.dma_semaphore, #tpu.memory_space<semaphore_mem>>)
    tpu.wait_dma2 semaphore(%arg46 : memref<!tpu.dma_semaphore, #tpu.memory_space<semaphore_mem>>) src(%arg41 : memref<2048xi32, #tpu.memory_space<vmem_shared>>) dst(%arg26 : memref<2048xi32, #tpu.memory_space<vmem>>)
    tpu.wait_dma2 semaphore(%arg46 : memref<!tpu.dma_semaphore, #tpu.memory_space<semaphore_mem>>) src(%arg42 : memref<2048xf32, #tpu.memory_space<vmem_shared>>) dst(%arg27 : memref<2048xf32, #tpu.memory_space<vmem>>)
    tpu.wait_dma2 semaphore(%arg46 : memref<!tpu.dma_semaphore, #tpu.memory_space<semaphore_mem>>) src(%arg43 : memref<2048xi32, #tpu.memory_space<vmem_shared>>) dst(%arg28 : memref<2048xi32, #tpu.memory_space<vmem>>)
    tpu.wait_dma2 semaphore(%arg46 : memref<!tpu.dma_semaphore, #tpu.memory_space<semaphore_mem>>) src(%arg44 : memref<2048xi32, #tpu.memory_space<vmem_shared>>) dst(%arg29 : memref<2048xi32, #tpu.memory_space<vmem>>)
    tpu.wait_dma2 semaphore(%arg46 : memref<!tpu.dma_semaphore, #tpu.memory_space<semaphore_mem>>) src(%arg45 : memref<2048xi32, #tpu.memory_space<vmem_shared>>) dst(%arg30 : memref<2048xi32, #tpu.memory_space<vmem>>)
    %broadcast_in_dim3A_486 = arith.constant -1.000000e+00 : f32
    %broadcast_in_dim3A_487 = vector.broadcast %broadcast_in_dim3A_486 : f32 to vector<16xf32>
    %broadcast_in_dim3A_488 = arith.constant -1 : i32
    %broadcast_in_dim3A_489 = vector.broadcast %broadcast_in_dim3A_488 : i32 to vector<16xi32>
    %swap3A_490 = arith.constant 0 : index
    %swap3A_491 = tpu.vector_load %arg31[%swap3A_490] {strides = array<i32>} : memref<32xf32, #tpu.memory_space<vmem>>, vector<16xf32>,
    tpu.vector_store %arg31[%swap3A_490], %broadcast_in_dim3A_487 {strides = array<i32>} : memref<32xf32, #tpu.memory_space<vmem>>, vector<16xf32>,
    %swap3A_492 = arith.constant 0 : index
    %swap3A_493 = tpu.vector_load %arg32[%swap3A_492] {strides = array<i32>} : memref<32xi32, #tpu.memory_space<vmem>>, vector<16xi32>,
    tpu.vector_store %arg32[%swap3A_492], %broadcast_in_dim3A_489 {strides = array<i32>} : memref<32xi32, #tpu.memory_space<vmem>>, vector<16xi32>,
    %swap3A_494 = arith.constant 0 : index
    %swap3A_495 = tpu.vector_load %arg33[%swap3A_494] {strides = array<i32>} : memref<32xi32, #tpu.memory_space<vmem>>, vector<16xi32>,
    tpu.vector_store %arg33[%swap3A_494], %broadcast_in_dim3A_489 {strides = array<i32>} : memref<32xi32, #tpu.memory_space<vmem>>, vector<16xi32>,
    %swap3A_496 = arith.constant 0 : index
    %swap3A_497 = tpu.vector_load %arg34[%swap3A_496] {strides = array<i32>} : memref<32xi32, #tpu.memory_space<vmem>>, vector<16xi32>,
    tpu.vector_store %arg34[%swap3A_496], %broadcast_in_dim3A_3 {strides = array<i32>} : memref<32xi32, #tpu.memory_space<vmem>>, vector<16xi32>,
    %swap3A_498 = arith.constant 16 : index
    %swap3A_499 = tpu.vector_load %arg31[%swap3A_498] {strides = array<i32>} : memref<32xf32, #tpu.memory_space<vmem>>, vector<16xf32>,
    tpu.vector_store %arg31[%swap3A_498], %broadcast_in_dim3A_487 {strides = array<i32>} : memref<32xf32, #tpu.memory_space<vmem>>, vector<16xf32>,
    %swap3A_500 = arith.constant 16 : index
    %swap3A_501 = tpu.vector_load %arg32[%swap3A_500] {strides = array<i32>} : memref<32xi32, #tpu.memory_space<vmem>>, vector<16xi32>,
    tpu.vector_store %arg32[%swap3A_500], %broadcast_in_dim3A_489 {strides = array<i32>} : memref<32xi32, #tpu.memory_space<vmem>>, vector<16xi32>,
    %swap3A_502 = arith.constant 16 : index
    %swap3A_503 = tpu.vector_load %arg33[%swap3A_502] {strides = array<i32>} : memref<32xi32, #tpu.memory_space<vmem>>, vector<16xi32>,
    tpu.vector_store %arg33[%swap3A_502], %broadcast_in_dim3A_489 {strides = array<i32>} : memref<32xi32, #tpu.memory_space<vmem>>, vector<16xi32>,
    %swap3A_504 = arith.constant 16 : index
    %swap3A_505 = tpu.vector_load %arg34[%swap3A_504] {strides = array<i32>} : memref<32xi32, #tpu.memory_space<vmem>>, vector<16xi32>,
    tpu.vector_store %arg34[%swap3A_504], %broadcast_in_dim3A_3 {strides = array<i32>} : memref<32xi32, #tpu.memory_space<vmem>>, vector<16xi32>,
    %mul3A_506 = arith.constant 32 : i32
    %mul3A_507 = arith.muli %arg1, %mul3A_506 : i32
    %scan3A_508 = arith.constant 0 : i32
    %scan3A_509 = arith.constant 0 : i32
    %scan3A_510 = arith.constant 128 : i32
    %scan3A_511 = arith.addi %scan3A_509, %scan3A_510 : i32
    %scan3A_512 = arith.constant 1 : i32
    %scan3A_513 = scf.for %scan3A_1715 = %scan3A_509 to %scan3A_511 step %scan3A_512 iter_args(%scan3A_1716 = %scan3A_508) -> (i32)  : i32 {
      %mul3A_1717 = arith.constant 16 : i32
      %mul3A_1718 = arith.muli %scan3A_1715, %mul3A_1717 : i32
      %get3A_1719 = arith.index_cast %mul3A_1718 : i32 to index
      %get3A_1720 = tpu.vector_load %arg26[%get3A_1719] {strides = array<i32>} : memref<2048xi32, #tpu.memory_space<vmem>>, vector<16xi32>,
      %sub3A_1721 = vector.broadcast %mul3A_507 : i32 to vector<16xi32>
      %sub3A_1722 = arith.subi %get3A_1720, %sub3A_1721 : vector<16xi32>
      %ge3A = arith.constant 0 : i32
      %ge3A_1723 = vector.broadcast %ge3A : i32 to vector<16xi32>
      %ge3A_1724 = arith.cmpi sge, %sub3A_1722, %ge3A_1723 : vector<16xi32>
      %lt3A_1725 = arith.constant 32 : i32
      %lt3A_1726 = vector.broadcast %lt3A_1725 : i32 to vector<16xi32>
      %lt3A_1727 = arith.cmpi slt, %sub3A_1722, %lt3A_1726 : vector<16xi32>
      %and3A_1728 = arith.andi %ge3A_1724, %lt3A_1727 : vector<16xi1>
      %mul3A_1729 = arith.constant 16 : i32
      %mul3A_1730 = arith.muli %scan3A_1715, %mul3A_1729 : i32
      %get3A_1731 = arith.index_cast %mul3A_1730 : i32 to index
      %get3A_1732 = tpu.vector_load %arg27[%get3A_1731] {strides = array<i32>} : memref<2048xf32, #tpu.memory_space<vmem>>, vector<16xf32>,
      tpu.vector_store_idx %arg31[%sub3A_1722], %get3A_1732 masked %and3A_1728 : memref<32xf32, #tpu.memory_space<vmem>>[vector<16xi32>], vector<16xf32>, vector<16xi1>
      %mul3A_1733 = arith.constant 16 : i32
      %mul3A_1734 = arith.muli %scan3A_1715, %mul3A_1733 : i32
      %get3A_1735 = arith.index_cast %mul3A_1734 : i32 to index
      %get3A_1736 = tpu.vector_load %arg28[%get3A_1735] {strides = array<i32>} : memref<2048xi32, #tpu.memory_space<vmem>>, vector<16xi32>,
      tpu.vector_store_idx %arg32[%sub3A_1722], %get3A_1736 masked %and3A_1728 : memref<32xi32, #tpu.memory_space<vmem>>[vector<16xi32>], vector<16xi32>, vector<16xi1>
      %mul3A_1737 = arith.constant 16 : i32
      %mul3A_1738 = arith.muli %scan3A_1715, %mul3A_1737 : i32
      %get3A_1739 = arith.index_cast %mul3A_1738 : i32 to index
      %get3A_1740 = tpu.vector_load %arg29[%get3A_1739] {strides = array<i32>} : memref<2048xi32, #tpu.memory_space<vmem>>, vector<16xi32>,
      tpu.vector_store_idx %arg33[%sub3A_1722], %get3A_1740 masked %and3A_1728 : memref<32xi32, #tpu.memory_space<vmem>>[vector<16xi32>], vector<16xi32>, vector<16xi1>
      %mul3A_1741 = arith.constant 16 : i32
      %mul3A_1742 = arith.muli %scan3A_1715, %mul3A_1741 : i32
      %get3A_1743 = arith.index_cast %mul3A_1742 : i32 to index
      %get3A_1744 = tpu.vector_load %arg30[%get3A_1743] {strides = array<i32>} : memref<2048xi32, #tpu.memory_space<vmem>>, vector<16xi32>,
      tpu.vector_store_idx %arg34[%sub3A_1722], %get3A_1744 masked %and3A_1728 : memref<32xi32, #tpu.memory_space<vmem>>[vector<16xi32>], vector<16xi32>, vector<16xi1>
      %scan3A_1745 = arith.constant 0 : i32
      scf.yield %scan3A_1745 : i32
    }
    %scan3A_514 = arith.constant 128 : i32
    %add3A_515 = arith.constant 0 : i32
    %add3A_516 = vector.broadcast %add3A_515 : i32 to vector<16xi32>
    %add3A_517 = arith.addi %add3A_516, %iota3A : vector<16xi32>
    %jit3A_518 = arith.constant 12 : i32
    %div3A_519 = vector.broadcast %jit3A_518 : i32 to vector<16xi32>
    %div3A_520 = arith.divsi %add3A_517, %div3A_519 : vector<16xi32>
    %sign3A_521 = arith.constant 0 : i32
    %sign3A_522 = vector.broadcast %sign3A_521 : i32 to vector<16xi32>
    %sign3A_523 = arith.cmpi sgt, %add3A_517, %sign3A_522 : vector<16xi32>
    %sign3A_524 = arith.extui %sign3A_523 : vector<16xi1> to vector<16xi32>
    %sign3A_525 = arith.constant 0 : i32
    %sign3A_526 = vector.broadcast %sign3A_525 : i32 to vector<16xi32>
    %sign3A_527 = arith.cmpi slt, %add3A_517, %sign3A_526 : vector<16xi32>
    %sign3A_528 = arith.extui %sign3A_527 : vector<16xi1> to vector<16xi32>
    %sign3A_529 = arith.subi %sign3A_524, %sign3A_528 : vector<16xi32>
    %sign3A_530 = arith.constant 0 : i32
    %sign3A_531 = arith.cmpi sgt, %jit3A_518, %sign3A_530 : i32
    %sign3A_532 = arith.extui %sign3A_531 : i1 to i32
    %sign3A_533 = arith.constant 0 : i32
    %sign3A_534 = arith.cmpi slt, %jit3A_518, %sign3A_533 : i32
    %sign3A_535 = arith.extui %sign3A_534 : i1 to i32
    %sign3A_536 = arith.subi %sign3A_532, %sign3A_535 : i32
    %ne3A_537 = vector.broadcast %sign3A_536 : i32 to vector<16xi32>
    %ne3A_538 = arith.cmpi ne, %sign3A_529, %ne3A_537 : vector<16xi32>
    %rem3A_539 = vector.broadcast %jit3A_518 : i32 to vector<16xi32>
    %rem3A_540 = arith.remsi %add3A_517, %rem3A_539 : vector<16xi32>
    %ne3A_541 = arith.constant 0 : i32
    %ne3A_542 = vector.broadcast %ne3A_541 : i32 to vector<16xi32>
    %ne3A_543 = arith.cmpi ne, %rem3A_540, %ne3A_542 : vector<16xi32>
    %and3A_544 = arith.andi %ne3A_538, %ne3A_543 : vector<16xi1>
    %sub3A_545 = arith.constant 1 : i32
    %sub3A_546 = vector.broadcast %sub3A_545 : i32 to vector<16xi32>
    %sub3A_547 = arith.subi %div3A_520, %sub3A_546 : vector<16xi32>
    %select_n3A_548 = arith.select %and3A_544, %sub3A_547, %div3A_520 : vector<16xi1>, vector<16xi32>
    %mul3A_549 = arith.constant 12 : i32
    %mul3A_550 = vector.broadcast %mul3A_549 : i32 to vector<16xi32>
    %mul3A_551 = arith.muli %select_n3A_548, %mul3A_550 : vector<16xi32>
    %sub3A_552 = arith.subi %add3A_517, %mul3A_551 : vector<16xi32>
    %gather3A = tpu.vector_load_idx %arg34[%select_n3A_548] : memref<32xi32, #tpu.memory_space<vmem>>[vector<16xi32>], vector<16xi32>,
    %mul3A_553 = arith.constant 12 : i32
    %mul3A_554 = vector.broadcast %mul3A_553 : i32 to vector<16xi32>
    %mul3A_555 = arith.muli %gather3A, %mul3A_554 : vector<16xi32>
    %add3A_556 = arith.addi %mul3A_555, %sub3A_552 : vector<16xi32>
    %swap3A_557 = arith.constant 0 : i32
    %swap3A_558 = arith.index_cast %swap3A_557 : i32 to index
    %swap3A_559 = arith.constant 0 : index
    %swap3A_560 = tpu.vector_load %arg35[%swap3A_558, %swap3A_559] {strides = array<i32>} : memref<3x128xi32, #tpu.memory_space<vmem>>, vector<16xi32>,
    tpu.vector_store %arg35[%swap3A_558, %swap3A_559], %add3A_556 {strides = array<i32>} : memref<3x128xi32, #tpu.memory_space<vmem>>, vector<16xi32>,
    %add3A_561 = arith.constant 16 : i32
    %add3A_562 = vector.broadcast %add3A_561 : i32 to vector<16xi32>
    %add3A_563 = arith.addi %add3A_562, %iota3A : vector<16xi32>
    %jit3A_564 = arith.constant 12 : i32
    %div3A_565 = vector.broadcast %jit3A_564 : i32 to vector<16xi32>
    %div3A_566 = arith.divsi %add3A_563, %div3A_565 : vector<16xi32>
    %sign3A_567 = arith.constant 0 : i32
    %sign3A_568 = vector.broadcast %sign3A_567 : i32 to vector<16xi32>
    %sign3A_569 = arith.cmpi sgt, %add3A_563, %sign3A_568 : vector<16xi32>
    %sign3A_570 = arith.extui %sign3A_569 : vector<16xi1> to vector<16xi32>
    %sign3A_571 = arith.constant 0 : i32
    %sign3A_572 = vector.broadcast %sign3A_571 : i32 to vector<16xi32>
    %sign3A_573 = arith.cmpi slt, %add3A_563, %sign3A_572 : vector<16xi32>
    %sign3A_574 = arith.extui %sign3A_573 : vector<16xi1> to vector<16xi32>
    %sign3A_575 = arith.subi %sign3A_570, %sign3A_574 : vector<16xi32>
    %sign3A_576 = arith.constant 0 : i32
    %sign3A_577 = arith.cmpi sgt, %jit3A_564, %sign3A_576 : i32
    %sign3A_578 = arith.extui %sign3A_577 : i1 to i32
    %sign3A_579 = arith.constant 0 : i32
    %sign3A_580 = arith.cmpi slt, %jit3A_564, %sign3A_579 : i32
    %sign3A_581 = arith.extui %sign3A_580 : i1 to i32
    %sign3A_582 = arith.subi %sign3A_578, %sign3A_581 : i32
    %ne3A_583 = vector.broadcast %sign3A_582 : i32 to vector<16xi32>
    %ne3A_584 = arith.cmpi ne, %sign3A_575, %ne3A_583 : vector<16xi32>
    %rem3A_585 = vector.broadcast %jit3A_564 : i32 to vector<16xi32>
    %rem3A_586 = arith.remsi %add3A_563, %rem3A_585 : vector<16xi32>
    %ne3A_587 = arith.constant 0 : i32
    %ne3A_588 = vector.broadcast %ne3A_587 : i32 to vector<16xi32>
    %ne3A_589 = arith.cmpi ne, %rem3A_586, %ne3A_588 : vector<16xi32>
    %and3A_590 = arith.andi %ne3A_584, %ne3A_589 : vector<16xi1>
    %sub3A_591 = arith.constant 1 : i32
    %sub3A_592 = vector.broadcast %sub3A_591 : i32 to vector<16xi32>
    %sub3A_593 = arith.subi %div3A_566, %sub3A_592 : vector<16xi32>
    %select_n3A_594 = arith.select %and3A_590, %sub3A_593, %div3A_566 : vector<16xi1>, vector<16xi32>
    %mul3A_595 = arith.constant 12 : i32
    %mul3A_596 = vector.broadcast %mul3A_595 : i32 to vector<16xi32>
    %mul3A_597 = arith.muli %select_n3A_594, %mul3A_596 : vector<16xi32>
    %sub3A_598 = arith.subi %add3A_563, %mul3A_597 : vector<16xi32>
    %gather3A_599 = tpu.vector_load_idx %arg34[%select_n3A_594] : memref<32xi32, #tpu.memory_space<vmem>>[vector<16xi32>], vector<16xi32>,
    %mul3A_600 = arith.constant 12 : i32
    %mul3A_601 = vector.broadcast %mul3A_600 : i32 to vector<16xi32>
    %mul3A_602 = arith.muli %gather3A_599, %mul3A_601 : vector<16xi32>
    %add3A_603 = arith.addi %mul3A_602, %sub3A_598 : vector<16xi32>
    %swap3A_604 = arith.constant 0 : i32
    %swap3A_605 = arith.index_cast %swap3A_604 : i32 to index
    %swap3A_606 = arith.constant 16 : index
    %swap3A_607 = tpu.vector_load %arg35[%swap3A_605, %swap3A_606] {strides = array<i32>} : memref<3x128xi32, #tpu.memory_space<vmem>>, vector<16xi32>,
    tpu.vector_store %arg35[%swap3A_605, %swap3A_606], %add3A_603 {strides = array<i32>} : memref<3x128xi32, #tpu.memory_space<vmem>>, vector<16xi32>,
    %add3A_608 = arith.constant 32 : i32
    %add3A_609 = vector.broadcast %add3A_608 : i32 to vector<16xi32>
    %add3A_610 = arith.addi %add3A_609, %iota3A : vector<16xi32>
    %jit3A_611 = arith.constant 12 : i32
    %div3A_612 = vector.broadcast %jit3A_611 : i32 to vector<16xi32>
    %div3A_613 = arith.divsi %add3A_610, %div3A_612 : vector<16xi32>
    %sign3A_614 = arith.constant 0 : i32
    %sign3A_615 = vector.broadcast %sign3A_614 : i32 to vector<16xi32>
    %sign3A_616 = arith.cmpi sgt, %add3A_610, %sign3A_615 : vector<16xi32>
    %sign3A_617 = arith.extui %sign3A_616 : vector<16xi1> to vector<16xi32>
    %sign3A_618 = arith.constant 0 : i32
    %sign3A_619 = vector.broadcast %sign3A_618 : i32 to vector<16xi32>
    %sign3A_620 = arith.cmpi slt, %add3A_610, %sign3A_619 : vector<16xi32>
    %sign3A_621 = arith.extui %sign3A_620 : vector<16xi1> to vector<16xi32>
    %sign3A_622 = arith.subi %sign3A_617, %sign3A_621 : vector<16xi32>
    %sign3A_623 = arith.constant 0 : i32
    %sign3A_624 = arith.cmpi sgt, %jit3A_611, %sign3A_623 : i32
    %sign3A_625 = arith.extui %sign3A_624 : i1 to i32
    %sign3A_626 = arith.constant 0 : i32
    %sign3A_627 = arith.cmpi slt, %jit3A_611, %sign3A_626 : i32
    %sign3A_628 = arith.extui %sign3A_627 : i1 to i32
    %sign3A_629 = arith.subi %sign3A_625, %sign3A_628 : i32
    %ne3A_630 = vector.broadcast %sign3A_629 : i32 to vector<16xi32>
    %ne3A_631 = arith.cmpi ne, %sign3A_622, %ne3A_630 : vector<16xi32>
    %rem3A_632 = vector.broadcast %jit3A_611 : i32 to vector<16xi32>
    %rem3A_633 = arith.remsi %add3A_610, %rem3A_632 : vector<16xi32>
    %ne3A_634 = arith.constant 0 : i32
    %ne3A_635 = vector.broadcast %ne3A_634 : i32 to vector<16xi32>
    %ne3A_636 = arith.cmpi ne, %rem3A_633, %ne3A_635 : vector<16xi32>
    %and3A_637 = arith.andi %ne3A_631, %ne3A_636 : vector<16xi1>
    %sub3A_638 = arith.constant 1 : i32
    %sub3A_639 = vector.broadcast %sub3A_638 : i32 to vector<16xi32>
    %sub3A_640 = arith.subi %div3A_613, %sub3A_639 : vector<16xi32>
    %select_n3A_641 = arith.select %and3A_637, %sub3A_640, %div3A_613 : vector<16xi1>, vector<16xi32>
    %mul3A_642 = arith.constant 12 : i32
    %mul3A_643 = vector.broadcast %mul3A_642 : i32 to vector<16xi32>
    %mul3A_644 = arith.muli %select_n3A_641, %mul3A_643 : vector<16xi32>
    %sub3A_645 = arith.subi %add3A_610, %mul3A_644 : vector<16xi32>
    %gather3A_646 = tpu.vector_load_idx %arg34[%select_n3A_641] : memref<32xi32, #tpu.memory_space<vmem>>[vector<16xi32>], vector<16xi32>,
    %mul3A_647 = arith.constant 12 : i32
    %mul3A_648 = vector.broadcast %mul3A_647 : i32 to vector<16xi32>
    %mul3A_649 = arith.muli %gather3A_646, %mul3A_648 : vector<16xi32>
    %add3A_650 = arith.addi %mul3A_649, %sub3A_645 : vector<16xi32>
    %swap3A_651 = arith.constant 0 : i32
    %swap3A_652 = arith.index_cast %swap3A_651 : i32 to index
    %swap3A_653 = arith.constant 32 : index
    %swap3A_654 = tpu.vector_load %arg35[%swap3A_652, %swap3A_653] {strides = array<i32>} : memref<3x128xi32, #tpu.memory_space<vmem>>, vector<16xi32>,
    tpu.vector_store %arg35[%swap3A_652, %swap3A_653], %add3A_650 {strides = array<i32>} : memref<3x128xi32, #tpu.memory_space<vmem>>, vector<16xi32>,
    %add3A_655 = arith.constant 48 : i32
    %add3A_656 = vector.broadcast %add3A_655 : i32 to vector<16xi32>
    %add3A_657 = arith.addi %add3A_656, %iota3A : vector<16xi32>
    %jit3A_658 = arith.constant 12 : i32
    %div3A_659 = vector.broadcast %jit3A_658 : i32 to vector<16xi32>
    %div3A_660 = arith.divsi %add3A_657, %div3A_659 : vector<16xi32>
    %sign3A_661 = arith.constant 0 : i32
    %sign3A_662 = vector.broadcast %sign3A_661 : i32 to vector<16xi32>
    %sign3A_663 = arith.cmpi sgt, %add3A_657, %sign3A_662 : vector<16xi32>
    %sign3A_664 = arith.extui %sign3A_663 : vector<16xi1> to vector<16xi32>
    %sign3A_665 = arith.constant 0 : i32
    %sign3A_666 = vector.broadcast %sign3A_665 : i32 to vector<16xi32>
    %sign3A_667 = arith.cmpi slt, %add3A_657, %sign3A_666 : vector<16xi32>
    %sign3A_668 = arith.extui %sign3A_667 : vector<16xi1> to vector<16xi32>
    %sign3A_669 = arith.subi %sign3A_664, %sign3A_668 : vector<16xi32>
    %sign3A_670 = arith.constant 0 : i32
    %sign3A_671 = arith.cmpi sgt, %jit3A_658, %sign3A_670 : i32
    %sign3A_672 = arith.extui %sign3A_671 : i1 to i32
    %sign3A_673 = arith.constant 0 : i32
    %sign3A_674 = arith.cmpi slt, %jit3A_658, %sign3A_673 : i32
    %sign3A_675 = arith.extui %sign3A_674 : i1 to i32
    %sign3A_676 = arith.subi %sign3A_672, %sign3A_675 : i32
    %ne3A_677 = vector.broadcast %sign3A_676 : i32 to vector<16xi32>
    %ne3A_678 = arith.cmpi ne, %sign3A_669, %ne3A_677 : vector<16xi32>
    %rem3A_679 = vector.broadcast %jit3A_658 : i32 to vector<16xi32>
    %rem3A_680 = arith.remsi %add3A_657, %rem3A_679 : vector<16xi32>
    %ne3A_681 = arith.constant 0 : i32
    %ne3A_682 = vector.broadcast %ne3A_681 : i32 to vector<16xi32>
    %ne3A_683 = arith.cmpi ne, %rem3A_680, %ne3A_682 : vector<16xi32>
    %and3A_684 = arith.andi %ne3A_678, %ne3A_683 : vector<16xi1>
    %sub3A_685 = arith.constant 1 : i32
    %sub3A_686 = vector.broadcast %sub3A_685 : i32 to vector<16xi32>
    %sub3A_687 = arith.subi %div3A_660, %sub3A_686 : vector<16xi32>
    %select_n3A_688 = arith.select %and3A_684, %sub3A_687, %div3A_660 : vector<16xi1>, vector<16xi32>
    %mul3A_689 = arith.constant 12 : i32
    %mul3A_690 = vector.broadcast %mul3A_689 : i32 to vector<16xi32>
    %mul3A_691 = arith.muli %select_n3A_688, %mul3A_690 : vector<16xi32>
    %sub3A_692 = arith.subi %add3A_657, %mul3A_691 : vector<16xi32>
    %gather3A_693 = tpu.vector_load_idx %arg34[%select_n3A_688] : memref<32xi32, #tpu.memory_space<vmem>>[vector<16xi32>], vector<16xi32>,
    %mul3A_694 = arith.constant 12 : i32
    %mul3A_695 = vector.broadcast %mul3A_694 : i32 to vector<16xi32>
    %mul3A_696 = arith.muli %gather3A_693, %mul3A_695 : vector<16xi32>
    %add3A_697 = arith.addi %mul3A_696, %sub3A_692 : vector<16xi32>
    %swap3A_698 = arith.constant 0 : i32
    %swap3A_699 = arith.index_cast %swap3A_698 : i32 to index
    %swap3A_700 = arith.constant 48 : index
    %swap3A_701 = tpu.vector_load %arg35[%swap3A_699, %swap3A_700] {strides = array<i32>} : memref<3x128xi32, #tpu.memory_space<vmem>>, vector<16xi32>,
    tpu.vector_store %arg35[%swap3A_699, %swap3A_700], %add3A_697 {strides = array<i32>} : memref<3x128xi32, #tpu.memory_space<vmem>>, vector<16xi32>,
    %add3A_702 = arith.constant 64 : i32
    %add3A_703 = vector.broadcast %add3A_702 : i32 to vector<16xi32>
    %add3A_704 = arith.addi %add3A_703, %iota3A : vector<16xi32>
    %jit3A_705 = arith.constant 12 : i32
    %div3A_706 = vector.broadcast %jit3A_705 : i32 to vector<16xi32>
    %div3A_707 = arith.divsi %add3A_704, %div3A_706 : vector<16xi32>
    %sign3A_708 = arith.constant 0 : i32
    %sign3A_709 = vector.broadcast %sign3A_708 : i32 to vector<16xi32>
    %sign3A_710 = arith.cmpi sgt, %add3A_704, %sign3A_709 : vector<16xi32>
    %sign3A_711 = arith.extui %sign3A_710 : vector<16xi1> to vector<16xi32>
    %sign3A_712 = arith.constant 0 : i32
    %sign3A_713 = vector.broadcast %sign3A_712 : i32 to vector<16xi32>
    %sign3A_714 = arith.cmpi slt, %add3A_704, %sign3A_713 : vector<16xi32>
    %sign3A_715 = arith.extui %sign3A_714 : vector<16xi1> to vector<16xi32>
    %sign3A_716 = arith.subi %sign3A_711, %sign3A_715 : vector<16xi32>
    %sign3A_717 = arith.constant 0 : i32
    %sign3A_718 = arith.cmpi sgt, %jit3A_705, %sign3A_717 : i32
    %sign3A_719 = arith.extui %sign3A_718 : i1 to i32
    %sign3A_720 = arith.constant 0 : i32
    %sign3A_721 = arith.cmpi slt, %jit3A_705, %sign3A_720 : i32
    %sign3A_722 = arith.extui %sign3A_721 : i1 to i32
    %sign3A_723 = arith.subi %sign3A_719, %sign3A_722 : i32
    %ne3A_724 = vector.broadcast %sign3A_723 : i32 to vector<16xi32>
    %ne3A_725 = arith.cmpi ne, %sign3A_716, %ne3A_724 : vector<16xi32>
    %rem3A_726 = vector.broadcast %jit3A_705 : i32 to vector<16xi32>
    %rem3A_727 = arith.remsi %add3A_704, %rem3A_726 : vector<16xi32>
    %ne3A_728 = arith.constant 0 : i32
    %ne3A_729 = vector.broadcast %ne3A_728 : i32 to vector<16xi32>
    %ne3A_730 = arith.cmpi ne, %rem3A_727, %ne3A_729 : vector<16xi32>
    %and3A_731 = arith.andi %ne3A_725, %ne3A_730 : vector<16xi1>
    %sub3A_732 = arith.constant 1 : i32
    %sub3A_733 = vector.broadcast %sub3A_732 : i32 to vector<16xi32>
    %sub3A_734 = arith.subi %div3A_707, %sub3A_733 : vector<16xi32>
    %select_n3A_735 = arith.select %and3A_731, %sub3A_734, %div3A_707 : vector<16xi1>, vector<16xi32>
    %mul3A_736 = arith.constant 12 : i32
    %mul3A_737 = vector.broadcast %mul3A_736 : i32 to vector<16xi32>
    %mul3A_738 = arith.muli %select_n3A_735, %mul3A_737 : vector<16xi32>
    %sub3A_739 = arith.subi %add3A_704, %mul3A_738 : vector<16xi32>
    %gather3A_740 = tpu.vector_load_idx %arg34[%select_n3A_735] : memref<32xi32, #tpu.memory_space<vmem>>[vector<16xi32>], vector<16xi32>,
    %mul3A_741 = arith.constant 12 : i32
    %mul3A_742 = vector.broadcast %mul3A_741 : i32 to vector<16xi32>
    %mul3A_743 = arith.muli %gather3A_740, %mul3A_742 : vector<16xi32>
    %add3A_744 = arith.addi %mul3A_743, %sub3A_739 : vector<16xi32>
    %swap3A_745 = arith.constant 0 : i32
    %swap3A_746 = arith.index_cast %swap3A_745 : i32 to index
    %swap3A_747 = arith.constant 64 : index
    %swap3A_748 = tpu.vector_load %arg35[%swap3A_746, %swap3A_747] {strides = array<i32>} : memref<3x128xi32, #tpu.memory_space<vmem>>, vector<16xi32>,
    tpu.vector_store %arg35[%swap3A_746, %swap3A_747], %add3A_744 {strides = array<i32>} : memref<3x128xi32, #tpu.memory_space<vmem>>, vector<16xi32>,
    %add3A_749 = arith.constant 80 : i32
    %add3A_750 = vector.broadcast %add3A_749 : i32 to vector<16xi32>
    %add3A_751 = arith.addi %add3A_750, %iota3A : vector<16xi32>
    %jit3A_752 = arith.constant 12 : i32
    %div3A_753 = vector.broadcast %jit3A_752 : i32 to vector<16xi32>
    %div3A_754 = arith.divsi %add3A_751, %div3A_753 : vector<16xi32>
    %sign3A_755 = arith.constant 0 : i32
    %sign3A_756 = vector.broadcast %sign3A_755 : i32 to vector<16xi32>
    %sign3A_757 = arith.cmpi sgt, %add3A_751, %sign3A_756 : vector<16xi32>
    %sign3A_758 = arith.extui %sign3A_757 : vector<16xi1> to vector<16xi32>
    %sign3A_759 = arith.constant 0 : i32
    %sign3A_760 = vector.broadcast %sign3A_759 : i32 to vector<16xi32>
    %sign3A_761 = arith.cmpi slt, %add3A_751, %sign3A_760 : vector<16xi32>
    %sign3A_762 = arith.extui %sign3A_761 : vector<16xi1> to vector<16xi32>
    %sign3A_763 = arith.subi %sign3A_758, %sign3A_762 : vector<16xi32>
    %sign3A_764 = arith.constant 0 : i32
    %sign3A_765 = arith.cmpi sgt, %jit3A_752, %sign3A_764 : i32
    %sign3A_766 = arith.extui %sign3A_765 : i1 to i32
    %sign3A_767 = arith.constant 0 : i32
    %sign3A_768 = arith.cmpi slt, %jit3A_752, %sign3A_767 : i32
    %sign3A_769 = arith.extui %sign3A_768 : i1 to i32
    %sign3A_770 = arith.subi %sign3A_766, %sign3A_769 : i32
    %ne3A_771 = vector.broadcast %sign3A_770 : i32 to vector<16xi32>
    %ne3A_772 = arith.cmpi ne, %sign3A_763, %ne3A_771 : vector<16xi32>
    %rem3A_773 = vector.broadcast %jit3A_752 : i32 to vector<16xi32>
    %rem3A_774 = arith.remsi %add3A_751, %rem3A_773 : vector<16xi32>
    %ne3A_775 = arith.constant 0 : i32
    %ne3A_776 = vector.broadcast %ne3A_775 : i32 to vector<16xi32>
    %ne3A_777 = arith.cmpi ne, %rem3A_774, %ne3A_776 : vector<16xi32>
    %and3A_778 = arith.andi %ne3A_772, %ne3A_777 : vector<16xi1>
    %sub3A_779 = arith.constant 1 : i32
    %sub3A_780 = vector.broadcast %sub3A_779 : i32 to vector<16xi32>
    %sub3A_781 = arith.subi %div3A_754, %sub3A_780 : vector<16xi32>
    %select_n3A_782 = arith.select %and3A_778, %sub3A_781, %div3A_754 : vector<16xi1>, vector<16xi32>
    %mul3A_783 = arith.constant 12 : i32
    %mul3A_784 = vector.broadcast %mul3A_783 : i32 to vector<16xi32>
    %mul3A_785 = arith.muli %select_n3A_782, %mul3A_784 : vector<16xi32>
    %sub3A_786 = arith.subi %add3A_751, %mul3A_785 : vector<16xi32>
    %gather3A_787 = tpu.vector_load_idx %arg34[%select_n3A_782] : memref<32xi32, #tpu.memory_space<vmem>>[vector<16xi32>], vector<16xi32>,
    %mul3A_788 = arith.constant 12 : i32
    %mul3A_789 = vector.broadcast %mul3A_788 : i32 to vector<16xi32>
    %mul3A_790 = arith.muli %gather3A_787, %mul3A_789 : vector<16xi32>
    %add3A_791 = arith.addi %mul3A_790, %sub3A_786 : vector<16xi32>
    %swap3A_792 = arith.constant 0 : i32
    %swap3A_793 = arith.index_cast %swap3A_792 : i32 to index
    %swap3A_794 = arith.constant 80 : index
    %swap3A_795 = tpu.vector_load %arg35[%swap3A_793, %swap3A_794] {strides = array<i32>} : memref<3x128xi32, #tpu.memory_space<vmem>>, vector<16xi32>,
    tpu.vector_store %arg35[%swap3A_793, %swap3A_794], %add3A_791 {strides = array<i32>} : memref<3x128xi32, #tpu.memory_space<vmem>>, vector<16xi32>,
    %add3A_796 = arith.constant 96 : i32
    %add3A_797 = vector.broadcast %add3A_796 : i32 to vector<16xi32>
    %add3A_798 = arith.addi %add3A_797, %iota3A : vector<16xi32>
    %jit3A_799 = arith.constant 12 : i32
    %div3A_800 = vector.broadcast %jit3A_799 : i32 to vector<16xi32>
    %div3A_801 = arith.divsi %add3A_798, %div3A_800 : vector<16xi32>
    %sign3A_802 = arith.constant 0 : i32
    %sign3A_803 = vector.broadcast %sign3A_802 : i32 to vector<16xi32>
    %sign3A_804 = arith.cmpi sgt, %add3A_798, %sign3A_803 : vector<16xi32>
    %sign3A_805 = arith.extui %sign3A_804 : vector<16xi1> to vector<16xi32>
    %sign3A_806 = arith.constant 0 : i32
    %sign3A_807 = vector.broadcast %sign3A_806 : i32 to vector<16xi32>
    %sign3A_808 = arith.cmpi slt, %add3A_798, %sign3A_807 : vector<16xi32>
    %sign3A_809 = arith.extui %sign3A_808 : vector<16xi1> to vector<16xi32>
    %sign3A_810 = arith.subi %sign3A_805, %sign3A_809 : vector<16xi32>
    %sign3A_811 = arith.constant 0 : i32
    %sign3A_812 = arith.cmpi sgt, %jit3A_799, %sign3A_811 : i32
    %sign3A_813 = arith.extui %sign3A_812 : i1 to i32
    %sign3A_814 = arith.constant 0 : i32
    %sign3A_815 = arith.cmpi slt, %jit3A_799, %sign3A_814 : i32
    %sign3A_816 = arith.extui %sign3A_815 : i1 to i32
    %sign3A_817 = arith.subi %sign3A_813, %sign3A_816 : i32
    %ne3A_818 = vector.broadcast %sign3A_817 : i32 to vector<16xi32>
    %ne3A_819 = arith.cmpi ne, %sign3A_810, %ne3A_818 : vector<16xi32>
    %rem3A_820 = vector.broadcast %jit3A_799 : i32 to vector<16xi32>
    %rem3A_821 = arith.remsi %add3A_798, %rem3A_820 : vector<16xi32>
    %ne3A_822 = arith.constant 0 : i32
    %ne3A_823 = vector.broadcast %ne3A_822 : i32 to vector<16xi32>
    %ne3A_824 = arith.cmpi ne, %rem3A_821, %ne3A_823 : vector<16xi32>
    %and3A_825 = arith.andi %ne3A_819, %ne3A_824 : vector<16xi1>
    %sub3A_826 = arith.constant 1 : i32
    %sub3A_827 = vector.broadcast %sub3A_826 : i32 to vector<16xi32>
    %sub3A_828 = arith.subi %div3A_801, %sub3A_827 : vector<16xi32>
    %select_n3A_829 = arith.select %and3A_825, %sub3A_828, %div3A_801 : vector<16xi1>, vector<16xi32>
    %mul3A_830 = arith.constant 12 : i32
    %mul3A_831 = vector.broadcast %mul3A_830 : i32 to vector<16xi32>
    %mul3A_832 = arith.muli %select_n3A_829, %mul3A_831 : vector<16xi32>
    %sub3A_833 = arith.subi %add3A_798, %mul3A_832 : vector<16xi32>
    %gather3A_834 = tpu.vector_load_idx %arg34[%select_n3A_829] : memref<32xi32, #tpu.memory_space<vmem>>[vector<16xi32>], vector<16xi32>,
    %mul3A_835 = arith.constant 12 : i32
    %mul3A_836 = vector.broadcast %mul3A_835 : i32 to vector<16xi32>
    %mul3A_837 = arith.muli %gather3A_834, %mul3A_836 : vector<16xi32>
    %add3A_838 = arith.addi %mul3A_837, %sub3A_833 : vector<16xi32>
    %swap3A_839 = arith.constant 0 : i32
    %swap3A_840 = arith.index_cast %swap3A_839 : i32 to index
    %swap3A_841 = arith.constant 96 : index
    %swap3A_842 = tpu.vector_load %arg35[%swap3A_840, %swap3A_841] {strides = array<i32>} : memref<3x128xi32, #tpu.memory_space<vmem>>, vector<16xi32>,
    tpu.vector_store %arg35[%swap3A_840, %swap3A_841], %add3A_838 {strides = array<i32>} : memref<3x128xi32, #tpu.memory_space<vmem>>, vector<16xi32>,
    %add3A_843 = arith.constant 112 : i32
    %add3A_844 = vector.broadcast %add3A_843 : i32 to vector<16xi32>
    %add3A_845 = arith.addi %add3A_844, %iota3A : vector<16xi32>
    %jit3A_846 = arith.constant 12 : i32
    %div3A_847 = vector.broadcast %jit3A_846 : i32 to vector<16xi32>
    %div3A_848 = arith.divsi %add3A_845, %div3A_847 : vector<16xi32>
    %sign3A_849 = arith.constant 0 : i32
    %sign3A_850 = vector.broadcast %sign3A_849 : i32 to vector<16xi32>
    %sign3A_851 = arith.cmpi sgt, %add3A_845, %sign3A_850 : vector<16xi32>
    %sign3A_852 = arith.extui %sign3A_851 : vector<16xi1> to vector<16xi32>
    %sign3A_853 = arith.constant 0 : i32
    %sign3A_854 = vector.broadcast %sign3A_853 : i32 to vector<16xi32>
    %sign3A_855 = arith.cmpi slt, %add3A_845, %sign3A_854 : vector<16xi32>
    %sign3A_856 = arith.extui %sign3A_855 : vector<16xi1> to vector<16xi32>
    %sign3A_857 = arith.subi %sign3A_852, %sign3A_856 : vector<16xi32>
    %sign3A_858 = arith.constant 0 : i32
    %sign3A_859 = arith.cmpi sgt, %jit3A_846, %sign3A_858 : i32
    %sign3A_860 = arith.extui %sign3A_859 : i1 to i32
    %sign3A_861 = arith.constant 0 : i32
    %sign3A_862 = arith.cmpi slt, %jit3A_846, %sign3A_861 : i32
    %sign3A_863 = arith.extui %sign3A_862 : i1 to i32
    %sign3A_864 = arith.subi %sign3A_860, %sign3A_863 : i32
    %ne3A_865 = vector.broadcast %sign3A_864 : i32 to vector<16xi32>
    %ne3A_866 = arith.cmpi ne, %sign3A_857, %ne3A_865 : vector<16xi32>
    %rem3A_867 = vector.broadcast %jit3A_846 : i32 to vector<16xi32>
    %rem3A_868 = arith.remsi %add3A_845, %rem3A_867 : vector<16xi32>
    %ne3A_869 = arith.constant 0 : i32
    %ne3A_870 = vector.broadcast %ne3A_869 : i32 to vector<16xi32>
    %ne3A_871 = arith.cmpi ne, %rem3A_868, %ne3A_870 : vector<16xi32>
    %and3A_872 = arith.andi %ne3A_866, %ne3A_871 : vector<16xi1>
    %sub3A_873 = arith.constant 1 : i32
    %sub3A_874 = vector.broadcast %sub3A_873 : i32 to vector<16xi32>
    %sub3A_875 = arith.subi %div3A_848, %sub3A_874 : vector<16xi32>
    %select_n3A_876 = arith.select %and3A_872, %sub3A_875, %div3A_848 : vector<16xi1>, vector<16xi32>
    %mul3A_877 = arith.constant 12 : i32
    %mul3A_878 = vector.broadcast %mul3A_877 : i32 to vector<16xi32>
    %mul3A_879 = arith.muli %select_n3A_876, %mul3A_878 : vector<16xi32>
    %sub3A_880 = arith.subi %add3A_845, %mul3A_879 : vector<16xi32>
    %gather3A_881 = tpu.vector_load_idx %arg34[%select_n3A_876] : memref<32xi32, #tpu.memory_space<vmem>>[vector<16xi32>], vector<16xi32>,
    %mul3A_882 = arith.constant 12 : i32
    %mul3A_883 = vector.broadcast %mul3A_882 : i32 to vector<16xi32>
    %mul3A_884 = arith.muli %gather3A_881, %mul3A_883 : vector<16xi32>
    %add3A_885 = arith.addi %mul3A_884, %sub3A_880 : vector<16xi32>
    %swap3A_886 = arith.constant 0 : i32
    %swap3A_887 = arith.index_cast %swap3A_886 : i32 to index
    %swap3A_888 = arith.constant 112 : index
    %swap3A_889 = tpu.vector_load %arg35[%swap3A_887, %swap3A_888] {strides = array<i32>} : memref<3x128xi32, #tpu.memory_space<vmem>>, vector<16xi32>,
    tpu.vector_store %arg35[%swap3A_887, %swap3A_888], %add3A_885 {strides = array<i32>} : memref<3x128xi32, #tpu.memory_space<vmem>>, vector<16xi32>,
    %add3A_890 = arith.constant 128 : i32
    %add3A_891 = vector.broadcast %add3A_890 : i32 to vector<16xi32>
    %add3A_892 = arith.addi %add3A_891, %iota3A : vector<16xi32>
    %jit3A_893 = arith.constant 12 : i32
    %div3A_894 = vector.broadcast %jit3A_893 : i32 to vector<16xi32>
    %div3A_895 = arith.divsi %add3A_892, %div3A_894 : vector<16xi32>
    %sign3A_896 = arith.constant 0 : i32
    %sign3A_897 = vector.broadcast %sign3A_896 : i32 to vector<16xi32>
    %sign3A_898 = arith.cmpi sgt, %add3A_892, %sign3A_897 : vector<16xi32>
    %sign3A_899 = arith.extui %sign3A_898 : vector<16xi1> to vector<16xi32>
    %sign3A_900 = arith.constant 0 : i32
    %sign3A_901 = vector.broadcast %sign3A_900 : i32 to vector<16xi32>
    %sign3A_902 = arith.cmpi slt, %add3A_892, %sign3A_901 : vector<16xi32>
    %sign3A_903 = arith.extui %sign3A_902 : vector<16xi1> to vector<16xi32>
    %sign3A_904 = arith.subi %sign3A_899, %sign3A_903 : vector<16xi32>
    %sign3A_905 = arith.constant 0 : i32
    %sign3A_906 = arith.cmpi sgt, %jit3A_893, %sign3A_905 : i32
    %sign3A_907 = arith.extui %sign3A_906 : i1 to i32
    %sign3A_908 = arith.constant 0 : i32
    %sign3A_909 = arith.cmpi slt, %jit3A_893, %sign3A_908 : i32
    %sign3A_910 = arith.extui %sign3A_909 : i1 to i32
    %sign3A_911 = arith.subi %sign3A_907, %sign3A_910 : i32
    %ne3A_912 = vector.broadcast %sign3A_911 : i32 to vector<16xi32>
    %ne3A_913 = arith.cmpi ne, %sign3A_904, %ne3A_912 : vector<16xi32>
    %rem3A_914 = vector.broadcast %jit3A_893 : i32 to vector<16xi32>
    %rem3A_915 = arith.remsi %add3A_892, %rem3A_914 : vector<16xi32>
    %ne3A_916 = arith.constant 0 : i32
    %ne3A_917 = vector.broadcast %ne3A_916 : i32 to vector<16xi32>
    %ne3A_918 = arith.cmpi ne, %rem3A_915, %ne3A_917 : vector<16xi32>
    %and3A_919 = arith.andi %ne3A_913, %ne3A_918 : vector<16xi1>
    %sub3A_920 = arith.constant 1 : i32
    %sub3A_921 = vector.broadcast %sub3A_920 : i32 to vector<16xi32>
    %sub3A_922 = arith.subi %div3A_895, %sub3A_921 : vector<16xi32>
    %select_n3A_923 = arith.select %and3A_919, %sub3A_922, %div3A_895 : vector<16xi1>, vector<16xi32>
    %mul3A_924 = arith.constant 12 : i32
    %mul3A_925 = vector.broadcast %mul3A_924 : i32 to vector<16xi32>
    %mul3A_926 = arith.muli %select_n3A_923, %mul3A_925 : vector<16xi32>
    %sub3A_927 = arith.subi %add3A_892, %mul3A_926 : vector<16xi32>
    %gather3A_928 = tpu.vector_load_idx %arg34[%select_n3A_923] : memref<32xi32, #tpu.memory_space<vmem>>[vector<16xi32>], vector<16xi32>,
    %mul3A_929 = arith.constant 12 : i32
    %mul3A_930 = vector.broadcast %mul3A_929 : i32 to vector<16xi32>
    %mul3A_931 = arith.muli %gather3A_928, %mul3A_930 : vector<16xi32>
    %add3A_932 = arith.addi %mul3A_931, %sub3A_927 : vector<16xi32>
    %swap3A_933 = arith.constant 1 : i32
    %swap3A_934 = arith.index_cast %swap3A_933 : i32 to index
    %swap3A_935 = arith.constant 0 : index
    %swap3A_936 = tpu.vector_load %arg35[%swap3A_934, %swap3A_935] {strides = array<i32>} : memref<3x128xi32, #tpu.memory_space<vmem>>, vector<16xi32>,
    tpu.vector_store %arg35[%swap3A_934, %swap3A_935], %add3A_932 {strides = array<i32>} : memref<3x128xi32, #tpu.memory_space<vmem>>, vector<16xi32>,
    %add3A_937 = arith.constant 144 : i32
    %add3A_938 = vector.broadcast %add3A_937 : i32 to vector<16xi32>
    %add3A_939 = arith.addi %add3A_938, %iota3A : vector<16xi32>
    %jit3A_940 = arith.constant 12 : i32
    %div3A_941 = vector.broadcast %jit3A_940 : i32 to vector<16xi32>
    %div3A_942 = arith.divsi %add3A_939, %div3A_941 : vector<16xi32>
    %sign3A_943 = arith.constant 0 : i32
    %sign3A_944 = vector.broadcast %sign3A_943 : i32 to vector<16xi32>
    %sign3A_945 = arith.cmpi sgt, %add3A_939, %sign3A_944 : vector<16xi32>
    %sign3A_946 = arith.extui %sign3A_945 : vector<16xi1> to vector<16xi32>
    %sign3A_947 = arith.constant 0 : i32
    %sign3A_948 = vector.broadcast %sign3A_947 : i32 to vector<16xi32>
    %sign3A_949 = arith.cmpi slt, %add3A_939, %sign3A_948 : vector<16xi32>
    %sign3A_950 = arith.extui %sign3A_949 : vector<16xi1> to vector<16xi32>
    %sign3A_951 = arith.subi %sign3A_946, %sign3A_950 : vector<16xi32>
    %sign3A_952 = arith.constant 0 : i32
    %sign3A_953 = arith.cmpi sgt, %jit3A_940, %sign3A_952 : i32
    %sign3A_954 = arith.extui %sign3A_953 : i1 to i32
    %sign3A_955 = arith.constant 0 : i32
    %sign3A_956 = arith.cmpi slt, %jit3A_940, %sign3A_955 : i32
    %sign3A_957 = arith.extui %sign3A_956 : i1 to i32
    %sign3A_958 = arith.subi %sign3A_954, %sign3A_957 : i32
    %ne3A_959 = vector.broadcast %sign3A_958 : i32 to vector<16xi32>
    %ne3A_960 = arith.cmpi ne, %sign3A_951, %ne3A_959 : vector<16xi32>
    %rem3A_961 = vector.broadcast %jit3A_940 : i32 to vector<16xi32>
    %rem3A_962 = arith.remsi %add3A_939, %rem3A_961 : vector<16xi32>
    %ne3A_963 = arith.constant 0 : i32
    %ne3A_964 = vector.broadcast %ne3A_963 : i32 to vector<16xi32>
    %ne3A_965 = arith.cmpi ne, %rem3A_962, %ne3A_964 : vector<16xi32>
    %and3A_966 = arith.andi %ne3A_960, %ne3A_965 : vector<16xi1>
    %sub3A_967 = arith.constant 1 : i32
    %sub3A_968 = vector.broadcast %sub3A_967 : i32 to vector<16xi32>
    %sub3A_969 = arith.subi %div3A_942, %sub3A_968 : vector<16xi32>
    %select_n3A_970 = arith.select %and3A_966, %sub3A_969, %div3A_942 : vector<16xi1>, vector<16xi32>
    %mul3A_971 = arith.constant 12 : i32
    %mul3A_972 = vector.broadcast %mul3A_971 : i32 to vector<16xi32>
    %mul3A_973 = arith.muli %select_n3A_970, %mul3A_972 : vector<16xi32>
    %sub3A_974 = arith.subi %add3A_939, %mul3A_973 : vector<16xi32>
    %gather3A_975 = tpu.vector_load_idx %arg34[%select_n3A_970] : memref<32xi32, #tpu.memory_space<vmem>>[vector<16xi32>], vector<16xi32>,
    %mul3A_976 = arith.constant 12 : i32
    %mul3A_977 = vector.broadcast %mul3A_976 : i32 to vector<16xi32>
    %mul3A_978 = arith.muli %gather3A_975, %mul3A_977 : vector<16xi32>
    %add3A_979 = arith.addi %mul3A_978, %sub3A_974 : vector<16xi32>
    %swap3A_980 = arith.constant 1 : i32
    %swap3A_981 = arith.index_cast %swap3A_980 : i32 to index
    %swap3A_982 = arith.constant 16 : index
    %swap3A_983 = tpu.vector_load %arg35[%swap3A_981, %swap3A_982] {strides = array<i32>} : memref<3x128xi32, #tpu.memory_space<vmem>>, vector<16xi32>,
    tpu.vector_store %arg35[%swap3A_981, %swap3A_982], %add3A_979 {strides = array<i32>} : memref<3x128xi32, #tpu.memory_space<vmem>>, vector<16xi32>,
    %add3A_984 = arith.constant 160 : i32
    %add3A_985 = vector.broadcast %add3A_984 : i32 to vector<16xi32>
    %add3A_986 = arith.addi %add3A_985, %iota3A : vector<16xi32>
    %jit3A_987 = arith.constant 12 : i32
    %div3A_988 = vector.broadcast %jit3A_987 : i32 to vector<16xi32>
    %div3A_989 = arith.divsi %add3A_986, %div3A_988 : vector<16xi32>
    %sign3A_990 = arith.constant 0 : i32
    %sign3A_991 = vector.broadcast %sign3A_990 : i32 to vector<16xi32>
    %sign3A_992 = arith.cmpi sgt, %add3A_986, %sign3A_991 : vector<16xi32>
    %sign3A_993 = arith.extui %sign3A_992 : vector<16xi1> to vector<16xi32>
    %sign3A_994 = arith.constant 0 : i32
    %sign3A_995 = vector.broadcast %sign3A_994 : i32 to vector<16xi32>
    %sign3A_996 = arith.cmpi slt, %add3A_986, %sign3A_995 : vector<16xi32>
    %sign3A_997 = arith.extui %sign3A_996 : vector<16xi1> to vector<16xi32>
    %sign3A_998 = arith.subi %sign3A_993, %sign3A_997 : vector<16xi32>
    %sign3A_999 = arith.constant 0 : i32
    %sign3A_1000 = arith.cmpi sgt, %jit3A_987, %sign3A_999 : i32
    %sign3A_1001 = arith.extui %sign3A_1000 : i1 to i32
    %sign3A_1002 = arith.constant 0 : i32
    %sign3A_1003 = arith.cmpi slt, %jit3A_987, %sign3A_1002 : i32
    %sign3A_1004 = arith.extui %sign3A_1003 : i1 to i32
    %sign3A_1005 = arith.subi %sign3A_1001, %sign3A_1004 : i32
    %ne3A_1006 = vector.broadcast %sign3A_1005 : i32 to vector<16xi32>
    %ne3A_1007 = arith.cmpi ne, %sign3A_998, %ne3A_1006 : vector<16xi32>
    %rem3A_1008 = vector.broadcast %jit3A_987 : i32 to vector<16xi32>
    %rem3A_1009 = arith.remsi %add3A_986, %rem3A_1008 : vector<16xi32>
    %ne3A_1010 = arith.constant 0 : i32
    %ne3A_1011 = vector.broadcast %ne3A_1010 : i32 to vector<16xi32>
    %ne3A_1012 = arith.cmpi ne, %rem3A_1009, %ne3A_1011 : vector<16xi32>
    %and3A_1013 = arith.andi %ne3A_1007, %ne3A_1012 : vector<16xi1>
    %sub3A_1014 = arith.constant 1 : i32
    %sub3A_1015 = vector.broadcast %sub3A_1014 : i32 to vector<16xi32>
    %sub3A_1016 = arith.subi %div3A_989, %sub3A_1015 : vector<16xi32>
    %select_n3A_1017 = arith.select %and3A_1013, %sub3A_1016, %div3A_989 : vector<16xi1>, vector<16xi32>
    %mul3A_1018 = arith.constant 12 : i32
    %mul3A_1019 = vector.broadcast %mul3A_1018 : i32 to vector<16xi32>
    %mul3A_1020 = arith.muli %select_n3A_1017, %mul3A_1019 : vector<16xi32>
    %sub3A_1021 = arith.subi %add3A_986, %mul3A_1020 : vector<16xi32>
    %gather3A_1022 = tpu.vector_load_idx %arg34[%select_n3A_1017] : memref<32xi32, #tpu.memory_space<vmem>>[vector<16xi32>], vector<16xi32>,
    %mul3A_1023 = arith.constant 12 : i32
    %mul3A_1024 = vector.broadcast %mul3A_1023 : i32 to vector<16xi32>
    %mul3A_1025 = arith.muli %gather3A_1022, %mul3A_1024 : vector<16xi32>
    %add3A_1026 = arith.addi %mul3A_1025, %sub3A_1021 : vector<16xi32>
    %swap3A_1027 = arith.constant 1 : i32
    %swap3A_1028 = arith.index_cast %swap3A_1027 : i32 to index
    %swap3A_1029 = arith.constant 32 : index
    %swap3A_1030 = tpu.vector_load %arg35[%swap3A_1028, %swap3A_1029] {strides = array<i32>} : memref<3x128xi32, #tpu.memory_space<vmem>>, vector<16xi32>,
    tpu.vector_store %arg35[%swap3A_1028, %swap3A_1029], %add3A_1026 {strides = array<i32>} : memref<3x128xi32, #tpu.memory_space<vmem>>, vector<16xi32>,
    %add3A_1031 = arith.constant 176 : i32
    %add3A_1032 = vector.broadcast %add3A_1031 : i32 to vector<16xi32>
    %add3A_1033 = arith.addi %add3A_1032, %iota3A : vector<16xi32>
    %jit3A_1034 = arith.constant 12 : i32
    %div3A_1035 = vector.broadcast %jit3A_1034 : i32 to vector<16xi32>
    %div3A_1036 = arith.divsi %add3A_1033, %div3A_1035 : vector<16xi32>
    %sign3A_1037 = arith.constant 0 : i32
    %sign3A_1038 = vector.broadcast %sign3A_1037 : i32 to vector<16xi32>
    %sign3A_1039 = arith.cmpi sgt, %add3A_1033, %sign3A_1038 : vector<16xi32>
    %sign3A_1040 = arith.extui %sign3A_1039 : vector<16xi1> to vector<16xi32>
    %sign3A_1041 = arith.constant 0 : i32
    %sign3A_1042 = vector.broadcast %sign3A_1041 : i32 to vector<16xi32>
    %sign3A_1043 = arith.cmpi slt, %add3A_1033, %sign3A_1042 : vector<16xi32>
    %sign3A_1044 = arith.extui %sign3A_1043 : vector<16xi1> to vector<16xi32>
    %sign3A_1045 = arith.subi %sign3A_1040, %sign3A_1044 : vector<16xi32>
    %sign3A_1046 = arith.constant 0 : i32
    %sign3A_1047 = arith.cmpi sgt, %jit3A_1034, %sign3A_1046 : i32
    %sign3A_1048 = arith.extui %sign3A_1047 : i1 to i32
    %sign3A_1049 = arith.constant 0 : i32
    %sign3A_1050 = arith.cmpi slt, %jit3A_1034, %sign3A_1049 : i32
    %sign3A_1051 = arith.extui %sign3A_1050 : i1 to i32
    %sign3A_1052 = arith.subi %sign3A_1048, %sign3A_1051 : i32
    %ne3A_1053 = vector.broadcast %sign3A_1052 : i32 to vector<16xi32>
    %ne3A_1054 = arith.cmpi ne, %sign3A_1045, %ne3A_1053 : vector<16xi32>
    %rem3A_1055 = vector.broadcast %jit3A_1034 : i32 to vector<16xi32>
    %rem3A_1056 = arith.remsi %add3A_1033, %rem3A_1055 : vector<16xi32>
    %ne3A_1057 = arith.constant 0 : i32
    %ne3A_1058 = vector.broadcast %ne3A_1057 : i32 to vector<16xi32>
    %ne3A_1059 = arith.cmpi ne, %rem3A_1056, %ne3A_1058 : vector<16xi32>
    %and3A_1060 = arith.andi %ne3A_1054, %ne3A_1059 : vector<16xi1>
    %sub3A_1061 = arith.constant 1 : i32
    %sub3A_1062 = vector.broadcast %sub3A_1061 : i32 to vector<16xi32>
    %sub3A_1063 = arith.subi %div3A_1036, %sub3A_1062 : vector<16xi32>
    %select_n3A_1064 = arith.select %and3A_1060, %sub3A_1063, %div3A_1036 : vector<16xi1>, vector<16xi32>
    %mul3A_1065 = arith.constant 12 : i32
    %mul3A_1066 = vector.broadcast %mul3A_1065 : i32 to vector<16xi32>
    %mul3A_1067 = arith.muli %select_n3A_1064, %mul3A_1066 : vector<16xi32>
    %sub3A_1068 = arith.subi %add3A_1033, %mul3A_1067 : vector<16xi32>
    %gather3A_1069 = tpu.vector_load_idx %arg34[%select_n3A_1064] : memref<32xi32, #tpu.memory_space<vmem>>[vector<16xi32>], vector<16xi32>,
    %mul3A_1070 = arith.constant 12 : i32
    %mul3A_1071 = vector.broadcast %mul3A_1070 : i32 to vector<16xi32>
    %mul3A_1072 = arith.muli %gather3A_1069, %mul3A_1071 : vector<16xi32>
    %add3A_1073 = arith.addi %mul3A_1072, %sub3A_1068 : vector<16xi32>
    %swap3A_1074 = arith.constant 1 : i32
    %swap3A_1075 = arith.index_cast %swap3A_1074 : i32 to index
    %swap3A_1076 = arith.constant 48 : index
    %swap3A_1077 = tpu.vector_load %arg35[%swap3A_1075, %swap3A_1076] {strides = array<i32>} : memref<3x128xi32, #tpu.memory_space<vmem>>, vector<16xi32>,
    tpu.vector_store %arg35[%swap3A_1075, %swap3A_1076], %add3A_1073 {strides = array<i32>} : memref<3x128xi32, #tpu.memory_space<vmem>>, vector<16xi32>,
    %add3A_1078 = arith.constant 192 : i32
    %add3A_1079 = vector.broadcast %add3A_1078 : i32 to vector<16xi32>
    %add3A_1080 = arith.addi %add3A_1079, %iota3A : vector<16xi32>
    %jit3A_1081 = arith.constant 12 : i32
    %div3A_1082 = vector.broadcast %jit3A_1081 : i32 to vector<16xi32>
    %div3A_1083 = arith.divsi %add3A_1080, %div3A_1082 : vector<16xi32>
    %sign3A_1084 = arith.constant 0 : i32
    %sign3A_1085 = vector.broadcast %sign3A_1084 : i32 to vector<16xi32>
    %sign3A_1086 = arith.cmpi sgt, %add3A_1080, %sign3A_1085 : vector<16xi32>
    %sign3A_1087 = arith.extui %sign3A_1086 : vector<16xi1> to vector<16xi32>
    %sign3A_1088 = arith.constant 0 : i32
    %sign3A_1089 = vector.broadcast %sign3A_1088 : i32 to vector<16xi32>
    %sign3A_1090 = arith.cmpi slt, %add3A_1080, %sign3A_1089 : vector<16xi32>
    %sign3A_1091 = arith.extui %sign3A_1090 : vector<16xi1> to vector<16xi32>
    %sign3A_1092 = arith.subi %sign3A_1087, %sign3A_1091 : vector<16xi32>
    %sign3A_1093 = arith.constant 0 : i32
    %sign3A_1094 = arith.cmpi sgt, %jit3A_1081, %sign3A_1093 : i32
    %sign3A_1095 = arith.extui %sign3A_1094 : i1 to i32
    %sign3A_1096 = arith.constant 0 : i32
    %sign3A_1097 = arith.cmpi slt, %jit3A_1081, %sign3A_1096 : i32
    %sign3A_1098 = arith.extui %sign3A_1097 : i1 to i32
    %sign3A_1099 = arith.subi %sign3A_1095, %sign3A_1098 : i32
    %ne3A_1100 = vector.broadcast %sign3A_1099 : i32 to vector<16xi32>
    %ne3A_1101 = arith.cmpi ne, %sign3A_1092, %ne3A_1100 : vector<16xi32>
    %rem3A_1102 = vector.broadcast %jit3A_1081 : i32 to vector<16xi32>
    %rem3A_1103 = arith.remsi %add3A_1080, %rem3A_1102 : vector<16xi32>
    %ne3A_1104 = arith.constant 0 : i32
    %ne3A_1105 = vector.broadcast %ne3A_1104 : i32 to vector<16xi32>
    %ne3A_1106 = arith.cmpi ne, %rem3A_1103, %ne3A_1105 : vector<16xi32>
    %and3A_1107 = arith.andi %ne3A_1101, %ne3A_1106 : vector<16xi1>
    %sub3A_1108 = arith.constant 1 : i32
    %sub3A_1109 = vector.broadcast %sub3A_1108 : i32 to vector<16xi32>
    %sub3A_1110 = arith.subi %div3A_1083, %sub3A_1109 : vector<16xi32>
    %select_n3A_1111 = arith.select %and3A_1107, %sub3A_1110, %div3A_1083 : vector<16xi1>, vector<16xi32>
    %mul3A_1112 = arith.constant 12 : i32
    %mul3A_1113 = vector.broadcast %mul3A_1112 : i32 to vector<16xi32>
    %mul3A_1114 = arith.muli %select_n3A_1111, %mul3A_1113 : vector<16xi32>
    %sub3A_1115 = arith.subi %add3A_1080, %mul3A_1114 : vector<16xi32>
    %gather3A_1116 = tpu.vector_load_idx %arg34[%select_n3A_1111] : memref<32xi32, #tpu.memory_space<vmem>>[vector<16xi32>], vector<16xi32>,
    %mul3A_1117 = arith.constant 12 : i32
    %mul3A_1118 = vector.broadcast %mul3A_1117 : i32 to vector<16xi32>
    %mul3A_1119 = arith.muli %gather3A_1116, %mul3A_1118 : vector<16xi32>
    %add3A_1120 = arith.addi %mul3A_1119, %sub3A_1115 : vector<16xi32>
    %swap3A_1121 = arith.constant 1 : i32
    %swap3A_1122 = arith.index_cast %swap3A_1121 : i32 to index
    %swap3A_1123 = arith.constant 64 : index
    %swap3A_1124 = tpu.vector_load %arg35[%swap3A_1122, %swap3A_1123] {strides = array<i32>} : memref<3x128xi32, #tpu.memory_space<vmem>>, vector<16xi32>,
    tpu.vector_store %arg35[%swap3A_1122, %swap3A_1123], %add3A_1120 {strides = array<i32>} : memref<3x128xi32, #tpu.memory_space<vmem>>, vector<16xi32>,
    %add3A_1125 = arith.constant 208 : i32
    %add3A_1126 = vector.broadcast %add3A_1125 : i32 to vector<16xi32>
    %add3A_1127 = arith.addi %add3A_1126, %iota3A : vector<16xi32>
    %jit3A_1128 = arith.constant 12 : i32
    %div3A_1129 = vector.broadcast %jit3A_1128 : i32 to vector<16xi32>
    %div3A_1130 = arith.divsi %add3A_1127, %div3A_1129 : vector<16xi32>
    %sign3A_1131 = arith.constant 0 : i32
    %sign3A_1132 = vector.broadcast %sign3A_1131 : i32 to vector<16xi32>
    %sign3A_1133 = arith.cmpi sgt, %add3A_1127, %sign3A_1132 : vector<16xi32>
    %sign3A_1134 = arith.extui %sign3A_1133 : vector<16xi1> to vector<16xi32>
    %sign3A_1135 = arith.constant 0 : i32
    %sign3A_1136 = vector.broadcast %sign3A_1135 : i32 to vector<16xi32>
    %sign3A_1137 = arith.cmpi slt, %add3A_1127, %sign3A_1136 : vector<16xi32>
    %sign3A_1138 = arith.extui %sign3A_1137 : vector<16xi1> to vector<16xi32>
    %sign3A_1139 = arith.subi %sign3A_1134, %sign3A_1138 : vector<16xi32>
    %sign3A_1140 = arith.constant 0 : i32
    %sign3A_1141 = arith.cmpi sgt, %jit3A_1128, %sign3A_1140 : i32
    %sign3A_1142 = arith.extui %sign3A_1141 : i1 to i32
    %sign3A_1143 = arith.constant 0 : i32
    %sign3A_1144 = arith.cmpi slt, %jit3A_1128, %sign3A_1143 : i32
    %sign3A_1145 = arith.extui %sign3A_1144 : i1 to i32
    %sign3A_1146 = arith.subi %sign3A_1142, %sign3A_1145 : i32
    %ne3A_1147 = vector.broadcast %sign3A_1146 : i32 to vector<16xi32>
    %ne3A_1148 = arith.cmpi ne, %sign3A_1139, %ne3A_1147 : vector<16xi32>
    %rem3A_1149 = vector.broadcast %jit3A_1128 : i32 to vector<16xi32>
    %rem3A_1150 = arith.remsi %add3A_1127, %rem3A_1149 : vector<16xi32>
    %ne3A_1151 = arith.constant 0 : i32
    %ne3A_1152 = vector.broadcast %ne3A_1151 : i32 to vector<16xi32>
    %ne3A_1153 = arith.cmpi ne, %rem3A_1150, %ne3A_1152 : vector<16xi32>
    %and3A_1154 = arith.andi %ne3A_1148, %ne3A_1153 : vector<16xi1>
    %sub3A_1155 = arith.constant 1 : i32
    %sub3A_1156 = vector.broadcast %sub3A_1155 : i32 to vector<16xi32>
    %sub3A_1157 = arith.subi %div3A_1130, %sub3A_1156 : vector<16xi32>
    %select_n3A_1158 = arith.select %and3A_1154, %sub3A_1157, %div3A_1130 : vector<16xi1>, vector<16xi32>
    %mul3A_1159 = arith.constant 12 : i32
    %mul3A_1160 = vector.broadcast %mul3A_1159 : i32 to vector<16xi32>
    %mul3A_1161 = arith.muli %select_n3A_1158, %mul3A_1160 : vector<16xi32>
    %sub3A_1162 = arith.subi %add3A_1127, %mul3A_1161 : vector<16xi32>
    %gather3A_1163 = tpu.vector_load_idx %arg34[%select_n3A_1158] : memref<32xi32, #tpu.memory_space<vmem>>[vector<16xi32>], vector<16xi32>,
    %mul3A_1164 = arith.constant 12 : i32
    %mul3A_1165 = vector.broadcast %mul3A_1164 : i32 to vector<16xi32>
    %mul3A_1166 = arith.muli %gather3A_1163, %mul3A_1165 : vector<16xi32>
    %add3A_1167 = arith.addi %mul3A_1166, %sub3A_1162 : vector<16xi32>
    %swap3A_1168 = arith.constant 1 : i32
    %swap3A_1169 = arith.index_cast %swap3A_1168 : i32 to index
    %swap3A_1170 = arith.constant 80 : index
    %swap3A_1171 = tpu.vector_load %arg35[%swap3A_1169, %swap3A_1170] {strides = array<i32>} : memref<3x128xi32, #tpu.memory_space<vmem>>, vector<16xi32>,
    tpu.vector_store %arg35[%swap3A_1169, %swap3A_1170], %add3A_1167 {strides = array<i32>} : memref<3x128xi32, #tpu.memory_space<vmem>>, vector<16xi32>,
    %add3A_1172 = arith.constant 224 : i32
    %add3A_1173 = vector.broadcast %add3A_1172 : i32 to vector<16xi32>
    %add3A_1174 = arith.addi %add3A_1173, %iota3A : vector<16xi32>
    %jit3A_1175 = arith.constant 12 : i32
    %div3A_1176 = vector.broadcast %jit3A_1175 : i32 to vector<16xi32>
    %div3A_1177 = arith.divsi %add3A_1174, %div3A_1176 : vector<16xi32>
    %sign3A_1178 = arith.constant 0 : i32
    %sign3A_1179 = vector.broadcast %sign3A_1178 : i32 to vector<16xi32>
    %sign3A_1180 = arith.cmpi sgt, %add3A_1174, %sign3A_1179 : vector<16xi32>
    %sign3A_1181 = arith.extui %sign3A_1180 : vector<16xi1> to vector<16xi32>
    %sign3A_1182 = arith.constant 0 : i32
    %sign3A_1183 = vector.broadcast %sign3A_1182 : i32 to vector<16xi32>
    %sign3A_1184 = arith.cmpi slt, %add3A_1174, %sign3A_1183 : vector<16xi32>
    %sign3A_1185 = arith.extui %sign3A_1184 : vector<16xi1> to vector<16xi32>
    %sign3A_1186 = arith.subi %sign3A_1181, %sign3A_1185 : vector<16xi32>
    %sign3A_1187 = arith.constant 0 : i32
    %sign3A_1188 = arith.cmpi sgt, %jit3A_1175, %sign3A_1187 : i32
    %sign3A_1189 = arith.extui %sign3A_1188 : i1 to i32
    %sign3A_1190 = arith.constant 0 : i32
    %sign3A_1191 = arith.cmpi slt, %jit3A_1175, %sign3A_1190 : i32
    %sign3A_1192 = arith.extui %sign3A_1191 : i1 to i32
    %sign3A_1193 = arith.subi %sign3A_1189, %sign3A_1192 : i32
    %ne3A_1194 = vector.broadcast %sign3A_1193 : i32 to vector<16xi32>
    %ne3A_1195 = arith.cmpi ne, %sign3A_1186, %ne3A_1194 : vector<16xi32>
    %rem3A_1196 = vector.broadcast %jit3A_1175 : i32 to vector<16xi32>
    %rem3A_1197 = arith.remsi %add3A_1174, %rem3A_1196 : vector<16xi32>
    %ne3A_1198 = arith.constant 0 : i32
    %ne3A_1199 = vector.broadcast %ne3A_1198 : i32 to vector<16xi32>
    %ne3A_1200 = arith.cmpi ne, %rem3A_1197, %ne3A_1199 : vector<16xi32>
    %and3A_1201 = arith.andi %ne3A_1195, %ne3A_1200 : vector<16xi1>
    %sub3A_1202 = arith.constant 1 : i32
    %sub3A_1203 = vector.broadcast %sub3A_1202 : i32 to vector<16xi32>
    %sub3A_1204 = arith.subi %div3A_1177, %sub3A_1203 : vector<16xi32>
    %select_n3A_1205 = arith.select %and3A_1201, %sub3A_1204, %div3A_1177 : vector<16xi1>, vector<16xi32>
    %mul3A_1206 = arith.constant 12 : i32
    %mul3A_1207 = vector.broadcast %mul3A_1206 : i32 to vector<16xi32>
    %mul3A_1208 = arith.muli %select_n3A_1205, %mul3A_1207 : vector<16xi32>
    %sub3A_1209 = arith.subi %add3A_1174, %mul3A_1208 : vector<16xi32>
    %gather3A_1210 = tpu.vector_load_idx %arg34[%select_n3A_1205] : memref<32xi32, #tpu.memory_space<vmem>>[vector<16xi32>], vector<16xi32>,
    %mul3A_1211 = arith.constant 12 : i32
    %mul3A_1212 = vector.broadcast %mul3A_1211 : i32 to vector<16xi32>
    %mul3A_1213 = arith.muli %gather3A_1210, %mul3A_1212 : vector<16xi32>
    %add3A_1214 = arith.addi %mul3A_1213, %sub3A_1209 : vector<16xi32>
    %swap3A_1215 = arith.constant 1 : i32
    %swap3A_1216 = arith.index_cast %swap3A_1215 : i32 to index
    %swap3A_1217 = arith.constant 96 : index
    %swap3A_1218 = tpu.vector_load %arg35[%swap3A_1216, %swap3A_1217] {strides = array<i32>} : memref<3x128xi32, #tpu.memory_space<vmem>>, vector<16xi32>,
    tpu.vector_store %arg35[%swap3A_1216, %swap3A_1217], %add3A_1214 {strides = array<i32>} : memref<3x128xi32, #tpu.memory_space<vmem>>, vector<16xi32>,
    %add3A_1219 = arith.constant 240 : i32
    %add3A_1220 = vector.broadcast %add3A_1219 : i32 to vector<16xi32>
    %add3A_1221 = arith.addi %add3A_1220, %iota3A : vector<16xi32>
    %jit3A_1222 = arith.constant 12 : i32
    %div3A_1223 = vector.broadcast %jit3A_1222 : i32 to vector<16xi32>
    %div3A_1224 = arith.divsi %add3A_1221, %div3A_1223 : vector<16xi32>
    %sign3A_1225 = arith.constant 0 : i32
    %sign3A_1226 = vector.broadcast %sign3A_1225 : i32 to vector<16xi32>
    %sign3A_1227 = arith.cmpi sgt, %add3A_1221, %sign3A_1226 : vector<16xi32>
    %sign3A_1228 = arith.extui %sign3A_1227 : vector<16xi1> to vector<16xi32>
    %sign3A_1229 = arith.constant 0 : i32
    %sign3A_1230 = vector.broadcast %sign3A_1229 : i32 to vector<16xi32>
    %sign3A_1231 = arith.cmpi slt, %add3A_1221, %sign3A_1230 : vector<16xi32>
    %sign3A_1232 = arith.extui %sign3A_1231 : vector<16xi1> to vector<16xi32>
    %sign3A_1233 = arith.subi %sign3A_1228, %sign3A_1232 : vector<16xi32>
    %sign3A_1234 = arith.constant 0 : i32
    %sign3A_1235 = arith.cmpi sgt, %jit3A_1222, %sign3A_1234 : i32
    %sign3A_1236 = arith.extui %sign3A_1235 : i1 to i32
    %sign3A_1237 = arith.constant 0 : i32
    %sign3A_1238 = arith.cmpi slt, %jit3A_1222, %sign3A_1237 : i32
    %sign3A_1239 = arith.extui %sign3A_1238 : i1 to i32
    %sign3A_1240 = arith.subi %sign3A_1236, %sign3A_1239 : i32
    %ne3A_1241 = vector.broadcast %sign3A_1240 : i32 to vector<16xi32>
    %ne3A_1242 = arith.cmpi ne, %sign3A_1233, %ne3A_1241 : vector<16xi32>
    %rem3A_1243 = vector.broadcast %jit3A_1222 : i32 to vector<16xi32>
    %rem3A_1244 = arith.remsi %add3A_1221, %rem3A_1243 : vector<16xi32>
    %ne3A_1245 = arith.constant 0 : i32
    %ne3A_1246 = vector.broadcast %ne3A_1245 : i32 to vector<16xi32>
    %ne3A_1247 = arith.cmpi ne, %rem3A_1244, %ne3A_1246 : vector<16xi32>
    %and3A_1248 = arith.andi %ne3A_1242, %ne3A_1247 : vector<16xi1>
    %sub3A_1249 = arith.constant 1 : i32
    %sub3A_1250 = vector.broadcast %sub3A_1249 : i32 to vector<16xi32>
    %sub3A_1251 = arith.subi %div3A_1224, %sub3A_1250 : vector<16xi32>
    %select_n3A_1252 = arith.select %and3A_1248, %sub3A_1251, %div3A_1224 : vector<16xi1>, vector<16xi32>
    %mul3A_1253 = arith.constant 12 : i32
    %mul3A_1254 = vector.broadcast %mul3A_1253 : i32 to vector<16xi32>
    %mul3A_1255 = arith.muli %select_n3A_1252, %mul3A_1254 : vector<16xi32>
    %sub3A_1256 = arith.subi %add3A_1221, %mul3A_1255 : vector<16xi32>
    %gather3A_1257 = tpu.vector_load_idx %arg34[%select_n3A_1252] : memref<32xi32, #tpu.memory_space<vmem>>[vector<16xi32>], vector<16xi32>,
    %mul3A_1258 = arith.constant 12 : i32
    %mul3A_1259 = vector.broadcast %mul3A_1258 : i32 to vector<16xi32>
    %mul3A_1260 = arith.muli %gather3A_1257, %mul3A_1259 : vector<16xi32>
    %add3A_1261 = arith.addi %mul3A_1260, %sub3A_1256 : vector<16xi32>
    %swap3A_1262 = arith.constant 1 : i32
    %swap3A_1263 = arith.index_cast %swap3A_1262 : i32 to index
    %swap3A_1264 = arith.constant 112 : index
    %swap3A_1265 = tpu.vector_load %arg35[%swap3A_1263, %swap3A_1264] {strides = array<i32>} : memref<3x128xi32, #tpu.memory_space<vmem>>, vector<16xi32>,
    tpu.vector_store %arg35[%swap3A_1263, %swap3A_1264], %add3A_1261 {strides = array<i32>} : memref<3x128xi32, #tpu.memory_space<vmem>>, vector<16xi32>,
    %add3A_1266 = arith.constant 256 : i32
    %add3A_1267 = vector.broadcast %add3A_1266 : i32 to vector<16xi32>
    %add3A_1268 = arith.addi %add3A_1267, %iota3A : vector<16xi32>
    %jit3A_1269 = arith.constant 12 : i32
    %div3A_1270 = vector.broadcast %jit3A_1269 : i32 to vector<16xi32>
    %div3A_1271 = arith.divsi %add3A_1268, %div3A_1270 : vector<16xi32>
    %sign3A_1272 = arith.constant 0 : i32
    %sign3A_1273 = vector.broadcast %sign3A_1272 : i32 to vector<16xi32>
    %sign3A_1274 = arith.cmpi sgt, %add3A_1268, %sign3A_1273 : vector<16xi32>
    %sign3A_1275 = arith.extui %sign3A_1274 : vector<16xi1> to vector<16xi32>
    %sign3A_1276 = arith.constant 0 : i32
    %sign3A_1277 = vector.broadcast %sign3A_1276 : i32 to vector<16xi32>
    %sign3A_1278 = arith.cmpi slt, %add3A_1268, %sign3A_1277 : vector<16xi32>
    %sign3A_1279 = arith.extui %sign3A_1278 : vector<16xi1> to vector<16xi32>
    %sign3A_1280 = arith.subi %sign3A_1275, %sign3A_1279 : vector<16xi32>
    %sign3A_1281 = arith.constant 0 : i32
    %sign3A_1282 = arith.cmpi sgt, %jit3A_1269, %sign3A_1281 : i32
    %sign3A_1283 = arith.extui %sign3A_1282 : i1 to i32
    %sign3A_1284 = arith.constant 0 : i32
    %sign3A_1285 = arith.cmpi slt, %jit3A_1269, %sign3A_1284 : i32
    %sign3A_1286 = arith.extui %sign3A_1285 : i1 to i32
    %sign3A_1287 = arith.subi %sign3A_1283, %sign3A_1286 : i32
    %ne3A_1288 = vector.broadcast %sign3A_1287 : i32 to vector<16xi32>
    %ne3A_1289 = arith.cmpi ne, %sign3A_1280, %ne3A_1288 : vector<16xi32>
    %rem3A_1290 = vector.broadcast %jit3A_1269 : i32 to vector<16xi32>
    %rem3A_1291 = arith.remsi %add3A_1268, %rem3A_1290 : vector<16xi32>
    %ne3A_1292 = arith.constant 0 : i32
    %ne3A_1293 = vector.broadcast %ne3A_1292 : i32 to vector<16xi32>
    %ne3A_1294 = arith.cmpi ne, %rem3A_1291, %ne3A_1293 : vector<16xi32>
    %and3A_1295 = arith.andi %ne3A_1289, %ne3A_1294 : vector<16xi1>
    %sub3A_1296 = arith.constant 1 : i32
    %sub3A_1297 = vector.broadcast %sub3A_1296 : i32 to vector<16xi32>
    %sub3A_1298 = arith.subi %div3A_1271, %sub3A_1297 : vector<16xi32>
    %select_n3A_1299 = arith.select %and3A_1295, %sub3A_1298, %div3A_1271 : vector<16xi1>, vector<16xi32>
    %mul3A_1300 = arith.constant 12 : i32
    %mul3A_1301 = vector.broadcast %mul3A_1300 : i32 to vector<16xi32>
    %mul3A_1302 = arith.muli %select_n3A_1299, %mul3A_1301 : vector<16xi32>
    %sub3A_1303 = arith.subi %add3A_1268, %mul3A_1302 : vector<16xi32>
    %gather3A_1304 = tpu.vector_load_idx %arg34[%select_n3A_1299] : memref<32xi32, #tpu.memory_space<vmem>>[vector<16xi32>], vector<16xi32>,
    %mul3A_1305 = arith.constant 12 : i32
    %mul3A_1306 = vector.broadcast %mul3A_1305 : i32 to vector<16xi32>
    %mul3A_1307 = arith.muli %gather3A_1304, %mul3A_1306 : vector<16xi32>
    %add3A_1308 = arith.addi %mul3A_1307, %sub3A_1303 : vector<16xi32>
    %swap3A_1309 = arith.constant 2 : i32
    %swap3A_1310 = arith.index_cast %swap3A_1309 : i32 to index
    %swap3A_1311 = arith.constant 0 : index
    %swap3A_1312 = tpu.vector_load %arg35[%swap3A_1310, %swap3A_1311] {strides = array<i32>} : memref<3x128xi32, #tpu.memory_space<vmem>>, vector<16xi32>,
    tpu.vector_store %arg35[%swap3A_1310, %swap3A_1311], %add3A_1308 {strides = array<i32>} : memref<3x128xi32, #tpu.memory_space<vmem>>, vector<16xi32>,
    %add3A_1313 = arith.constant 272 : i32
    %add3A_1314 = vector.broadcast %add3A_1313 : i32 to vector<16xi32>
    %add3A_1315 = arith.addi %add3A_1314, %iota3A : vector<16xi32>
    %jit3A_1316 = arith.constant 12 : i32
    %div3A_1317 = vector.broadcast %jit3A_1316 : i32 to vector<16xi32>
    %div3A_1318 = arith.divsi %add3A_1315, %div3A_1317 : vector<16xi32>
    %sign3A_1319 = arith.constant 0 : i32
    %sign3A_1320 = vector.broadcast %sign3A_1319 : i32 to vector<16xi32>
    %sign3A_1321 = arith.cmpi sgt, %add3A_1315, %sign3A_1320 : vector<16xi32>
    %sign3A_1322 = arith.extui %sign3A_1321 : vector<16xi1> to vector<16xi32>
    %sign3A_1323 = arith.constant 0 : i32
    %sign3A_1324 = vector.broadcast %sign3A_1323 : i32 to vector<16xi32>
    %sign3A_1325 = arith.cmpi slt, %add3A_1315, %sign3A_1324 : vector<16xi32>
    %sign3A_1326 = arith.extui %sign3A_1325 : vector<16xi1> to vector<16xi32>
    %sign3A_1327 = arith.subi %sign3A_1322, %sign3A_1326 : vector<16xi32>
    %sign3A_1328 = arith.constant 0 : i32
    %sign3A_1329 = arith.cmpi sgt, %jit3A_1316, %sign3A_1328 : i32
    %sign3A_1330 = arith.extui %sign3A_1329 : i1 to i32
    %sign3A_1331 = arith.constant 0 : i32
    %sign3A_1332 = arith.cmpi slt, %jit3A_1316, %sign3A_1331 : i32
    %sign3A_1333 = arith.extui %sign3A_1332 : i1 to i32
    %sign3A_1334 = arith.subi %sign3A_1330, %sign3A_1333 : i32
    %ne3A_1335 = vector.broadcast %sign3A_1334 : i32 to vector<16xi32>
    %ne3A_1336 = arith.cmpi ne, %sign3A_1327, %ne3A_1335 : vector<16xi32>
    %rem3A_1337 = vector.broadcast %jit3A_1316 : i32 to vector<16xi32>
    %rem3A_1338 = arith.remsi %add3A_1315, %rem3A_1337 : vector<16xi32>
    %ne3A_1339 = arith.constant 0 : i32
    %ne3A_1340 = vector.broadcast %ne3A_1339 : i32 to vector<16xi32>
    %ne3A_1341 = arith.cmpi ne, %rem3A_1338, %ne3A_1340 : vector<16xi32>
    %and3A_1342 = arith.andi %ne3A_1336, %ne3A_1341 : vector<16xi1>
    %sub3A_1343 = arith.constant 1 : i32
    %sub3A_1344 = vector.broadcast %sub3A_1343 : i32 to vector<16xi32>
    %sub3A_1345 = arith.subi %div3A_1318, %sub3A_1344 : vector<16xi32>
    %select_n3A_1346 = arith.select %and3A_1342, %sub3A_1345, %div3A_1318 : vector<16xi1>, vector<16xi32>
    %mul3A_1347 = arith.constant 12 : i32
    %mul3A_1348 = vector.broadcast %mul3A_1347 : i32 to vector<16xi32>
    %mul3A_1349 = arith.muli %select_n3A_1346, %mul3A_1348 : vector<16xi32>
    %sub3A_1350 = arith.subi %add3A_1315, %mul3A_1349 : vector<16xi32>
    %gather3A_1351 = tpu.vector_load_idx %arg34[%select_n3A_1346] : memref<32xi32, #tpu.memory_space<vmem>>[vector<16xi32>], vector<16xi32>,
    %mul3A_1352 = arith.constant 12 : i32
    %mul3A_1353 = vector.broadcast %mul3A_1352 : i32 to vector<16xi32>
    %mul3A_1354 = arith.muli %gather3A_1351, %mul3A_1353 : vector<16xi32>
    %add3A_1355 = arith.addi %mul3A_1354, %sub3A_1350 : vector<16xi32>
    %swap3A_1356 = arith.constant 2 : i32
    %swap3A_1357 = arith.index_cast %swap3A_1356 : i32 to index
    %swap3A_1358 = arith.constant 16 : index
    %swap3A_1359 = tpu.vector_load %arg35[%swap3A_1357, %swap3A_1358] {strides = array<i32>} : memref<3x128xi32, #tpu.memory_space<vmem>>, vector<16xi32>,
    tpu.vector_store %arg35[%swap3A_1357, %swap3A_1358], %add3A_1355 {strides = array<i32>} : memref<3x128xi32, #tpu.memory_space<vmem>>, vector<16xi32>,
    %add3A_1360 = arith.constant 288 : i32
    %add3A_1361 = vector.broadcast %add3A_1360 : i32 to vector<16xi32>
    %add3A_1362 = arith.addi %add3A_1361, %iota3A : vector<16xi32>
    %jit3A_1363 = arith.constant 12 : i32
    %div3A_1364 = vector.broadcast %jit3A_1363 : i32 to vector<16xi32>
    %div3A_1365 = arith.divsi %add3A_1362, %div3A_1364 : vector<16xi32>
    %sign3A_1366 = arith.constant 0 : i32
    %sign3A_1367 = vector.broadcast %sign3A_1366 : i32 to vector<16xi32>
    %sign3A_1368 = arith.cmpi sgt, %add3A_1362, %sign3A_1367 : vector<16xi32>
    %sign3A_1369 = arith.extui %sign3A_1368 : vector<16xi1> to vector<16xi32>
    %sign3A_1370 = arith.constant 0 : i32
    %sign3A_1371 = vector.broadcast %sign3A_1370 : i32 to vector<16xi32>
    %sign3A_1372 = arith.cmpi slt, %add3A_1362, %sign3A_1371 : vector<16xi32>
    %sign3A_1373 = arith.extui %sign3A_1372 : vector<16xi1> to vector<16xi32>
    %sign3A_1374 = arith.subi %sign3A_1369, %sign3A_1373 : vector<16xi32>
    %sign3A_1375 = arith.constant 0 : i32
    %sign3A_1376 = arith.cmpi sgt, %jit3A_1363, %sign3A_1375 : i32
    %sign3A_1377 = arith.extui %sign3A_1376 : i1 to i32
    %sign3A_1378 = arith.constant 0 : i32
    %sign3A_1379 = arith.cmpi slt, %jit3A_1363, %sign3A_1378 : i32
    %sign3A_1380 = arith.extui %sign3A_1379 : i1 to i32
    %sign3A_1381 = arith.subi %sign3A_1377, %sign3A_1380 : i32
    %ne3A_1382 = vector.broadcast %sign3A_1381 : i32 to vector<16xi32>
    %ne3A_1383 = arith.cmpi ne, %sign3A_1374, %ne3A_1382 : vector<16xi32>
    %rem3A_1384 = vector.broadcast %jit3A_1363 : i32 to vector<16xi32>
    %rem3A_1385 = arith.remsi %add3A_1362, %rem3A_1384 : vector<16xi32>
    %ne3A_1386 = arith.constant 0 : i32
    %ne3A_1387 = vector.broadcast %ne3A_1386 : i32 to vector<16xi32>
    %ne3A_1388 = arith.cmpi ne, %rem3A_1385, %ne3A_1387 : vector<16xi32>
    %and3A_1389 = arith.andi %ne3A_1383, %ne3A_1388 : vector<16xi1>
    %sub3A_1390 = arith.constant 1 : i32
    %sub3A_1391 = vector.broadcast %sub3A_1390 : i32 to vector<16xi32>
    %sub3A_1392 = arith.subi %div3A_1365, %sub3A_1391 : vector<16xi32>
    %select_n3A_1393 = arith.select %and3A_1389, %sub3A_1392, %div3A_1365 : vector<16xi1>, vector<16xi32>
    %mul3A_1394 = arith.constant 12 : i32
    %mul3A_1395 = vector.broadcast %mul3A_1394 : i32 to vector<16xi32>
    %mul3A_1396 = arith.muli %select_n3A_1393, %mul3A_1395 : vector<16xi32>
    %sub3A_1397 = arith.subi %add3A_1362, %mul3A_1396 : vector<16xi32>
    %gather3A_1398 = tpu.vector_load_idx %arg34[%select_n3A_1393] : memref<32xi32, #tpu.memory_space<vmem>>[vector<16xi32>], vector<16xi32>,
    %mul3A_1399 = arith.constant 12 : i32
    %mul3A_1400 = vector.broadcast %mul3A_1399 : i32 to vector<16xi32>
    %mul3A_1401 = arith.muli %gather3A_1398, %mul3A_1400 : vector<16xi32>
    %add3A_1402 = arith.addi %mul3A_1401, %sub3A_1397 : vector<16xi32>
    %swap3A_1403 = arith.constant 2 : i32
    %swap3A_1404 = arith.index_cast %swap3A_1403 : i32 to index
    %swap3A_1405 = arith.constant 32 : index
    %swap3A_1406 = tpu.vector_load %arg35[%swap3A_1404, %swap3A_1405] {strides = array<i32>} : memref<3x128xi32, #tpu.memory_space<vmem>>, vector<16xi32>,
    tpu.vector_store %arg35[%swap3A_1404, %swap3A_1405], %add3A_1402 {strides = array<i32>} : memref<3x128xi32, #tpu.memory_space<vmem>>, vector<16xi32>,
    %add3A_1407 = arith.constant 304 : i32
    %add3A_1408 = vector.broadcast %add3A_1407 : i32 to vector<16xi32>
    %add3A_1409 = arith.addi %add3A_1408, %iota3A : vector<16xi32>
    %jit3A_1410 = arith.constant 12 : i32
    %div3A_1411 = vector.broadcast %jit3A_1410 : i32 to vector<16xi32>
    %div3A_1412 = arith.divsi %add3A_1409, %div3A_1411 : vector<16xi32>
    %sign3A_1413 = arith.constant 0 : i32
    %sign3A_1414 = vector.broadcast %sign3A_1413 : i32 to vector<16xi32>
    %sign3A_1415 = arith.cmpi sgt, %add3A_1409, %sign3A_1414 : vector<16xi32>
    %sign3A_1416 = arith.extui %sign3A_1415 : vector<16xi1> to vector<16xi32>
    %sign3A_1417 = arith.constant 0 : i32
    %sign3A_1418 = vector.broadcast %sign3A_1417 : i32 to vector<16xi32>
    %sign3A_1419 = arith.cmpi slt, %add3A_1409, %sign3A_1418 : vector<16xi32>
    %sign3A_1420 = arith.extui %sign3A_1419 : vector<16xi1> to vector<16xi32>
    %sign3A_1421 = arith.subi %sign3A_1416, %sign3A_1420 : vector<16xi32>
    %sign3A_1422 = arith.constant 0 : i32
    %sign3A_1423 = arith.cmpi sgt, %jit3A_1410, %sign3A_1422 : i32
    %sign3A_1424 = arith.extui %sign3A_1423 : i1 to i32
    %sign3A_1425 = arith.constant 0 : i32
    %sign3A_1426 = arith.cmpi slt, %jit3A_1410, %sign3A_1425 : i32
    %sign3A_1427 = arith.extui %sign3A_1426 : i1 to i32
    %sign3A_1428 = arith.subi %sign3A_1424, %sign3A_1427 : i32
    %ne3A_1429 = vector.broadcast %sign3A_1428 : i32 to vector<16xi32>
    %ne3A_1430 = arith.cmpi ne, %sign3A_1421, %ne3A_1429 : vector<16xi32>
    %rem3A_1431 = vector.broadcast %jit3A_1410 : i32 to vector<16xi32>
    %rem3A_1432 = arith.remsi %add3A_1409, %rem3A_1431 : vector<16xi32>
    %ne3A_1433 = arith.constant 0 : i32
    %ne3A_1434 = vector.broadcast %ne3A_1433 : i32 to vector<16xi32>
    %ne3A_1435 = arith.cmpi ne, %rem3A_1432, %ne3A_1434 : vector<16xi32>
    %and3A_1436 = arith.andi %ne3A_1430, %ne3A_1435 : vector<16xi1>
    %sub3A_1437 = arith.constant 1 : i32
    %sub3A_1438 = vector.broadcast %sub3A_1437 : i32 to vector<16xi32>
    %sub3A_1439 = arith.subi %div3A_1412, %sub3A_1438 : vector<16xi32>
    %select_n3A_1440 = arith.select %and3A_1436, %sub3A_1439, %div3A_1412 : vector<16xi1>, vector<16xi32>
    %mul3A_1441 = arith.constant 12 : i32
    %mul3A_1442 = vector.broadcast %mul3A_1441 : i32 to vector<16xi32>
    %mul3A_1443 = arith.muli %select_n3A_1440, %mul3A_1442 : vector<16xi32>
    %sub3A_1444 = arith.subi %add3A_1409, %mul3A_1443 : vector<16xi32>
    %gather3A_1445 = tpu.vector_load_idx %arg34[%select_n3A_1440] : memref<32xi32, #tpu.memory_space<vmem>>[vector<16xi32>], vector<16xi32>,
    %mul3A_1446 = arith.constant 12 : i32
    %mul3A_1447 = vector.broadcast %mul3A_1446 : i32 to vector<16xi32>
    %mul3A_1448 = arith.muli %gather3A_1445, %mul3A_1447 : vector<16xi32>
    %add3A_1449 = arith.addi %mul3A_1448, %sub3A_1444 : vector<16xi32>
    %swap3A_1450 = arith.constant 2 : i32
    %swap3A_1451 = arith.index_cast %swap3A_1450 : i32 to index
    %swap3A_1452 = arith.constant 48 : index
    %swap3A_1453 = tpu.vector_load %arg35[%swap3A_1451, %swap3A_1452] {strides = array<i32>} : memref<3x128xi32, #tpu.memory_space<vmem>>, vector<16xi32>,
    tpu.vector_store %arg35[%swap3A_1451, %swap3A_1452], %add3A_1449 {strides = array<i32>} : memref<3x128xi32, #tpu.memory_space<vmem>>, vector<16xi32>,
    %add3A_1454 = arith.constant 320 : i32
    %add3A_1455 = vector.broadcast %add3A_1454 : i32 to vector<16xi32>
    %add3A_1456 = arith.addi %add3A_1455, %iota3A : vector<16xi32>
    %jit3A_1457 = arith.constant 12 : i32
    %div3A_1458 = vector.broadcast %jit3A_1457 : i32 to vector<16xi32>
    %div3A_1459 = arith.divsi %add3A_1456, %div3A_1458 : vector<16xi32>
    %sign3A_1460 = arith.constant 0 : i32
    %sign3A_1461 = vector.broadcast %sign3A_1460 : i32 to vector<16xi32>
    %sign3A_1462 = arith.cmpi sgt, %add3A_1456, %sign3A_1461 : vector<16xi32>
    %sign3A_1463 = arith.extui %sign3A_1462 : vector<16xi1> to vector<16xi32>
    %sign3A_1464 = arith.constant 0 : i32
    %sign3A_1465 = vector.broadcast %sign3A_1464 : i32 to vector<16xi32>
    %sign3A_1466 = arith.cmpi slt, %add3A_1456, %sign3A_1465 : vector<16xi32>
    %sign3A_1467 = arith.extui %sign3A_1466 : vector<16xi1> to vector<16xi32>
    %sign3A_1468 = arith.subi %sign3A_1463, %sign3A_1467 : vector<16xi32>
    %sign3A_1469 = arith.constant 0 : i32
    %sign3A_1470 = arith.cmpi sgt, %jit3A_1457, %sign3A_1469 : i32
    %sign3A_1471 = arith.extui %sign3A_1470 : i1 to i32
    %sign3A_1472 = arith.constant 0 : i32
    %sign3A_1473 = arith.cmpi slt, %jit3A_1457, %sign3A_1472 : i32
    %sign3A_1474 = arith.extui %sign3A_1473 : i1 to i32
    %sign3A_1475 = arith.subi %sign3A_1471, %sign3A_1474 : i32
    %ne3A_1476 = vector.broadcast %sign3A_1475 : i32 to vector<16xi32>
    %ne3A_1477 = arith.cmpi ne, %sign3A_1468, %ne3A_1476 : vector<16xi32>
    %rem3A_1478 = vector.broadcast %jit3A_1457 : i32 to vector<16xi32>
    %rem3A_1479 = arith.remsi %add3A_1456, %rem3A_1478 : vector<16xi32>
    %ne3A_1480 = arith.constant 0 : i32
    %ne3A_1481 = vector.broadcast %ne3A_1480 : i32 to vector<16xi32>
    %ne3A_1482 = arith.cmpi ne, %rem3A_1479, %ne3A_1481 : vector<16xi32>
    %and3A_1483 = arith.andi %ne3A_1477, %ne3A_1482 : vector<16xi1>
    %sub3A_1484 = arith.constant 1 : i32
    %sub3A_1485 = vector.broadcast %sub3A_1484 : i32 to vector<16xi32>
    %sub3A_1486 = arith.subi %div3A_1459, %sub3A_1485 : vector<16xi32>
    %select_n3A_1487 = arith.select %and3A_1483, %sub3A_1486, %div3A_1459 : vector<16xi1>, vector<16xi32>
    %mul3A_1488 = arith.constant 12 : i32
    %mul3A_1489 = vector.broadcast %mul3A_1488 : i32 to vector<16xi32>
    %mul3A_1490 = arith.muli %select_n3A_1487, %mul3A_1489 : vector<16xi32>
    %sub3A_1491 = arith.subi %add3A_1456, %mul3A_1490 : vector<16xi32>
    %gather3A_1492 = tpu.vector_load_idx %arg34[%select_n3A_1487] : memref<32xi32, #tpu.memory_space<vmem>>[vector<16xi32>], vector<16xi32>,
    %mul3A_1493 = arith.constant 12 : i32
    %mul3A_1494 = vector.broadcast %mul3A_1493 : i32 to vector<16xi32>
    %mul3A_1495 = arith.muli %gather3A_1492, %mul3A_1494 : vector<16xi32>
    %add3A_1496 = arith.addi %mul3A_1495, %sub3A_1491 : vector<16xi32>
    %swap3A_1497 = arith.constant 2 : i32
    %swap3A_1498 = arith.index_cast %swap3A_1497 : i32 to index
    %swap3A_1499 = arith.constant 64 : index
    %swap3A_1500 = tpu.vector_load %arg35[%swap3A_1498, %swap3A_1499] {strides = array<i32>} : memref<3x128xi32, #tpu.memory_space<vmem>>, vector<16xi32>,
    tpu.vector_store %arg35[%swap3A_1498, %swap3A_1499], %add3A_1496 {strides = array<i32>} : memref<3x128xi32, #tpu.memory_space<vmem>>, vector<16xi32>,
    %add3A_1501 = arith.constant 336 : i32
    %add3A_1502 = vector.broadcast %add3A_1501 : i32 to vector<16xi32>
    %add3A_1503 = arith.addi %add3A_1502, %iota3A : vector<16xi32>
    %jit3A_1504 = arith.constant 12 : i32
    %div3A_1505 = vector.broadcast %jit3A_1504 : i32 to vector<16xi32>
    %div3A_1506 = arith.divsi %add3A_1503, %div3A_1505 : vector<16xi32>
    %sign3A_1507 = arith.constant 0 : i32
    %sign3A_1508 = vector.broadcast %sign3A_1507 : i32 to vector<16xi32>
    %sign3A_1509 = arith.cmpi sgt, %add3A_1503, %sign3A_1508 : vector<16xi32>
    %sign3A_1510 = arith.extui %sign3A_1509 : vector<16xi1> to vector<16xi32>
    %sign3A_1511 = arith.constant 0 : i32
    %sign3A_1512 = vector.broadcast %sign3A_1511 : i32 to vector<16xi32>
    %sign3A_1513 = arith.cmpi slt, %add3A_1503, %sign3A_1512 : vector<16xi32>
    %sign3A_1514 = arith.extui %sign3A_1513 : vector<16xi1> to vector<16xi32>
    %sign3A_1515 = arith.subi %sign3A_1510, %sign3A_1514 : vector<16xi32>
    %sign3A_1516 = arith.constant 0 : i32
    %sign3A_1517 = arith.cmpi sgt, %jit3A_1504, %sign3A_1516 : i32
    %sign3A_1518 = arith.extui %sign3A_1517 : i1 to i32
    %sign3A_1519 = arith.constant 0 : i32
    %sign3A_1520 = arith.cmpi slt, %jit3A_1504, %sign3A_1519 : i32
    %sign3A_1521 = arith.extui %sign3A_1520 : i1 to i32
    %sign3A_1522 = arith.subi %sign3A_1518, %sign3A_1521 : i32
    %ne3A_1523 = vector.broadcast %sign3A_1522 : i32 to vector<16xi32>
    %ne3A_1524 = arith.cmpi ne, %sign3A_1515, %ne3A_1523 : vector<16xi32>
    %rem3A_1525 = vector.broadcast %jit3A_1504 : i32 to vector<16xi32>
    %rem3A_1526 = arith.remsi %add3A_1503, %rem3A_1525 : vector<16xi32>
    %ne3A_1527 = arith.constant 0 : i32
    %ne3A_1528 = vector.broadcast %ne3A_1527 : i32 to vector<16xi32>
    %ne3A_1529 = arith.cmpi ne, %rem3A_1526, %ne3A_1528 : vector<16xi32>
    %and3A_1530 = arith.andi %ne3A_1524, %ne3A_1529 : vector<16xi1>
    %sub3A_1531 = arith.constant 1 : i32
    %sub3A_1532 = vector.broadcast %sub3A_1531 : i32 to vector<16xi32>
    %sub3A_1533 = arith.subi %div3A_1506, %sub3A_1532 : vector<16xi32>
    %select_n3A_1534 = arith.select %and3A_1530, %sub3A_1533, %div3A_1506 : vector<16xi1>, vector<16xi32>
    %mul3A_1535 = arith.constant 12 : i32
    %mul3A_1536 = vector.broadcast %mul3A_1535 : i32 to vector<16xi32>
    %mul3A_1537 = arith.muli %select_n3A_1534, %mul3A_1536 : vector<16xi32>
    %sub3A_1538 = arith.subi %add3A_1503, %mul3A_1537 : vector<16xi32>
    %gather3A_1539 = tpu.vector_load_idx %arg34[%select_n3A_1534] : memref<32xi32, #tpu.memory_space<vmem>>[vector<16xi32>], vector<16xi32>,
    %mul3A_1540 = arith.constant 12 : i32
    %mul3A_1541 = vector.broadcast %mul3A_1540 : i32 to vector<16xi32>
    %mul3A_1542 = arith.muli %gather3A_1539, %mul3A_1541 : vector<16xi32>
    %add3A_1543 = arith.addi %mul3A_1542, %sub3A_1538 : vector<16xi32>
    %swap3A_1544 = arith.constant 2 : i32
    %swap3A_1545 = arith.index_cast %swap3A_1544 : i32 to index
    %swap3A_1546 = arith.constant 80 : index
    %swap3A_1547 = tpu.vector_load %arg35[%swap3A_1545, %swap3A_1546] {strides = array<i32>} : memref<3x128xi32, #tpu.memory_space<vmem>>, vector<16xi32>,
    tpu.vector_store %arg35[%swap3A_1545, %swap3A_1546], %add3A_1543 {strides = array<i32>} : memref<3x128xi32, #tpu.memory_space<vmem>>, vector<16xi32>,
    %add3A_1548 = arith.constant 352 : i32
    %add3A_1549 = vector.broadcast %add3A_1548 : i32 to vector<16xi32>
    %add3A_1550 = arith.addi %add3A_1549, %iota3A : vector<16xi32>
    %jit3A_1551 = arith.constant 12 : i32
    %div3A_1552 = vector.broadcast %jit3A_1551 : i32 to vector<16xi32>
    %div3A_1553 = arith.divsi %add3A_1550, %div3A_1552 : vector<16xi32>
    %sign3A_1554 = arith.constant 0 : i32
    %sign3A_1555 = vector.broadcast %sign3A_1554 : i32 to vector<16xi32>
    %sign3A_1556 = arith.cmpi sgt, %add3A_1550, %sign3A_1555 : vector<16xi32>
    %sign3A_1557 = arith.extui %sign3A_1556 : vector<16xi1> to vector<16xi32>
    %sign3A_1558 = arith.constant 0 : i32
    %sign3A_1559 = vector.broadcast %sign3A_1558 : i32 to vector<16xi32>
    %sign3A_1560 = arith.cmpi slt, %add3A_1550, %sign3A_1559 : vector<16xi32>
    %sign3A_1561 = arith.extui %sign3A_1560 : vector<16xi1> to vector<16xi32>
    %sign3A_1562 = arith.subi %sign3A_1557, %sign3A_1561 : vector<16xi32>
    %sign3A_1563 = arith.constant 0 : i32
    %sign3A_1564 = arith.cmpi sgt, %jit3A_1551, %sign3A_1563 : i32
    %sign3A_1565 = arith.extui %sign3A_1564 : i1 to i32
    %sign3A_1566 = arith.constant 0 : i32
    %sign3A_1567 = arith.cmpi slt, %jit3A_1551, %sign3A_1566 : i32
    %sign3A_1568 = arith.extui %sign3A_1567 : i1 to i32
    %sign3A_1569 = arith.subi %sign3A_1565, %sign3A_1568 : i32
    %ne3A_1570 = vector.broadcast %sign3A_1569 : i32 to vector<16xi32>
    %ne3A_1571 = arith.cmpi ne, %sign3A_1562, %ne3A_1570 : vector<16xi32>
    %rem3A_1572 = vector.broadcast %jit3A_1551 : i32 to vector<16xi32>
    %rem3A_1573 = arith.remsi %add3A_1550, %rem3A_1572 : vector<16xi32>
    %ne3A_1574 = arith.constant 0 : i32
    %ne3A_1575 = vector.broadcast %ne3A_1574 : i32 to vector<16xi32>
    %ne3A_1576 = arith.cmpi ne, %rem3A_1573, %ne3A_1575 : vector<16xi32>
    %and3A_1577 = arith.andi %ne3A_1571, %ne3A_1576 : vector<16xi1>
    %sub3A_1578 = arith.constant 1 : i32
    %sub3A_1579 = vector.broadcast %sub3A_1578 : i32 to vector<16xi32>
    %sub3A_1580 = arith.subi %div3A_1553, %sub3A_1579 : vector<16xi32>
    %select_n3A_1581 = arith.select %and3A_1577, %sub3A_1580, %div3A_1553 : vector<16xi1>, vector<16xi32>
    %mul3A_1582 = arith.constant 12 : i32
    %mul3A_1583 = vector.broadcast %mul3A_1582 : i32 to vector<16xi32>
    %mul3A_1584 = arith.muli %select_n3A_1581, %mul3A_1583 : vector<16xi32>
    %sub3A_1585 = arith.subi %add3A_1550, %mul3A_1584 : vector<16xi32>
    %gather3A_1586 = tpu.vector_load_idx %arg34[%select_n3A_1581] : memref<32xi32, #tpu.memory_space<vmem>>[vector<16xi32>], vector<16xi32>,
    %mul3A_1587 = arith.constant 12 : i32
    %mul3A_1588 = vector.broadcast %mul3A_1587 : i32 to vector<16xi32>
    %mul3A_1589 = arith.muli %gather3A_1586, %mul3A_1588 : vector<16xi32>
    %add3A_1590 = arith.addi %mul3A_1589, %sub3A_1585 : vector<16xi32>
    %swap3A_1591 = arith.constant 2 : i32
    %swap3A_1592 = arith.index_cast %swap3A_1591 : i32 to index
    %swap3A_1593 = arith.constant 96 : index
    %swap3A_1594 = tpu.vector_load %arg35[%swap3A_1592, %swap3A_1593] {strides = array<i32>} : memref<3x128xi32, #tpu.memory_space<vmem>>, vector<16xi32>,
    tpu.vector_store %arg35[%swap3A_1592, %swap3A_1593], %add3A_1590 {strides = array<i32>} : memref<3x128xi32, #tpu.memory_space<vmem>>, vector<16xi32>,
    %add3A_1595 = arith.constant 368 : i32
    %add3A_1596 = vector.broadcast %add3A_1595 : i32 to vector<16xi32>
    %add3A_1597 = arith.addi %add3A_1596, %iota3A : vector<16xi32>
    %jit3A_1598 = arith.constant 12 : i32
    %div3A_1599 = vector.broadcast %jit3A_1598 : i32 to vector<16xi32>
    %div3A_1600 = arith.divsi %add3A_1597, %div3A_1599 : vector<16xi32>
    %sign3A_1601 = arith.constant 0 : i32
    %sign3A_1602 = vector.broadcast %sign3A_1601 : i32 to vector<16xi32>
    %sign3A_1603 = arith.cmpi sgt, %add3A_1597, %sign3A_1602 : vector<16xi32>
    %sign3A_1604 = arith.extui %sign3A_1603 : vector<16xi1> to vector<16xi32>
    %sign3A_1605 = arith.constant 0 : i32
    %sign3A_1606 = vector.broadcast %sign3A_1605 : i32 to vector<16xi32>
    %sign3A_1607 = arith.cmpi slt, %add3A_1597, %sign3A_1606 : vector<16xi32>
    %sign3A_1608 = arith.extui %sign3A_1607 : vector<16xi1> to vector<16xi32>
    %sign3A_1609 = arith.subi %sign3A_1604, %sign3A_1608 : vector<16xi32>
    %sign3A_1610 = arith.constant 0 : i32
    %sign3A_1611 = arith.cmpi sgt, %jit3A_1598, %sign3A_1610 : i32
    %sign3A_1612 = arith.extui %sign3A_1611 : i1 to i32
    %sign3A_1613 = arith.constant 0 : i32
    %sign3A_1614 = arith.cmpi slt, %jit3A_1598, %sign3A_1613 : i32
    %sign3A_1615 = arith.extui %sign3A_1614 : i1 to i32
    %sign3A_1616 = arith.subi %sign3A_1612, %sign3A_1615 : i32
    %ne3A_1617 = vector.broadcast %sign3A_1616 : i32 to vector<16xi32>
    %ne3A_1618 = arith.cmpi ne, %sign3A_1609, %ne3A_1617 : vector<16xi32>
    %rem3A_1619 = vector.broadcast %jit3A_1598 : i32 to vector<16xi32>
    %rem3A_1620 = arith.remsi %add3A_1597, %rem3A_1619 : vector<16xi32>
    %ne3A_1621 = arith.constant 0 : i32
    %ne3A_1622 = vector.broadcast %ne3A_1621 : i32 to vector<16xi32>
    %ne3A_1623 = arith.cmpi ne, %rem3A_1620, %ne3A_1622 : vector<16xi32>
    %and3A_1624 = arith.andi %ne3A_1618, %ne3A_1623 : vector<16xi1>
    %sub3A_1625 = arith.constant 1 : i32
    %sub3A_1626 = vector.broadcast %sub3A_1625 : i32 to vector<16xi32>
    %sub3A_1627 = arith.subi %div3A_1600, %sub3A_1626 : vector<16xi32>
    %select_n3A_1628 = arith.select %and3A_1624, %sub3A_1627, %div3A_1600 : vector<16xi1>, vector<16xi32>
    %mul3A_1629 = arith.constant 12 : i32
    %mul3A_1630 = vector.broadcast %mul3A_1629 : i32 to vector<16xi32>
    %mul3A_1631 = arith.muli %select_n3A_1628, %mul3A_1630 : vector<16xi32>
    %sub3A_1632 = arith.subi %add3A_1597, %mul3A_1631 : vector<16xi32>
    %gather3A_1633 = tpu.vector_load_idx %arg34[%select_n3A_1628] : memref<32xi32, #tpu.memory_space<vmem>>[vector<16xi32>], vector<16xi32>,
    %mul3A_1634 = arith.constant 12 : i32
    %mul3A_1635 = vector.broadcast %mul3A_1634 : i32 to vector<16xi32>
    %mul3A_1636 = arith.muli %gather3A_1633, %mul3A_1635 : vector<16xi32>
    %add3A_1637 = arith.addi %mul3A_1636, %sub3A_1632 : vector<16xi32>
    %swap3A_1638 = arith.constant 2 : i32
    %swap3A_1639 = arith.index_cast %swap3A_1638 : i32 to index
    %swap3A_1640 = arith.constant 112 : index
    %swap3A_1641 = tpu.vector_load %arg35[%swap3A_1639, %swap3A_1640] {strides = array<i32>} : memref<3x128xi32, #tpu.memory_space<vmem>>, vector<16xi32>,
    tpu.vector_store %arg35[%swap3A_1639, %swap3A_1640], %add3A_1637 {strides = array<i32>} : memref<3x128xi32, #tpu.memory_space<vmem>>, vector<16xi32>,
    %dma_start3A_1642 = arith.constant 0 : i32
    %dma_start3A_1643 = arith.constant 0 : i32
    %dma_start3A_1644 = tpu.memref_slice %arg36[%dma_start3A_1643] : memref<384xf32, #tpu.memory_space<vmem>> -> memref<128xf32, #tpu.memory_space<vmem>>
    %dma_start3A_1645 = arith.constant 0 : i32
    %dma_start3A_1646 = tpu.memref_slice %arg35[%dma_start3A_1642, %dma_start3A_1645] : memref<3x128xi32, #tpu.memory_space<vmem>> -> memref<1x128xi32, #tpu.memory_space<vmem>>
    %dma_start3A_1647 = tpu.memref_squeeze %dma_start3A_1646 : memref<1x128xi32, #tpu.memory_space<vmem>> -> memref<128xi32, #tpu.memory_space<vmem>>
    %dma_start3A_1648 = arith.constant 0 : i32
    %dma_start3A_1649 = tpu.memref_slice %arg3[%dma_start3A_1648] : memref<900000xf32, #tpu.memory_space<hbm>> -> memref<900000xf32, #tpu.memory_space<hbm>>
    tpu.enqueue_indirect_dma source(%dma_start3A_1649 : memref<900000xf32, #tpu.memory_space<hbm>>) target(%dma_start3A_1644 : memref<128xf32, #tpu.memory_space<vmem>>) offsets(%dma_start3A_1647 : memref<128xi32, #tpu.memory_space<vmem>>) semaphore(%arg46 : memref<!tpu.dma_semaphore, #tpu.memory_space<semaphore_mem>>)
    %dma_start3A_1650 = arith.constant 1 : i32
    %dma_start3A_1651 = arith.constant 128 : i32
    %dma_start3A_1652 = tpu.memref_slice %arg36[%dma_start3A_1651] : memref<384xf32, #tpu.memory_space<vmem>> -> memref<128xf32, #tpu.memory_space<vmem>>
    %dma_start3A_1653 = arith.constant 0 : i32
    %dma_start3A_1654 = tpu.memref_slice %arg35[%dma_start3A_1650, %dma_start3A_1653] : memref<3x128xi32, #tpu.memory_space<vmem>> -> memref<1x128xi32, #tpu.memory_space<vmem>>
    %dma_start3A_1655 = tpu.memref_squeeze %dma_start3A_1654 : memref<1x128xi32, #tpu.memory_space<vmem>> -> memref<128xi32, #tpu.memory_space<vmem>>
    %dma_start3A_1656 = arith.constant 0 : i32
    %dma_start3A_1657 = tpu.memref_slice %arg3[%dma_start3A_1656] : memref<900000xf32, #tpu.memory_space<hbm>> -> memref<900000xf32, #tpu.memory_space<hbm>>
    tpu.enqueue_indirect_dma source(%dma_start3A_1657 : memref<900000xf32, #tpu.memory_space<hbm>>) target(%dma_start3A_1652 : memref<128xf32, #tpu.memory_space<vmem>>) offsets(%dma_start3A_1655 : memref<128xi32, #tpu.memory_space<vmem>>) semaphore(%arg46 : memref<!tpu.dma_semaphore, #tpu.memory_space<semaphore_mem>>)
    %dma_start3A_1658 = arith.constant 2 : i32
    %dma_start3A_1659 = arith.constant 256 : i32
    %dma_start3A_1660 = tpu.memref_slice %arg36[%dma_start3A_1659] : memref<384xf32, #tpu.memory_space<vmem>> -> memref<128xf32, #tpu.memory_space<vmem>>
    %dma_start3A_1661 = arith.constant 0 : i32
    %dma_start3A_1662 = tpu.memref_slice %arg35[%dma_start3A_1658, %dma_start3A_1661] : memref<3x128xi32, #tpu.memory_space<vmem>> -> memref<1x128xi32, #tpu.memory_space<vmem>>
    %dma_start3A_1663 = tpu.memref_squeeze %dma_start3A_1662 : memref<1x128xi32, #tpu.memory_space<vmem>> -> memref<128xi32, #tpu.memory_space<vmem>>
    %dma_start3A_1664 = arith.constant 0 : i32
    %dma_start3A_1665 = tpu.memref_slice %arg3[%dma_start3A_1664] : memref<900000xf32, #tpu.memory_space<hbm>> -> memref<900000xf32, #tpu.memory_space<hbm>>
    tpu.enqueue_indirect_dma source(%dma_start3A_1665 : memref<900000xf32, #tpu.memory_space<hbm>>) target(%dma_start3A_1660 : memref<128xf32, #tpu.memory_space<vmem>>) offsets(%dma_start3A_1663 : memref<128xi32, #tpu.memory_space<vmem>>) semaphore(%arg46 : memref<!tpu.dma_semaphore, #tpu.memory_space<semaphore_mem>>)
    %dma_wait3A_1666 = arith.constant 0 : i32
    %dma_wait3A_1667 = arith.constant 0 : i32
    %dma_wait3A_1668 = tpu.memref_slice %arg36[%dma_wait3A_1667] : memref<384xf32, #tpu.memory_space<vmem>> -> memref<128xf32, #tpu.memory_space<vmem>>
    %dma_wait3A_1669 = arith.constant 0 : i32
    %dma_wait3A_1670 = tpu.memref_slice %arg35[%dma_wait3A_1666, %dma_wait3A_1669] : memref<3x128xi32, #tpu.memory_space<vmem>> -> memref<1x128xi32, #tpu.memory_space<vmem>>
    %dma_wait3A_1671 = tpu.memref_squeeze %dma_wait3A_1670 : memref<1x128xi32, #tpu.memory_space<vmem>> -> memref<128xi32, #tpu.memory_space<vmem>>
    %dma_wait3A_1672 = arith.constant 0 : i32
    %dma_wait3A_1673 = tpu.memref_slice %arg3[%dma_wait3A_1672] : memref<900000xf32, #tpu.memory_space<hbm>> -> memref<900000xf32, #tpu.memory_space<hbm>>
    tpu.wait_indirect_dma semaphore(%arg46 : memref<!tpu.dma_semaphore, #tpu.memory_space<semaphore_mem>>) src(%dma_wait3A_1673 : memref<900000xf32, #tpu.memory_space<hbm>>) dst(%dma_wait3A_1668 : memref<128xf32, #tpu.memory_space<vmem>>)
    %dma_wait3A_1674 = arith.constant 1 : i32
    %dma_wait3A_1675 = arith.constant 128 : i32
    %dma_wait3A_1676 = tpu.memref_slice %arg36[%dma_wait3A_1675] : memref<384xf32, #tpu.memory_space<vmem>> -> memref<128xf32, #tpu.memory_space<vmem>>
    %dma_wait3A_1677 = arith.constant 0 : i32
    %dma_wait3A_1678 = tpu.memref_slice %arg35[%dma_wait3A_1674, %dma_wait3A_1677] : memref<3x128xi32, #tpu.memory_space<vmem>> -> memref<1x128xi32, #tpu.memory_space<vmem>>
    %dma_wait3A_1679 = tpu.memref_squeeze %dma_wait3A_1678 : memref<1x128xi32, #tpu.memory_space<vmem>> -> memref<128xi32, #tpu.memory_space<vmem>>
    %dma_wait3A_1680 = arith.constant 0 : i32
    %dma_wait3A_1681 = tpu.memref_slice %arg3[%dma_wait3A_1680] : memref<900000xf32, #tpu.memory_space<hbm>> -> memref<900000xf32, #tpu.memory_space<hbm>>
    tpu.wait_indirect_dma semaphore(%arg46 : memref<!tpu.dma_semaphore, #tpu.memory_space<semaphore_mem>>) src(%dma_wait3A_1681 : memref<900000xf32, #tpu.memory_space<hbm>>) dst(%dma_wait3A_1676 : memref<128xf32, #tpu.memory_space<vmem>>)
    %dma_wait3A_1682 = arith.constant 2 : i32
    %dma_wait3A_1683 = arith.constant 256 : i32
    %dma_wait3A_1684 = tpu.memref_slice %arg36[%dma_wait3A_1683] : memref<384xf32, #tpu.memory_space<vmem>> -> memref<128xf32, #tpu.memory_space<vmem>>
    %dma_wait3A_1685 = arith.constant 0 : i32
    %dma_wait3A_1686 = tpu.memref_slice %arg35[%dma_wait3A_1682, %dma_wait3A_1685] : memref<3x128xi32, #tpu.memory_space<vmem>> -> memref<1x128xi32, #tpu.memory_space<vmem>>
    %dma_wait3A_1687 = tpu.memref_squeeze %dma_wait3A_1686 : memref<1x128xi32, #tpu.memory_space<vmem>> -> memref<128xi32, #tpu.memory_space<vmem>>
    %dma_wait3A_1688 = arith.constant 0 : i32
    %dma_wait3A_1689 = tpu.memref_slice %arg3[%dma_wait3A_1688] : memref<900000xf32, #tpu.memory_space<hbm>> -> memref<900000xf32, #tpu.memory_space<hbm>>
    tpu.wait_indirect_dma semaphore(%arg46 : memref<!tpu.dma_semaphore, #tpu.memory_space<semaphore_mem>>) src(%dma_wait3A_1689 : memref<900000xf32, #tpu.memory_space<hbm>>) dst(%dma_wait3A_1684 : memref<128xf32, #tpu.memory_space<vmem>>)
    %scan3A_1690 = arith.constant 0 : i32
    %scan3A_1691 = arith.constant 0 : i32
    %scan3A_1692 = arith.constant 24 : i32
    %scan3A_1693 = arith.addi %scan3A_1691, %scan3A_1692 : i32
    %scan3A_1694 = arith.constant 1 : i32
    %scan3A_1695 = scf.for %scan3A_1715 = %scan3A_1691 to %scan3A_1693 step %scan3A_1694 iter_args(%scan3A_1716 = %scan3A_1690) -> (i32)  : i32 {
      %mul3A_1717 = arith.constant 16 : i32
      %mul3A_1718 = arith.muli %scan3A_1715, %mul3A_1717 : i32
      %add3A_1719 = vector.broadcast %mul3A_1718 : i32 to vector<16xi32>
      %add3A_1720 = arith.addi %add3A_1719, %iota3A : vector<16xi32>
      %jit3A_1721 = arith.constant 12 : i32
      %div3A_1722 = vector.broadcast %jit3A_1721 : i32 to vector<16xi32>
      %div3A_1723 = arith.divsi %add3A_1720, %div3A_1722 : vector<16xi32>
      %sign3A_1724 = arith.constant 0 : i32
      %sign3A_1725 = vector.broadcast %sign3A_1724 : i32 to vector<16xi32>
      %sign3A_1726 = arith.cmpi sgt, %add3A_1720, %sign3A_1725 : vector<16xi32>
      %sign3A_1727 = arith.extui %sign3A_1726 : vector<16xi1> to vector<16xi32>
      %sign3A_1728 = arith.constant 0 : i32
      %sign3A_1729 = vector.broadcast %sign3A_1728 : i32 to vector<16xi32>
      %sign3A_1730 = arith.cmpi slt, %add3A_1720, %sign3A_1729 : vector<16xi32>
      %sign3A_1731 = arith.extui %sign3A_1730 : vector<16xi1> to vector<16xi32>
      %sign3A_1732 = arith.subi %sign3A_1727, %sign3A_1731 : vector<16xi32>
      %sign3A_1733 = arith.constant 0 : i32
      %sign3A_1734 = arith.cmpi sgt, %jit3A_1721, %sign3A_1733 : i32
      %sign3A_1735 = arith.extui %sign3A_1734 : i1 to i32
      %sign3A_1736 = arith.constant 0 : i32
      %sign3A_1737 = arith.cmpi slt, %jit3A_1721, %sign3A_1736 : i32
      %sign3A_1738 = arith.extui %sign3A_1737 : i1 to i32
      %sign3A_1739 = arith.subi %sign3A_1735, %sign3A_1738 : i32
      %ne3A_1740 = vector.broadcast %sign3A_1739 : i32 to vector<16xi32>
      %ne3A_1741 = arith.cmpi ne, %sign3A_1732, %ne3A_1740 : vector<16xi32>
      %rem3A_1742 = vector.broadcast %jit3A_1721 : i32 to vector<16xi32>
      %rem3A_1743 = arith.remsi %add3A_1720, %rem3A_1742 : vector<16xi32>
      %ne3A_1744 = arith.constant 0 : i32
      %ne3A_1745 = vector.broadcast %ne3A_1744 : i32 to vector<16xi32>
      %ne3A_1746 = arith.cmpi ne, %rem3A_1743, %ne3A_1745 : vector<16xi32>
      %and3A_1747 = arith.andi %ne3A_1741, %ne3A_1746 : vector<16xi1>
      %sub3A_1748 = arith.constant 1 : i32
      %sub3A_1749 = vector.broadcast %sub3A_1748 : i32 to vector<16xi32>
      %sub3A_1750 = arith.subi %div3A_1723, %sub3A_1749 : vector<16xi32>
      %select_n3A_1751 = arith.select %and3A_1747, %sub3A_1750, %div3A_1723 : vector<16xi1>, vector<16xi32>
      %gather3A_1752 = tpu.vector_load_idx %arg31[%select_n3A_1751] : memref<32xf32, #tpu.memory_space<vmem>>[vector<16xi32>], vector<16xf32>,
      %mul3A_1753 = arith.constant 16 : i32
      %mul3A_1754 = arith.muli %scan3A_1715, %mul3A_1753 : i32
      %get3A_1755 = arith.index_cast %mul3A_1754 : i32 to index
      %get3A_1756 = tpu.vector_load %arg36[%get3A_1755] {strides = array<i32>} : memref<384xf32, #tpu.memory_space<vmem>>, vector<16xf32>,
      %gt3A_1757 = arith.constant 0.000000e+00 : f32
      %gt3A_1758 = vector.broadcast %gt3A_1757 : f32 to vector<16xf32>
      %gt3A_1759 = arith.cmpf ogt, %gather3A_1752, %gt3A_1758 : vector<16xf32>
      %jit3A_1760 = arith.constant -1.000000e+00 : f32
      %broadcast_in_dim3A_1761 = vector.broadcast %jit3A_1760 : f32 to vector<16xf32>
      %select_n3A_1762 = arith.select %gt3A_1759, %get3A_1756, %broadcast_in_dim3A_1761 : vector<16xi1>, vector<16xf32>
      %mul3A_1763 = arith.constant 16 : i32
      %mul3A_1764 = arith.muli %scan3A_1715, %mul3A_1763 : i32
      %swap3A_1765 = arith.index_cast %mul3A_1764 : i32 to index
      %swap3A_1766 = tpu.vector_load %arg36[%swap3A_1765] {strides = array<i32>} : memref<384xf32, #tpu.memory_space<vmem>>, vector<16xf32>,
      tpu.vector_store %arg36[%swap3A_1765], %select_n3A_1762 {strides = array<i32>} : memref<384xf32, #tpu.memory_space<vmem>>, vector<16xf32>,
      %scan3A_1767 = arith.constant 0 : i32
      scf.yield %scan3A_1767 : i32
    }
    %scan3A_1696 = arith.constant 24 : i32
    %dma_start3A_1697 = tpu.memref_slice %arg4[%mul3A_507] : memref<512xf32, #tpu.memory_space<hbm>> -> memref<32xf32, #tpu.memory_space<hbm>>
    %dma_start3A_1698 = tpu.memref_slice %arg4[%mul3A_507] : memref<512xf32, #tpu.memory_space<hbm>> -> memref<32xf32, #tpu.memory_space<hbm>>
    tpu.enqueue_dma source(%arg31 : memref<32xf32, #tpu.memory_space<vmem>>) target(%dma_start3A_1698 : memref<32xf32, #tpu.memory_space<hbm>>) target_semaphore(%arg46 : memref<!tpu.dma_semaphore, #tpu.memory_space<semaphore_mem>>)
    %dma_start3A_1699 = tpu.memref_slice %arg5[%mul3A_507] : memref<512xi32, #tpu.memory_space<hbm>> -> memref<32xi32, #tpu.memory_space<hbm>>
    %dma_start3A_1700 = tpu.memref_slice %arg5[%mul3A_507] : memref<512xi32, #tpu.memory_space<hbm>> -> memref<32xi32, #tpu.memory_space<hbm>>
    tpu.enqueue_dma source(%arg32 : memref<32xi32, #tpu.memory_space<vmem>>) target(%dma_start3A_1700 : memref<32xi32, #tpu.memory_space<hbm>>) target_semaphore(%arg46 : memref<!tpu.dma_semaphore, #tpu.memory_space<semaphore_mem>>)
    %dma_start3A_1701 = tpu.memref_slice %arg7[%mul3A_507] : memref<512xi32, #tpu.memory_space<hbm>> -> memref<32xi32, #tpu.memory_space<hbm>>
    %dma_start3A_1702 = tpu.memref_slice %arg7[%mul3A_507] : memref<512xi32, #tpu.memory_space<hbm>> -> memref<32xi32, #tpu.memory_space<hbm>>
    tpu.enqueue_dma source(%arg33 : memref<32xi32, #tpu.memory_space<vmem>>) target(%dma_start3A_1702 : memref<32xi32, #tpu.memory_space<hbm>>) target_semaphore(%arg46 : memref<!tpu.dma_semaphore, #tpu.memory_space<semaphore_mem>>)
    %mul3A_1703 = arith.constant 384 : i32
    %mul3A_1704 = arith.muli %arg1, %mul3A_1703 : i32
    %dma_start3A_1705 = tpu.memref_slice %arg6[%mul3A_1704] : memref<6144xf32, #tpu.memory_space<hbm>> -> memref<384xf32, #tpu.memory_space<hbm>>
    %dma_start3A_1706 = tpu.memref_slice %arg6[%mul3A_1704] : memref<6144xf32, #tpu.memory_space<hbm>> -> memref<384xf32, #tpu.memory_space<hbm>>
    tpu.enqueue_dma source(%arg36 : memref<384xf32, #tpu.memory_space<vmem>>) target(%dma_start3A_1706 : memref<384xf32, #tpu.memory_space<hbm>>) target_semaphore(%arg46 : memref<!tpu.dma_semaphore, #tpu.memory_space<semaphore_mem>>)
    %dma_wait3A_1707 = tpu.memref_slice %arg4[%mul3A_507] : memref<512xf32, #tpu.memory_space<hbm>> -> memref<32xf32, #tpu.memory_space<hbm>>
    %dma_wait3A_1708 = tpu.memref_slice %arg4[%mul3A_507] : memref<512xf32, #tpu.memory_space<hbm>> -> memref<32xf32, #tpu.memory_space<hbm>>
    tpu.wait_dma2 semaphore(%arg46 : memref<!tpu.dma_semaphore, #tpu.memory_space<semaphore_mem>>) src(%arg31 : memref<32xf32, #tpu.memory_space<vmem>>) dst(%dma_wait3A_1708 : memref<32xf32, #tpu.memory_space<hbm>>)
    %dma_wait3A_1709 = tpu.memref_slice %arg5[%mul3A_507] : memref<512xi32, #tpu.memory_space<hbm>> -> memref<32xi32, #tpu.memory_space<hbm>>
    %dma_wait3A_1710 = tpu.memref_slice %arg5[%mul3A_507] : memref<512xi32, #tpu.memory_space<hbm>> -> memref<32xi32, #tpu.memory_space<hbm>>
    tpu.wait_dma2 semaphore(%arg46 : memref<!tpu.dma_semaphore, #tpu.memory_space<semaphore_mem>>) src(%arg32 : memref<32xi32, #tpu.memory_space<vmem>>) dst(%dma_wait3A_1710 : memref<32xi32, #tpu.memory_space<hbm>>)
    %dma_wait3A_1711 = tpu.memref_slice %arg7[%mul3A_507] : memref<512xi32, #tpu.memory_space<hbm>> -> memref<32xi32, #tpu.memory_space<hbm>>
    %dma_wait3A_1712 = tpu.memref_slice %arg7[%mul3A_507] : memref<512xi32, #tpu.memory_space<hbm>> -> memref<32xi32, #tpu.memory_space<hbm>>
    tpu.wait_dma2 semaphore(%arg46 : memref<!tpu.dma_semaphore, #tpu.memory_space<semaphore_mem>>) src(%arg33 : memref<32xi32, #tpu.memory_space<vmem>>) dst(%dma_wait3A_1712 : memref<32xi32, #tpu.memory_space<hbm>>)
    %dma_wait3A_1713 = tpu.memref_slice %arg6[%mul3A_1704] : memref<6144xf32, #tpu.memory_space<hbm>> -> memref<384xf32, #tpu.memory_space<hbm>>
    %dma_wait3A_1714 = tpu.memref_slice %arg6[%mul3A_1704] : memref<6144xf32, #tpu.memory_space<hbm>> -> memref<384xf32, #tpu.memory_space<hbm>>
    tpu.wait_dma2 semaphore(%arg46 : memref<!tpu.dma_semaphore, #tpu.memory_space<semaphore_mem>>) src(%arg36 : memref<384xf32, #tpu.memory_space<vmem>>) dst(%dma_wait3A_1714 : memref<384xf32, #tpu.memory_space<hbm>>)
    return
  }
}

</mosaic_0001>

<sc_bundles>
// kernel: kernel.3.cloned.1.call-start
scs
__scs_entry_jumppad:
0x0: {  	(pc) =	sbr.rel $0x88, $3  }
0x1: {  	(tag) =	ssettag $0x0;
	lr =	simm.s32 $0x1  }
0x2: {  	[smem:$0x3F9F] =	sst lr;
	_ =	strace $0xD0000000  }
0x3: {  	_ = 	snop  }
0x4: {  	_ = 	snop  }
0x5: {  	_ = 	snop  }
0x6: {  	_ = 	snop  }
0x7: {  	_ = 	snop  }
__scs_overlays_trampoline_lowered:
0x8: {  	[smem:$0x3FAE] =	sst s0  }
0x9: {  	[smem:$0x3FAF] =	sst s1  }
0xa: {  	[smem:$0x3FB0] =	sst s2  }
0xb: {  	[smem:$0x3FB1] =	sst s3  }
0xc: {  	[smem:$0x3FB2] =	sst s4  }
0xd: {  	[smem:$0x3FB3] =	sst s5  }
0xe: {  	[smem:$0x3FB4] =	sst s6  }
0xf: {  	[smem:$0x3FB5] =	sst s7  }
0x10: {  	[smem:$0x3FB6] =	sst s8  }
0x11: {  	[smem:$0x3FB7] =	sst s9;
	s0 =	simm.s32 @!p0 $0x0  }
0x12: {  	s1 =	sld [smem:$0x3F9D];
	s0 =	simm.s32 @p0 $0x1  }
0x13: {  	[smem:$0x3FB8] =	sst s0;
	s0 =	simm.s32 @!p1 $0x0  }
0x14: {  	s2 =	sld [smem:$0x3F9C];
	s0 =	simm.s32 @p1 $0x1  }
0x15: {  	[smem:$0x3FB9] =	sst s0;
	s0 =	simm.s32 @!p2 $0x0  }
0x16: {  	s3 =	sld [smem:$0x3FDB];
	s0 =	simm.s32 @p2 $0x1  }
0x17: {  	s4 =	simm.s32 $0x1BF5;
	[smem:$0x3FBB] =	sst s0  }
0x18: {  	s0 =	sld [smem:$0x3F9E];
	_ =	swait.ge [sflag:s4], $0x0  }
0x19: {  	s7 =	sld [smem:$0x3F9F]  }
0x1a: {  	s8 =	sadd.s32 $0xFFFFE003, lr  }
0x1b: {  	s9 =	sadd.s32 $0xFFFFFEF7, lr;
	s5 =	simm.s32 $0xFFFFFFFF;
	p2 =	slt.u32 s8, $0xFFFFF086  }
0x1c: {  	p1 =	slt.u32 s9, $0xF7A;
	s5 =	simm.s32 @!p2 $0x0  }
0x1d: {  	s5 =	simm.s32 @p1 $0x1;
	p0 =	seq.s32 s7, s2  }
0x1e: {  	s7 =	smul.u32 @!p0 $0xF7A, s2;
	p2 =	seq.s32 @!p0 s5, $0x0  }
0x1f: {  	s9 =	smul.u32 $0xF7A, s1;
	s8 =	simm.s32 @!p0 $0x1BF5;
	p2 =	por !p2, p0  }
0x20: {  	[sflag:s8] =	ssyncset.s32 @!p0 $0xFFFFF086;
	s6 =	sadd.s32 @!p0 s3, s7;
	s7 =	simm.s32 @!p0 $0x108  }
0x21: {  	s3 =	sadd.s32 s3, s9;
	s6 =	sadd.s32 @!p0 $0x88, s6;
	s7 =	simm.s32 @p2 $0x1082  }
0x22: {  	[simem:s7], [sflag:s8] =	dma.local @!p0 [hbm:s6], $0xF7A  }
0x23: {  	s9 =	sor.u32 $0xD0000000, s2;
	s6 =	simm.s32 $0x108;
	_ =	swait.ge @!p0 [sflag:s8], $0x0  }
0x24: {  	s3 =	sadd.s32 $0x88, s3;
	s6 =	simm.s32 @!p1 $0x1082;
	[sflag:s4] =	ssyncset.s32 $0xFFFFF086  }
0x25: {  	[simem:s6], [sflag:s4] =	dma.local [hbm:s3], $0xF7A  }
0x26: {  	[smem:$0x3F9F] =	sst s1;
	(tag) =	ssettag s2;
	_ =	strace s9  }
0x27: {  	s1 =	sld [smem:$0x3FAF]  }
0x28: {  	s2 =	sld [smem:$0x3FB0]  }
0x29: {  	s4 =	sld [smem:$0x3FB2]  }
0x2a: {  	p0 =	seq.s32 s5, $0x0;
	s5 =	sld [smem:$0x3FB3]  }
0x2b: {  	s6 =	sld [smem:$0x3FB4]  }
0x2c: {  	s7 =	sld [smem:$0x3FB5]  }
0x2d: {  	s3 =	simm.s32 $0x108;
	s8 =	sld [smem:$0x3FB6]  }
0x2e: {  	s3 =	simm.s32 @!p0 $0x1082;
	s9 =	sld [smem:$0x3FB7]  }
0x2f: {  	lr =	sadd.s32 s0, s3;
	s0 =	sld [smem:$0x3FAE]  }
0x30: {  	s3 =	sld [smem:$0x3FB1]  }
0x31: {  	[smem:$0x3FBA] =	sst s10  }
0x32: {  	s10 =	sld [smem:$0x3FB8];
	_ =	sdelay $0x3  }
0x33: {  	p0 =	seq.s32 s10, $0x1;
	s10 =	sld [smem:$0x3FBA];
	_ =	sdelay $0x3  }
0x34: {  	[smem:$0x3FBA] =	sst s10  }
0x35: {  	s10 =	sld [smem:$0x3FB9];
	_ =	sdelay $0x3  }
0x36: {  	p1 =	seq.s32 s10, $0x1;
	s10 =	sld [smem:$0x3FBA];
	_ =	sdelay $0x3  }
0x37: {  	[smem:$0x3FBA] =	sst s10  }
0x38: {  	s10 =	sld [smem:$0x3FBB]  }
0x39: {  	_ = 	snop;
	(pc) =	sbr.ind lr, $3  }
0x3a: {  	_ = 	snop  }
0x3b: {  	_ = 	snop  }
0x3c: {  	p2 =	seq.s32 s10, $0x1;
	s10 =	sld [smem:$0x3FBA]  }
0x3d: {  	_ =	shalt  }
0x3e: {  	_ =	shalt  }
0x3f: {  	_ =	shalt  }
0x40: {  	_ =	shalt  }
0x41: {  	_ =	shalt  }
0x42: {  	_ =	shalt  }
0x43: {  	_ =	shalt  }
0x44: {  	_ =	shalt  }
0x45: {  	_ =	shalt  }
0x46: {  	_ =	shalt  }
0x47: {  	_ =	shalt  }
0x48: {  	_ =	shalt  }
0x49: {  	_ =	shalt  }
0x4a: {  	_ =	shalt  }
0x4b: {  	_ =	shalt  }
0x4c: {  	_ =	shalt  }
0x4d: {  	_ =	shalt  }
0x4e: {  	_ =	shalt  }
0x4f: {  	_ =	shalt  }
0x50: {  	_ =	shalt  }
0x51: {  	_ =	shalt  }
0x52: {  	_ =	shalt  }
0x53: {  	_ =	shalt  }
0x54: {  	_ =	shalt  }
0x55: {  	_ =	shalt  }
0x56: {  	_ =	shalt  }
0x57: {  	_ =	shalt  }
0x58: {  	_ =	shalt  }
0x59: {  	_ =	shalt  }
0x5a: {  	_ =	shalt  }
0x5b: {  	_ =	shalt  }
0x5c: {  	_ =	shalt  }
0x5d: {  	_ =	shalt  }
0x5e: {  	_ =	shalt  }
0x5f: {  	_ =	shalt  }
0x60: {  	_ =	shalt  }
0x61: {  	_ =	shalt  }
0x62: {  	_ =	shalt  }
0x63: {  	_ =	shalt  }
0x64: {  	_ =	shalt  }
0x65: {  	_ =	shalt  }
0x66: {  	_ =	shalt  }
0x67: {  	_ =	shalt  }
0x68: {  	_ =	shalt  }
0x69: {  	_ =	shalt  }
0x6a: {  	_ =	shalt  }
0x6b: {  	_ =	shalt  }
0x6c: {  	_ =	shalt  }
0x6d: {  	_ =	shalt  }
0x6e: {  	_ =	shalt  }
0x6f: {  	_ =	shalt  }
0x70: {  	_ =	shalt  }
0x71: {  	_ =	shalt  }
0x72: {  	_ =	shalt  }
0x73: {  	_ =	shalt  }
0x74: {  	_ =	shalt  }
0x75: {  	_ =	shalt  }
0x76: {  	_ =	shalt  }
0x77: {  	_ =	shalt  }
0x78: {  	_ =	shalt  }
0x79: {  	_ =	shalt  }
0x7a: {  	_ =	shalt  }
0x7b: {  	_ =	shalt  }
0x7c: {  	_ =	shalt  }
0x7d: {  	_ =	shalt  }
0x7e: {  	_ =	shalt  }
0x7f: {  	_ =	shalt  }
0x80: {  	_ =	shalt  }
0x81: {  	_ =	shalt  }
0x82: {  	_ =	shalt  }
0x83: {  	_ =	shalt  }
0x84: {  	_ =	shalt  }
0x85: {  	_ =	shalt  }
0x86: {  	_ =	shalt  }
0x87: {  	_ =	shalt  }
.Lfunc_end0:
.L_simem_size_0:
called_computation_lowered:
.L_overlay_start_0:
0x88: {  	s0 =	sld [smem:$0x3FD9]  }
0x89: {  	s1 =	sld [smem:$0x3FFE];
	_ =	sdelay $0x3  }
0x8a: {  	s0 =	sadd.s32 s1, s0  }
0x8b: {  	[smem:$0x3FC6] =	sst s0  }
0x8c: {  	_ = 	snop  }
0x8d: {  	s0 =	sld [smem:$0x3FD0];
	_ =	sdelay $0x2  }
0x8e: {  	s4 =	simm.s32 $0xA;
	s8 =	simm.s32 $0x10  }
0x8f: {  	[smem:s8], [sflag:s4] =	dma.local [hbm:s0], $0x1  }
0x90: {  	_ =	swait.eq [sflag:s4], $0x1  }
0x91: {  	s9 =	sld [smem:$0x10]  }
0x92: {  	s2 =	sld [smem:$0x11];
	[sflag:s4] =	ssyncset.done $0x0  }
0x93: {  	s3 =	sld [smem:$0x12];
	[sflag:s4] =	ssyncadd.s32 $0xFFFFFFFF  }
0x94: {  	s10 =	sld [smem:$0x13];
	(tm) =	ssettm $0x1  }
0x95: {  	s11 =	sld [smem:$0x3FFB];
	_ =	sdelay $0x3  }
0x96: {  	_ =	strace s11  }
0x97: {  	s0 =	sld [smem:$0x3FFC];
	_ =	sdelay $0x3  }
0x98: {  	_ =	strace s0  }
0x99: {  	s0 =	sld [smem:$0x3FFD];
	_ =	sdelay $0x3  }
0x9a: {  	_ =	strace s0  }
0x9b: {  	_ =	strace $0x8FFFFFFF  }
0x9c: {  	s12 =	sld [smem:$0x3FDB];
	_ =	sdelay $0x1  }
0x9d: {  	s5 =	simm.s32 $_scs_section_size  }
0x9e: {  	s6 =	simm.s32 $_size__tile_task_arg_handler_lowered;
	s7 =	simm.s32 $_tile_task_arg_handler_lowered  }
0x9f: {  	s15 =	simm.s32 $0x1BFF;
	s14 =	sshll.u32 s7, $0x1;
	s5 =	sadd.s32 s5, s12  }
0xa0: {  	s13 =	sshll.u32 s6, $0x1;
	s8 =	simm.s32 $0x60;
	s6 =	sadd.s32 s14, s5  }
0xa1: {  	[timem:s8], [sflag:s15] =	dma.local [hbm:s6], s13  }
0xa2: {  	_ =	swait.ge [sflag:s15], s13  }
0xa3: {  	s16 =	simm.s32 $_tile_overlayer_lowered;
	s0 =	ssub.s32 $0x0, s13;
	[sflag:s15] =	ssyncset.done $0x0  }
0xa4: {  	s17 =	simm.s32 $_size__tile_overlayer_lowered;
	s6 =	sshll.u32 s16, $0x1;
	[sflag:s15] =	ssyncadd.s32 s0  }
0xa5: {  	s19 =	simm.s32 $0x0;
	s18 =	sshll.u32 s17, $0x1;
	s6 =	sadd.s32 s6, s5  }
0xa6: {  	[timem:s19], [sflag:s15] =	dma.local [hbm:s6], s18  }
0xa7: {  	_ =	swait.ge [sflag:s15], s18  }
0xa8: {  	s20 =	ssub.s32 $0x0, s18;
	[sflag:s15] =	ssyncset.done $0x0  }
0xa9: {  	[sflag:s15] =	ssyncadd.s32 s20;
	_ =	sdelay $0x1  }
0xaa: {  	s21 =	simm.s32 $0x1B8B  }
0xab: {  	_ =	swait.ge [sflag:s21], $0x1  }
0xac: {  	[sflag:s21] =	ssyncset.done $0x0  }
0xad: {  	s23 =	simm.s32 $0x1B8E;
	s22 =	sld [smem:$0x3FFE];
	[sflag:s21] =	ssyncadd.s32 $0xFFFFFFFF  }
0xae: {  	s24 =	simm.s32 $execute0_lowered;
	[smem:$0x3FD2] =	sst s23  }
0xaf: {  	s7 =	sshll.u32 s24, $0x1;
	_ =	strace $0x80000046;
	[dreg:$0x1] =	wrdreg $0xFFFFFFFF  }
0xb0: {  	s25 =	simm.s32 $_size_execute0_lowered;
	s5 =	sadd.s32 s5, s7;
	[dreg:$0x0] =	wrdreg $0x0  }
0xb1: {  	s7 =	sshll.u32 s25, $0x1;
	[dreg:$0x2] =	wrdreg s5  }
0xb2: {  	[dreg:$0x3] =	wrdreg s7  }
0xb3: {  	[dreg:$0x4] =	wrdreg $0xC0  }
0xb4: {  	_ =	task [dreg:s19], $0x5FFFF  }
0xb5: {  	[dreg:$0x1] =	wrdreg $0xFFFFFFFF  }
0xb6: {  	[dreg:$0x0] =	wrdreg $0x30  }
0xb7: {  	[dreg:$0x2] =	wrdreg $0x0  }
0xb8: {  	[dreg:$0x3] =	wrdreg $0x9  }
0xb9: {  	_ =	task [dreg:s19], $0x4FFFF  }
0xba: {  	[dreg:$0x1] =	wrdreg $0xFFFFFFFF  }
0xbb: {  	[dreg:$0x0] =	wrdreg $0x60  }
0xbc: {  	[dreg:$0x2] =	wrdreg s22  }
0xbd: {  	[dreg:$0x3] =	wrdreg s9  }
0xbe: {  	[dreg:$0x4] =	wrdreg s2  }
0xbf: {  	[dreg:$0x5] =	wrdreg s3  }
0xc0: {  	[dreg:$0x6] =	wrdreg s10  }
0xc1: {  	[dreg:$0x7] =	wrdreg $0x97800  }
0xc2: {  	[dreg:$0x8] =	wrdreg $0x98800  }
0xc3: {  	[dreg:$0x9] =	wrdreg $0x99000  }
0xc4: {  	[dreg:$0xa] =	wrdreg $0x99800  }
0xc5: {  	[dreg:$0xb] =	wrdreg $0x9A000  }
0xc6: {  	[dreg:$0xc] =	wrdreg $0x9A800  }
0xc7: {  	[dreg:$0xd] =	wrdreg $0x9B000  }
0xc8: {  	[dreg:$0xe] =	wrdreg $0x9B800  }
0xc9: {  	[dreg:$0xf] =	wrdreg $0x9C000  }
0xca: {  	_ =	task.clear_ibuf [dreg:s19], $0x10FFFF;
	_ =	strace $0x90000046  }
0xcb: {  	s26 =	simm.s32 $0x9;
	_ =	strace $0x80000048  }
0xcc: {  	_ =	swait.ge [sflag:s26], $0x1  }
0xcd: {  	[sflag:s26] =	ssyncadd.s32 $0xFFFFFFFF  }
0xce: {  	_ =	strace $0x90000048  }
0xcf: {  	_ =	sfence  }
0xd0: {  	s28 =	sld [smem:$0x0];
	_ =	sdelay $0x1  }
0xd1: {  	s29 =	srdreg.scid  }
0xd2: {  	s30 =	sshll.u32 s29, $0xD;
	s31 =	sshrl.u32 s29, $0x2  }
0xd3: {  	s2 =	sand.u32 $0x1, s29;
	s3 =	sand.u32 $0x4000, s30;
	s1 =	sadd.s32 s31, s28  }
0xd4: {  	s2 =	sor.u32 s3, s2;
	s1 =	sshll.u32 s1, $0x11  }
0xd5: {  	s1 =	sor.u32 s1, s2  }
0xd6: {  	s1 =	sadd.s32 $0x8F2B, s1  }
0xd7: {  	[sflag:s1] =	ssyncadd.remote.s32 $0x1  }
0xd8: {  	_ =	sfence.sel $0xFFFF  }
0xd9: {  	[dreg:$0x0] =	wrdreg $0xFFFFFFFF;
	(pc) =	sbr.abs _section_cstart, $3  }
0xda: {  	[dreg:$0x1] =	wrdreg $0xFFFFFFFF  }
0xdb: {  	_ =	task.clear_ibuf [dreg:s19], $0x2FFFF;
	_ =	strace $0x9FFFFFFF  }
0xdc: {  	(tm) =	ssettm $0x7FFFFFFF  }
0xdd: {  	_ =	shalt  }
tec
_tile_task_arg_handler_lowered:
.L_overlay_start_1:
0x0: {  	(tag) =	ssettag $0x1  }
0x1: {  	s0 =	rddreg [dreg:$0x0]  }
0x2: {  	s1 =	rddreg [dreg:$0x1]  }
0x3: {  	s2 =	rddreg [dreg:$0x2]  }
0x4: {  	s3 =	rddreg [dreg:$0x3]  }
0x5: {  	s4 =	rddreg [dreg:$0x4]  }
0x6: {  	s5 =	rddreg [dreg:$0x5]  }
0x7: {  	s6 =	rddreg [dreg:$0x6]  }
0x8: {  	s7 =	rddreg [dreg:$0x7]  }
0x9: {  	s8 =	rddreg [dreg:$0x8]  }
0xa: {  	s9 =	rddreg [dreg:$0x9]  }
0xb: {  	s10 =	rddreg [dreg:$0xa]  }
0xc: {  	s11 =	rddreg [dreg:$0xb]  }
0xd: {  	s12 =	rddreg [dreg:$0xc]  }
0xe: {  	s13 =	rddreg [dreg:$0xd]  }
0xf: {  	[smem:s0] =	sst s1  }
0x10: {  	[smem:s0+$0x1] =	sst s2  }
0x11: {  	[smem:s0+$0x2] =	sst s3  }
0x12: {  	[smem:s0+$0x3] =	sst s4  }
0x13: {  	[smem:s0+$0x4] =	sst s5  }
0x14: {  	[smem:s0+$0x5] =	sst s6  }
0x15: {  	[smem:s0+$0x6] =	sst s7  }
0x16: {  	[smem:s0+$0x7] =	sst s8  }
0x17: {  	[smem:s0+$0x8] =	sst s9  }
0x18: {  	[smem:s0+$0x9] =	sst s10  }
0x19: {  	[smem:s0+$0xA] =	sst s11  }
0x1a: {  	[smem:s0+$0xB] =	sst s12  }
0x1b: {  	[smem:s0+$0xC] =	sst s13;
	_ =	shalt  }
.Lfunc_end2:
execute0_lowered:
.L_overlay_start_2:
0x1c: {  	(tag) =	ssettag $0x2  }
0x1d: {  	s1 =	rddreg [dreg:$0x0]  }
0x1e: {  	s16 =	rddreg [dreg:$0x5]  }
0x1f: {  	s12 =	rddreg [dreg:$0x6]  }
0x20: {  	s14 =	rddreg [dreg:$0x7]  }
0x21: {  	s13 =	rddreg [dreg:$0x8]  }
0x22: {  	s18 =	rddreg [dreg:$0x9]  }
0x23: {  	s17 =	rddreg [dreg:$0xa]  }
0x24: {  	s9 =	rddreg [dreg:$0xb];
	s0 =	simm.s32 $0x0  }
0x25: {  	s8 =	stileid.u32;
	[smem:$0x7FF] =	sst s0  }
0x26: {  	s15 =	smul.u32 $0x1260, s8;
	s3 =	sld [smem:$0x0]  }
0x27: {  	s10 =	rddreg [dreg:$0xc]  }
0x28: {  	s11 =	rddreg [dreg:$0xd];
	s2 =	sshrl.u32 s15, $0x3  }
0x29: {  	s2 =	sadd.s32 s2, s1;
	[dreg:$0xe] =	wrdreg s3  }
0x2a: {  	s31 =	simm.s32 $0x2;
	s2 =	sadd.s32 $0xA00, s2;
	_ =	strace $0x80000047  }
0x2b: {  	[tilespmem:s0], [sflag:$0x2] =	stream.linear.gather [hbm4b:s2+s0], $0x1260, $0x38;
	[tilespmem:$0x9C80] =	vst v63  }
0x2c: {  	_ =	swait.ge [sflag:s31], $0x1260  }
0x2d: {  	s1 =	sadd.s32 $0x139200, s1;
	[sflag:s31] =	ssyncset.done $0x0  }
0x2e: {  	v0 =	vimm.s32 $0x0;
	[dreg:$0xf] =	wrdreg s1;
	s1 =	simm.s32 $0x0;
	[sflag:s31] =	ssyncadd.s32 $0xFFFFEDA0  }
.LBB3_1:
0x2f: {  	p0 =	sne.s32 s1, $0x3FC0  }
.Ltmp0:
0x30: {  	_ = 	snop;
	(pc) =	sbr.rel @p0 .LBB3_1-.Ltmp0, $3  }
0x31: {  	_ =	sdelay $0x1  }
0x32: {  	s2 =	sshra.s32 s1, $0x2  }
0x33: {  	s1 =	sadd.s32 $0x40, s1;
	[tilespmem:s2+$0x2500] =	vst v0  }
0x34: {  	v1 =	vlaneseq.u32  }
0x35: {  	v0 =	vimm.s32 $0x1;
	v1 =	vmul.u32 $0x100, v1  }
.LBB3_3:
0x36: {  	s1 =	sshra.s32 s0, $0x2  }
0x37: {  	v2 =	vld [tilespmem:s1+$0x0];
	_ =	sdelay $0x4  }
0x38: {  	v3 =	vadd.s32 $0xC1000000, v2  }
0x39: {  	vm0 =	vgt.s32 v3, $0x1  }
0x3a: {  	v3 =	vnsel vm0, $0x1, v3  }
0x3b: {  	vm15 =	vgt.f32 v2, $5.000000000e-01;
	v2 =	vmin.u32 v3, $0x7FFFFF  }
0x3c: {  	v2 =	vnsel vm15, $0x0, v2  }
0x3d: {  	v3 =	vshrl.u32 v2, $0xF  }
0x3e: {  	v4 =	vand.u32 $0x1FF80, v3  }
0x3f: {  	v3 =	vand.u32 $0x7F, v3;
	v4 =	vor.u32 v1, v4  }
0x40: {  	p0 =	sne.s32 s0, $0x4940;
	v3 =	vor.u32 v3, v4  }
.Ltmp1:
0x41: {  	_ = 	snop;
	(pc) =	sbr.rel @p0 .LBB3_3-.Ltmp1, $3  }
0x42: {  	_ =	sdelay $0x1  }
0x43: {  	[tilespmem:s1+$0x1280] =	vst v2;
	s1 =	simm.s32 $0x2500  }
0x44: {  	s0 =	sadd.s32 $0x40, s0;
	[tilespmem:v3+s1+$0x0] =	vst.idx.add.s32.msk vm15, v0  }
0x45: {  	s0 =	simm.s32 $0x0  }
0x46: {  	v1 =	vld [tilespmem:s1+$0x0];
	s0 =	sand.u32 $0xF0, s0  }
0x47: {  	v0 =	vld [tilespmem:s0+$0x2600]  }
0x48: {  	v2 =	vld [tilespmem:s0+$0x2700]  }
0x49: {  	v3 =	vld [tilespmem:s0+$0x2800]  }
0x4a: {  	v4 =	vld [tilespmem:s0+$0x2900]  }
0x4b: {  	v5 =	vld [tilespmem:s0+$0x2A00]  }
0x4c: {  	v0 =	vadd.s32 v1, v0;
	v1 =	vld [tilespmem:s0+$0x2B00]  }
0x4d: {  	v0 =	vadd.s32 v2, v0;
	v2 =	vld [tilespmem:s0+$0x2C00]  }
0x4e: {  	v0 =	vadd.s32 v3, v0;
	v3 =	vld [tilespmem:s0+$0x2D00]  }
0x4f: {  	v60 =	vld [tilespmem:s0+$0x2E00];
	v0 =	vadd.s32 v4, v0  }
0x50: {  	v61 =	vld [tilespmem:s0+$0x2F00];
	v0 =	vadd.s32 v5, v0  }
0x51: {  	v0 =	vadd.s32 v1, v0;
	v1 =	vld [tilespmem:s0+$0x3000]  }
0x52: {  	v0 =	vadd.s32 v2, v0;
	v2 =	vld [tilespmem:s0+$0x3100]  }
0x53: {  	v0 =	vadd.s32 v3, v0;
	v3 =	vld [tilespmem:s0+$0x3200]  }
0x54: {  	v62 =	vld [tilespmem:s0+$0x3300];
	v0 =	vadd.s32 v60, v0  }
0x55: {  	v63 =	vld [tilespmem:s0+$0x3400];
	v0 =	vadd.s32 v61, v0  }
0x56: {  	v0 =	vadd.s32 v1, v0  }
0x57: {  	v0 =	vadd.s32 v2, v0  }
0x58: {  	v0 =	vadd.s32 v3, v0  }
0x59: {  	v0 =	vadd.s32 v62, v0  }
0x5a: {  	s31 =	simm.s32 $0x10;
	s0 =	simm.s32 $0x3500;
	v0 =	vadd.s32 v63, v0  }
0x5b: {  	s1 =	sand.u32 $0xF0, s31;
	[tilespmem:s0+$0x0] =	vst v0  }
0x5c: {  	s3 =	simm.s32 $0x20;
	s2 =	simm.s32 $0x2510;
	v0 =	vld [tilespmem:s1+$0x2600]  }
.LBB3_5:
0x5d: {  	p0 =	sne.s32 s3, $0xF0;
	v1 =	vld [tilespmem:s2+$0x0]  }
0x5e: {  	v2 =	vld [tilespmem:s1+$0x2700]  }
0x5f: {  	v3 =	vld [tilespmem:s1+$0x2800]  }
0x60: {  	v4 =	vld [tilespmem:s1+$0x2900]  }
0x61: {  	v5 =	vld [tilespmem:s1+$0x2A00]  }
0x62: {  	v0 =	vadd.s32 v1, v0;
	v1 =	vld [tilespmem:s1+$0x2B00]  }
0x63: {  	v0 =	vadd.s32 v2, v0;
	v2 =	vld [tilespmem:s1+$0x2C00]  }
0x64: {  	v0 =	vadd.s32 v3, v0;
	v3 =	vld [tilespmem:s1+$0x2D00]  }
0x65: {  	v0 =	vadd.s32 v4, v0;
	v4 =	vld [tilespmem:s1+$0x2E00]  }
0x66: {  	v0 =	vadd.s32 v5, v0;
	v5 =	vld [tilespmem:s1+$0x2F00]  }
0x67: {  	v0 =	vadd.s32 v1, v0;
	v1 =	vld [tilespmem:s1+$0x3000]  }
0x68: {  	v0 =	vadd.s32 v2, v0;
	v2 =	vld [tilespmem:s1+$0x3100]  }
0x69: {  	v0 =	vadd.s32 v3, v0;
	v3 =	vld [tilespmem:s1+$0x3200]  }
0x6a: {  	v0 =	vadd.s32 v4, v0;
	v4 =	vld [tilespmem:s1+$0x3300]  }
0x6b: {  	v0 =	vadd.s32 v5, v0;
	v5 =	vld [tilespmem:s1+$0x3400]  }
0x6c: {  	v0 =	vadd.s32 v1, v0  }
0x6d: {  	v0 =	vadd.s32 v2, v0  }
.Ltmp2:
0x6e: {  	v0 =	vadd.s32 v3, v0;
	(pc) =	sbr.rel @p0 .LBB3_5-.Ltmp2, $4  }
0x6f: {  	v0 =	vadd.s32 v4, v0  }
0x70: {  	s0 =	sadd.s32 $0x10, s0;
	v0 =	vadd.s32 v5, v0  }
0x71: {  	s1 =	sand.u32 $0xF0, s3;
	[tilespmem:s0+$0x0] =	vst v0  }
0x72: {  	s2 =	sadd.s32 $0x10, s2;
	s3 =	sadd.s32 $0x10, s3;
	v0 =	vld [tilespmem:s1+$0x2600]  }
0x73: {  	v1 =	vld [tilespmem:s2+$0x0]  }
0x74: {  	v2 =	vld [tilespmem:s1+$0x2700]  }
0x75: {  	v3 =	vld [tilespmem:s1+$0x2800]  }
0x76: {  	v4 =	vld [tilespmem:s1+$0x2900]  }
0x77: {  	v5 =	vld [tilespmem:s1+$0x2A00]  }
0x78: {  	v0 =	vadd.s32 v1, v0;
	v1 =	vld [tilespmem:s1+$0x2B00]  }
0x79: {  	v0 =	vadd.s32 v2, v0;
	v2 =	vld [tilespmem:s1+$0x2C00]  }
0x7a: {  	v0 =	vadd.s32 v3, v0;
	v3 =	vld [tilespmem:s1+$0x2D00]  }
0x7b: {  	v0 =	vadd.s32 v4, v0;
	v4 =	vld [tilespmem:s1+$0x2E00]  }
0x7c: {  	v0 =	vadd.s32 v5, v0;
	v5 =	vld [tilespmem:s1+$0x2F00]  }
0x7d: {  	v0 =	vadd.s32 v1, v0;
	v1 =	vld [tilespmem:s1+$0x3000]  }
0x7e: {  	v0 =	vadd.s32 v2, v0;
	v2 =	vld [tilespmem:s1+$0x3100]  }
0x7f: {  	v0 =	vadd.s32 v3, v0;
	v3 =	vld [tilespmem:s1+$0x3200]  }
0x80: {  	v0 =	vadd.s32 v4, v0;
	v4 =	vld [tilespmem:s1+$0x3300]  }
0x81: {  	v0 =	vadd.s32 v5, v0;
	v5 =	vld [tilespmem:s1+$0x3400]  }
0x82: {  	v0 =	vadd.s32 v1, v0  }
0x83: {  	v0 =	vadd.s32 v2, v0  }
0x84: {  	v0 =	vadd.s32 v3, v0  }
0x85: {  	v0 =	vadd.s32 v4, v0  }
0x86: {  	s0 =	sadd.s32 $0x10, s0;
	s23 =	sshll.u32 s8, $0x8;
	v0 =	vadd.s32 v5, v0  }
0x87: {  	s25 =	simm.s32 $0x3500;
	s26 =	simm.s32 $0x2;
	s24 =	sadd.s32 s23, s16;
	[tilespmem:s0+$0x0] =	vst v0  }
0x88: {  	[spmem:s24] =	stream.linear.scatter [tilespmem:s25], [sflag:$0x2], $0x100, $0x38;
	[tilespmem:$0x9C80] =	vst v63  }
0x89: {  	_ =	swait.ge [sflag:s26], $0x100  }
0x8a: {  	[sflag:s26] =	ssyncset.done $0x0  }
0x8b: {  	[sflag:s26] =	ssyncadd.s32 $0xFFFFFF00  }
0x8c: {  	s28 =	simm.s32 $0x3600;
	[bflag:$0x0] =	sbarrier.arrive $0xFFFF  }
0x8d: {  	[tilespmem:s28], [sflag:$0x2] =	stream.linear.gather [spmem:s16], $0x1000, $0x38;
	[tilespmem:$0x9C80] =	vst v63  }
0x8e: {  	_ =	swait.ge [sflag:s26], $0x1000  }
0x8f: {  	[sflag:s26] =	ssyncset.done $0x0  }
0x90: {  	s29 =	simm.s32 $0x0;
	[sflag:s26] =	ssyncadd.s32 $0xFFFFF000  }
0x91: {  	v0 =	vld [tilespmem:s29+$0x36F0]  }
0x92: {  	v1 =	vld [tilespmem:s29+$0x37F0]  }
0x93: {  	v2 =	vld [tilespmem:s29+$0x38F0]  }
0x94: {  	v3 =	vld [tilespmem:s29+$0x39F0]  }
0x95: {  	v4 =	vld [tilespmem:s29+$0x3AF0]  }
0x96: {  	v5 =	vld [tilespmem:s29+$0x3BF0]  }
0x97: {  	v6 =	vld [tilespmem:s29+$0x3CF0]  }
0x98: {  	v7 =	vld [tilespmem:s29+$0x3DF0]  }
0x99: {  	v8 =	vld [tilespmem:s29+$0x3EF0]  }
0x9a: {  	v9 =	vld [tilespmem:s29+$0x3FF0]  }
0x9b: {  	v10 =	vld [tilespmem:s29+$0x40F0]  }
0x9c: {  	v11 =	vld [tilespmem:s29+$0x41F0]  }
0x9d: {  	v12 =	vld [tilespmem:s29+$0x42F0]  }
0x9e: {  	v13 =	vld [tilespmem:s29+$0x43F0];
	v0 =	vadd.s32 v0, v1  }
0x9f: {  	v1 =	vld [tilespmem:s29+$0x44F0];
	v0 =	vadd.s32 v2, v0  }
0xa0: {  	s30 =	simm.s32 $0xFFFFFFF0;
	v2 =	vld [tilespmem:s29+$0x45F0];
	v0 =	vadd.s32 v3, v0  }
0xa1: {  	v3 =	vld [tilespmem:s30+$0x36F0];
	v0 =	vadd.s32 v4, v0  }
0xa2: {  	v4 =	vld [tilespmem:s30+$0x37F0];
	v0 =	vadd.s32 v5, v0  }
0xa3: {  	v5 =	vld [tilespmem:s30+$0x38F0];
	v0 =	vadd.s32 v6, v0  }
0xa4: {  	v6 =	vld [tilespmem:s30+$0x39F0];
	v0 =	vadd.s32 v7, v0  }
0xa5: {  	v7 =	vld [tilespmem:s30+$0x3AF0];
	v0 =	vadd.s32 v8, v0  }
0xa6: {  	v8 =	vld [tilespmem:s30+$0x3BF0];
	v0 =	vadd.s32 v9, v0  }
0xa7: {  	v9 =	vld [tilespmem:s30+$0x3CF0];
	v0 =	vadd.s32 v10, v0  }
0xa8: {  	v3 =	vadd.s32 v3, v4;
	v4 =	vld [tilespmem:s30+$0x3DF0];
	v0 =	vadd.s32 v11, v0  }
0xa9: {  	v3 =	vadd.s32 v5, v3;
	v5 =	vld [tilespmem:s30+$0x3EF0];
	v10 =	vlaneseq.u32;
	v0 =	vadd.s32 v12, v0  }
0xaa: {  	v3 =	vadd.s32 v6, v3;
	v6 =	vld [tilespmem:s30+$0x3FF0];
	v10 =	vmul.u32 $0xFFFFFFFF, v10;
	v0 =	vadd.s32 v13, v0  }
0xab: {  	v3 =	vadd.s32 v7, v3;
	v7 =	vld [tilespmem:s30+$0x40F0];
	v1 =	vadd.s32 v1, v0  }
0xac: {  	v3 =	vadd.s32 v8, v3;
	v8 =	vld [tilespmem:s30+$0x41F0];
	v0 =	vadd.s32 $0xF, v10;
	v2 =	vadd.s32 v2, v1  }
0xad: {  	v1 =	vadd.s32 v9, v3;
	v3 =	vld [tilespmem:s30+$0x42F0];
	v9 =	vperm.xlane v2, v0  }
0xae: {  	v1 =	vadd.s32 v4, v1;
	v4 =	vld [tilespmem:s30+$0x43F0]  }
0xaf: {  	v1 =	vadd.s32 v5, v1;
	v5 =	vld [tilespmem:s30+$0x44F0];
	(xrf0) =	vadd.scan.msk.s32 $0xffff, v9  }
0xb0: {  	s31 =	simm.s32 $0xFFFFFFE0;
	v1 =	vadd.s32 v6, v1;
	v6 =	vld [tilespmem:s30+$0x45F0]  }
0xb1: {  	v1 =	vadd.s32 v7, v1;
	v7 =	vld [tilespmem:s31+$0x36F0]  }
0xb2: {  	v1 =	vadd.s32 v8, v1;
	v8 =	vld [tilespmem:s31+$0x37F0]  }
0xb3: {  	v1 =	vadd.s32 v3, v1;
	v3 =	vld [tilespmem:s31+$0x38F0]  }
0xb4: {  	v1 =	vadd.s32 v4, v1;
	v4 =	vld [tilespmem:s31+$0x39F0]  }
0xb5: {  	v1 =	vadd.s32 v5, v1;
	v5 =	vld [tilespmem:s31+$0x3AF0];
	v9, _, _ =	vpop (xrf0)  }
0xb6: {  	v1 =	vadd.s32 v6, v1;
	v6 =	vld [tilespmem:s31+$0x3BF0];
	v10 =	vxor.u32 $0x80000000, v9  }
0xb7: {  	v7 =	vadd.s32 v7, v8;
	v8 =	vld [tilespmem:s31+$0x3CF0];
	(xrf0) =	vmax.scan.msk.u32 $0xffff, v10  }
0xb8: {  	v3 =	vadd.s32 v3, v7;
	v7 =	vld [tilespmem:s31+$0x3DF0]  }
0xb9: {  	v3 =	vadd.s32 v4, v3  }
0xba: {  	v5 =	vadd.s32 v5, v3  }
0xbb: {  	v5 =	vadd.s32 v6, v5  }
0xbc: {  	v5 =	vadd.s32 v8, v5  }
0xbd: {  	v11 =	vperm.xlane v1, v0;
	v6 =	vadd.s32 v7, v5;
	v7, _, _ =	vpop (xrf0)  }
0xbe: {  	(v2sf) =	vpush v7, $0xF  }
0xbf: {  	(xrf0) =	vadd.scan.msk.s32 $0xffff, v11  }
0xc0: {  	v4 =	vld [tilespmem:s31+$0x3EF0]  }
0xc1: {  	v10 =	vld [tilespmem:s31+$0x3FF0]  }
0xc2: {  	v9 =	vperm.xlane v9, v0;
	v11 =	vld [tilespmem:s31+$0x40F0];
	v3 =	vimm.s32 $0x0  }
0xc3: {  	v62 =	vld [tilespmem:s31+$0x41F0];
	v2 =	vsub.s32 v3, v2  }
0xc4: {  	v2 =	vadd.s32 v9, v2;
	v5 =	vld [tilespmem:s31+$0x42F0]  }
0xc5: {  	vm0 =	vgt.s32 v2, $0x12B;
	v2 =	vadd.s32 v4, v6;
	v6 =	vld [tilespmem:s31+$0x43F0];
	v63, _, _ =	vpop (xrf0)  }
0xc6: {  	v8 =	vld [tilespmem:s31+$0x44F0];
	v4 =	vmpcnt.ones.xlane vm0;
	v2 =	vadd.s32 v10, v2;
	v7 =	vxor.u32 $0x80000000, v63  }
0xc7: {  	s0 =	simm.s32 $0xFFFFFFD0;
	v9 =	vld [tilespmem:s31+$0x45F0];
	v10 =	vadd.s32 v11, v2;
	(xrf0) =	vmax.scan.msk.u32 $0xffff, v7  }
0xc8: {  	s1 =	simm.s32 $0xFFFFFF00;
	v2 =	vadd.s32 v3, v4;
	v4 =	vperm.xlane v63, v0;
	v7 =	vld [tilespmem:s0+$0x36F0];
	v10 =	vadd.s32 v62, v10  }
.LBB3_7:
0xc9: {  	p0 =	sne.s32 s1, $0xFFFFFC40;
	v11 =	vld [tilespmem:s0+$0x37F0];
	v5 =	vadd.s32 v5, v10  }
0xca: {  	v10 =	vld [tilespmem:s0+$0x38F0];
	v5 =	vadd.s32 v6, v5  }
0xcb: {  	v6 =	vld [tilespmem:s0+$0x39F0];
	v5 =	vadd.s32 v8, v5  }
0xcc: {  	v8 =	vld [tilespmem:s0+$0x3AF0];
	v5 =	vadd.s32 v9, v5  }
0xcd: {  	v9 =	vld [tilespmem:s0+$0x3BF0];
	v12 =	vperm.xlane v5, v0;
	v13, _, _ =	vpop (xrf0);
	s2 =	spop (v2sf)  }
0xce: {  	v7 =	vadd.s32 v7, v11;
	v11 =	vld [tilespmem:s0+$0x3CF0];
	(v2sf) =	vpush v13, $0xF;
	s2 =	sxor.u32 $0x80000000, s2  }
0xcf: {  	v7 =	vadd.s32 v10, v7;
	v10 =	vld [tilespmem:s0+$0x3DF0];
	(xrf0) =	vadd.scan.msk.s32 $0xffff, v12;
	v3 =	vadd.s32 s2, v3  }
0xd0: {  	v6 =	vadd.s32 v6, v7;
	v7 =	vld [tilespmem:s0+$0x3EF0];
	v12 =	vsub.s32 v3, v1;
	v1 =	vmov v5  }
0xd1: {  	v5 =	vadd.s32 v8, v6;
	v8 =	vld [tilespmem:s0+$0x3FF0];
	v4 =	vadd.s32 v4, v12  }
0xd2: {  	v5 =	vadd.s32 v9, v5;
	v9 =	vld [tilespmem:s0+$0x40F0];
	vm0 =	vgt.s32 v4, $0x12B  }
0xd3: {  	v4 =	vadd.s32 v11, v5;
	v11 =	vld [tilespmem:s0+$0x41F0];
	v12 =	vmpcnt.ones.xlane vm0  }
.Ltmp3:
0xd4: {  	v4 =	vadd.s32 v10, v4;
	v5 =	vld [tilespmem:s0+$0x42F0];
	(pc) =	sbr.rel @p0 .LBB3_7-.Ltmp3, $4  }
0xd5: {  	v4 =	vadd.s32 v7, v4;
	v6 =	vld [tilespmem:s0+$0x43F0];
	v7, _, _ =	vpop (xrf0);
	v2 =	vadd.s32 v2, v12  }
0xd6: {  	v10 =	vadd.s32 v8, v4;
	v8 =	vld [tilespmem:s0+$0x44F0];
	v4 =	vperm.xlane v7, v0;
	v7 =	vxor.u32 $0x80000000, v7  }
0xd7: {  	v10 =	vadd.s32 v9, v10;
	v9 =	vld [tilespmem:s0+$0x45F0];
	s0 =	sshra.s32 s1, $0x2;
	(xrf0) =	vmax.scan.msk.u32 $0xffff, v7  }
0xd8: {  	s1 =	sadd.s32 $0xFFFFFFC0, s1;
	v7 =	vld [tilespmem:s0+$0x36F0];
	v10 =	vadd.s32 v11, v10  }
0xd9: {  	v5 =	vadd.s32 v5, v10  }
0xda: {  	v5 =	vadd.s32 v6, v5  }
0xdb: {  	v5 =	vadd.s32 v8, v5  }
0xdc: {  	v5 =	vadd.s32 v9, v5  }
0xdd: {  	v42 =	vperm.xlane v5, v0;
	_ =	sdelay $0x1  }
0xde: {  	v43 =	vld [tilespmem:s0+$0x37F0];
	(xrf0) =	vadd.scan.msk.s32 $0xffff, v42  }
0xdf: {  	v44 =	vld [tilespmem:s0+$0x38F0]  }
0xe0: {  	v45 =	vld [tilespmem:s0+$0x39F0]  }
0xe1: {  	v46 =	vld [tilespmem:s0+$0x3AF0]  }
0xe2: {  	v11 =	vld [tilespmem:s0+$0x3BF0]  }
0xe3: {  	v47 =	vld [tilespmem:s0+$0x3CF0];
	v12, _, _ =	vpop (xrf0);
	v7 =	vadd.s32 v7, v43  }
0xe4: {  	v48 =	vld [tilespmem:s0+$0x3DF0];
	v6 =	vadd.s32 v44, v7;
	v13, _, _ =	vpop (xrf0)  }
0xe5: {  	v49 =	vld [tilespmem:s0+$0x3EF0];
	v6 =	vadd.s32 v45, v6;
	v14 =	vxor.u32 $0x80000000, v13  }
0xe6: {  	v50 =	vld [tilespmem:s0+$0x3FF0];
	v6 =	vadd.s32 v46, v6;
	(xrf0) =	vmax.scan.msk.u32 $0xffff, v14  }
0xe7: {  	v51 =	vld [tilespmem:s0+$0x40F0];
	v6 =	vadd.s32 v11, v6  }
0xe8: {  	v52 =	vld [tilespmem:s0+$0x41F0];
	v6 =	vadd.s32 v47, v6  }
0xe9: {  	v53 =	vld [tilespmem:s0+$0x42F0];
	v6 =	vadd.s32 v48, v6  }
0xea: {  	v54 =	vld [tilespmem:s0+$0x43F0];
	v6 =	vadd.s32 v49, v6  }
0xeb: {  	v55 =	vld [tilespmem:s0+$0x44F0];
	v6 =	vadd.s32 v50, v6  }
0xec: {  	v56 =	vld [tilespmem:s0+$0x45F0];
	(v2sf) =	vpush v12, $0xF;
	v6 =	vadd.s32 v51, v6;
	v57, _, _ =	vpop (xrf0)  }
0xed: {  	v6 =	vadd.s32 v52, v6;
	(v2sf) =	vpush v57, $0xF  }
0xee: {  	v6 =	vadd.s32 v53, v6  }
0xef: {  	v6 =	vadd.s32 v54, v6  }
0xf0: {  	v6 =	vadd.s32 v55, v6  }
0xf1: {  	v6 =	vadd.s32 v56, v6  }
0xf2: {  	v59 =	vimm.s32 $0x0;
	v58 =	vperm.xlane v6, v0  }
0xf3: {  	[tilespmem:$0x4600] =	vst v59  }
0xf4: {  	[tilespmem:$0x4680] =	vst v59;
	(xrf0) =	vadd.scan.msk.s32 $0xffff, v58  }
0xf5: {  	[tilespmem:$0x4610] =	vst v59  }
0xf6: {  	[tilespmem:$0x4690] =	vst v59  }
0xf7: {  	[tilespmem:$0x4620] =	vst v59  }
0xf8: {  	[tilespmem:$0x46A0] =	vst v59  }
0xf9: {  	[tilespmem:$0x4630] =	vst v59;
	s25 =	spop (v2sf)  }
0xfa: {  	[tilespmem:$0x46B0] =	vst v59;
	s0 =	sxor.u32 $0x80000000, s25;
	v7, _, _ =	vpop (xrf0)  }
0xfb: {  	[tilespmem:$0x4640] =	vst v59;
	v3 =	vadd.s32 s0, v3;
	s1 =	spop (v2sf);
	v60 =	vxor.u32 $0x80000000, v7  }
0xfc: {  	[tilespmem:$0x46C0] =	vst v59;
	v1 =	vsub.s32 v3, v1;
	s26 =	sxor.u32 $0x80000000, s1;
	(xrf0) =	vmax.scan.msk.u32 $0xffff, v60;
	s28 =	spop (v2sf)  }
0xfd: {  	[tilespmem:$0x4650] =	vst v59;
	v1 =	vadd.s32 v4, v1;
	v61 =	vperm.xlane v13, v0;
	v3 =	vadd.s32 s26, v3;
	s29 =	sxor.u32 $0x80000000, s28  }
0xfe: {  	[tilespmem:$0x46D0] =	vst v59;
	v5 =	vsub.s32 v3, v5;
	v0 =	vperm.xlane v7, v0;
	v3 =	vadd.s32 s29, v3  }
0xff: {  	[tilespmem:$0x4660] =	vst v59;
	vm0 =	vgt.s32 v1, $0x12B;
	v1 =	vadd.s32 v61, v5;
	v3 =	vsub.s32 v3, v6  }
0x100: {  	[tilespmem:$0x46E0] =	vst v59;
	v62 =	vmpcnt.ones.xlane vm0;
	vm13 =	vgt.s32 v1, $0x12B;
	v0 =	vadd.s32 v0, v3  }
0x101: {  	[tilespmem:$0x4670] =	vst v59;
	v1 =	vmpcnt.ones.xlane vm13;
	vm14 =	vgt.s32 v0, $0x12B  }
0x102: {  	s30 =	simm.s32 $0x0;
	[tilespmem:$0x46F0] =	vst v59;
	v0 =	vadd.s32 v2, v62;
	v2, _, _ =	vpop (xrf0);
	v3 =	vmpcnt.ones.xlane vm14  }
0x103: {  	v0 =	vadd.s32 v0, v1;
	(v2sf) =	vpush v2, $0xF;
	v2 =	vld [tilespmem:s30+$0x1280]  }
0x104: {  	v0 =	vadd.s32 v0, v3  }
0x105: {  	v0 =	vshll.u32 v0, $0xF  }
0x106: {  	vm15 =	vgt.s32 v0, $0x1  }
0x107: {  	v1 =	vnsel vm15, $0x1, v0  }
0x108: {  	vm0 =	vge.s32 v2, v1  }
0x109: {  	v0 =	vmpcnt.ones.xlane vm0;
	_ =	sdelay $0x1  }
0x10a: {  	v0 =	vxor.u32 $0x80000000, v0  }
0x10b: {  	(xrf0) =	vmax.scan.msk.u32 $0xffff, v0;
	_ =	sdelay $0x5  }
0x10c: {  	p0 =	por $0x1, $0x1;
	s3 =	simm.s32 $0x0;
	v3, _, _ =	vpop (xrf0)  }
0x10d: {  	s3 =	simm.s32 @!p0 $0x30;
	v0 =	vlaneseq.u32;
	s31 =	spop (v2sf);
	(v2sf) =	vpush v3, $0xF  }
0x10e: {  	[tilespmem:s3+$0x4600] =	vst.msk vm0, v2;
	v63 =	vor.u32 s15, v0  }
0x10f: {  	s2 =	simm.s32 $0x10;
	s0 =	simm.s32 $0x0;
	s1 =	simm.s32 $0x80;
	[tilespmem:s3+$0x4680] =	vst.msk vm0, v63  }
.LBB3_9:
0x110: {  	p0 =	sne.s32 s1, $0x4940;
	v2 =	vld [tilespmem:s2+$0x1280];
	_ =	sdelay $0x4  }
0x111: {  	vm0 =	vge.s32 v2, v1  }
0x112: {  	v3 =	vmpcnt.ones.xlane vm0;
	_ =	sdelay $0x1  }
0x113: {  	v3 =	vxor.u32 $0x80000000, v3  }
0x114: {  	(xrf0) =	vmax.scan.msk.u32 $0xffff, v3;
	_ =	sdelay $0x2  }
0x115: {  	s2 =	spop (v2sf)  }
0x116: {  	s0 =	sadd.s32 s2, s0  }
.Ltmp4:
0x117: {  	s0 =	sadd.s32 $0x80000000, s0;
	(pc) =	sbr.rel @p0 .LBB3_9-.Ltmp4, $4  }
0x118: {  	p1 =	slt.s32 s0, $0x30;
	v3, _, _ =	vpop (xrf0);
	s3 =	smov.u32 s0  }
0x119: {  	s15 =	sadd.s32 $0x10, s15;
	s3 =	simm.s32 @!p1 $0x30;
	(v2sf) =	vpush v3, $0xF  }
0x11a: {  	v3 =	vor.u32 s15, v0;
	[tilespmem:s3+$0x4600] =	vst.msk vm0, v2  }
0x11b: {  	s2 =	sshra.s32 s1, $0x2;
	s1 =	sadd.s32 $0x40, s1;
	[tilespmem:s3+$0x4680] =	vst.msk vm0, v3  }
0x11c: {  	v2 =	vld [tilespmem:s2+$0x1280];
	_ =	sdelay $0x4  }
0x11d: {  	vm0 =	vge.s32 v2, v1  }
0x11e: {  	v1 =	vmpcnt.ones.xlane vm0;
	_ =	sdelay $0x1  }
0x11f: {  	v1 =	vxor.u32 $0x80000000, v1  }
0x120: {  	(xrf0) =	vmax.scan.msk.u32 $0xffff, v1;
	_ =	sdelay $0x5  }
0x121: {  	v1, _, _ =	vpop (xrf0)  }
0x122: {  	(v2sf) =	vpush v1, $0xF;
	_ =	sdelay $0xc  }
0x123: {  	s1 =	spop (v2sf)  }
0x124: {  	s0 =	sadd.s32 s1, s0  }
0x125: {  	s0 =	sadd.s32 $0x80000000, s0;
	s3 =	spop (v2sf)  }
0x126: {  	s1 =	sadd.s32 s3, s0  }
0x127: {  	p0 =	slt.s32 s0, $0x30;
	s1 =	sadd.s32 $0x80000000, s1  }
0x128: {  	s4 =	sadd.s32 $0x10, s15;
	s0 =	simm.s32 @!p0 $0x30;
	p0 =	slt.s32 s1, $0x40  }
0x129: {  	v0 =	vor.u32 s4, v0;
	[tilespmem:s0+$0x4600] =	vst.msk vm0, v2;
	s1 =	simm.s32 @!p0 $0x40  }
0x12a: {  	[tilespmem:s0+$0x4680] =	vst.msk vm0, v0;
	v0 =	vmov s1  }
0x12b: {  	[tilespmem:$0x5F00] =	vst v0  }
0x12c: {  	[tilespmem:$0x5F10] =	vst v0  }
0x12d: {  	[tilespmem:$0x5F20] =	vst v0  }
0x12e: {  	[tilespmem:$0x5F30] =	vst v0  }
0x12f: {  	[tilespmem:$0x5F40] =	vst v0  }
0x130: {  	[tilespmem:$0x5F50] =	vst v0  }
0x131: {  	s19 =	sshll.u32 s8, $0x7;
	[tilespmem:$0x5F60] =	vst v0  }
0x132: {  	s6 =	simm.s32 $0x5F00;
	s5 =	sadd.s32 s19, s12;
	[tilespmem:$0x5F70] =	vst v0  }
0x133: {  	[spmem:s5] =	stream.linear.scatter [tilespmem:s6], [sflag:$0x1], $0x80, $0x38;
	[tilespmem:$0x9C80] =	vst v63  }
0x134: {  	s15 =	simm.s32 $0x4600;
	s7 =	sadd.s32 s19, s14  }
0x135: {  	[spmem:s7] =	stream.linear.scatter [tilespmem:s15], [sflag:$0x1], $0x80, $0x38;
	[tilespmem:$0x9C80] =	vst v63  }
0x136: {  	s20 =	simm.s32 $0x4680;
	s21 =	simm.s32 $0x1;
	s16 =	sadd.s32 s19, s13  }
0x137: {  	[spmem:s16] =	stream.linear.scatter [tilespmem:s20], [sflag:$0x1], $0x80, $0x38;
	[tilespmem:$0x9C80] =	vst v63  }
0x138: {  	_ =	swait.ge [sflag:s21], $0x80  }
0x139: {  	[sflag:s21] =	ssyncset.done $0x0  }
0x13a: {  	[sflag:s21] =	ssyncadd.s32 $0xFFFFFF80  }
0x13b: {  	_ =	swait.ge [sflag:s21], $0x80  }
0x13c: {  	[sflag:s21] =	ssyncset.done $0x0  }
0x13d: {  	[sflag:s21] =	ssyncadd.s32 $0xFFFFFF80  }
0x13e: {  	_ =	swait.ge [sflag:s21], $0x80  }
0x13f: {  	[sflag:s21] =	ssyncset.done $0x0  }
0x140: {  	[sflag:s21] =	ssyncadd.s32 $0xFFFFFF80  }
0x141: {  	s22 =	simm.s32 $0x4700;
	[bflag:$0x0] =	sbarrier.arrive $0xFFFF  }
0x142: {  	[tilespmem:s22], [sflag:$0x1] =	stream.linear.gather [spmem:s14], $0x800, $0x38;
	[tilespmem:$0x9C80] =	vst v63  }
0x143: {  	s23 =	simm.s32 $0x4F00  }
0x144: {  	[tilespmem:s23], [sflag:$0x1] =	stream.linear.gather [spmem:s13], $0x800, $0x38;
	[tilespmem:$0x9C80] =	vst v63  }
0x145: {  	s24 =	simm.s32 $0x5700  }
0x146: {  	[tilespmem:s24], [sflag:$0x1] =	stream.linear.gather [spmem:s12], $0x800, $0x38;
	[tilespmem:$0x9C80] =	vst v63  }
0x147: {  	_ =	swait.ge [sflag:s21], $0x800  }
0x148: {  	[sflag:s21] =	ssyncset.done $0x0  }
0x149: {  	[sflag:s21] =	ssyncadd.s32 $0xFFFFF800  }
0x14a: {  	_ =	swait.ge [sflag:s21], $0x800  }
0x14b: {  	[sflag:s21] =	ssyncset.done $0x0  }
0x14c: {  	[sflag:s21] =	ssyncadd.s32 $0xFFFFF800  }
0x14d: {  	_ =	swait.ge [sflag:s21], $0x800  }
0x14e: {  	s25 =	simm.s32 $0x0;
	[sflag:s21] =	ssyncset.done $0x0  }
0x14f: {  	s26 =	sand.u32 $0x3FFFFF80, s25;
	[sflag:s21] =	ssyncadd.s32 $0xFFFFF800  }
0x150: {  	v0 =	vld [tilespmem:s26+$0x5700];
	_ =	sdelay $0x4  }
0x151: {  	v0 =	vxor.u32 $0x80000000, v0  }
0x152: {  	(xrf0) =	vmax.scan.msk.u32 $0xffff, v0;
	_ =	sdelay $0x5  }
0x153: {  	v0, _, _ =	vpop (xrf0)  }
0x154: {  	(v2sf) =	vpush v0, $0xF;
	_ =	sdelay $0x7  }
0x155: {  	s28 =	simm.s32 $0x0  }
0x156: {  	s0 =	sand.u32 $0xFFFFFFC0, s28  }
0x157: {  	s29 =	sadd.s32 $0x0, s0;
	s0 =	ssub.s32 $0x0, s0  }
0x158: {  	s30 =	sand.u32 $0x70, s0;
	s1 =	sand.u32 $0xFFFFFF80, s29  }
0x159: {  	s2 =	sor.u32 s30, s1  }
0x15a: {  	v2 =	vld [tilespmem:s2+$0x4700]  }
0x15b: {  	v1 =	vld [tilespmem:s2+$0x4F00]  }
0x15c: {  	v0 =	vlaneseq.u32;
	s31 =	spop (v2sf)  }
0x15d: {  	s4 =	simm.s32 $0x0;
	p0 =	por $0x1, $0x1;
	v3 =	vor.u32 s0, v0;
	s3 =	sxor.u32 $0x80000000, s31  }
0x15e: {  	s4 =	simm.s32 @!p0 $0x3F0;
	s1 =	simm.s32 $0x1;
	s5 =	simm.s32 $0x20;
	vm0 =	vlt.s32 v3, s3  }
0x15f: {  	s2 =	simm.s32 $0x0;
	s0 =	simm.s32 $0x0;
	s3 =	simm.s32 $0x2;
	[tilespmem:s4+$0x5F80] =	vst.msk vm0, v2;
	v2 =	vmpcnt.ones.xlane vm0  }
.LBB3_11:
0x160: {  	p0 =	sne.s32 s3, $0x3F;
	s5 =	sand.u32 $0x3FFFFF80, s5;
	[tilespmem:s4+$0x6380] =	vst.msk vm0, v1  }
0x161: {  	v1 =	vld [tilespmem:s5+$0x5700];
	v2 =	vxor.u32 $0x80000000, v2  }
0x162: {  	(xrf0) =	vmax.scan.msk.u32 $0xffff, v2;
	_ =	sdelay $0x3  }
0x163: {  	v2 =	vxor.u32 $0x80000000, v1  }
0x164: {  	(xrf0) =	vmax.scan.msk.u32 $0xffff, v2  }
0x165: {  	v1, _, _ =	vpop (xrf0)  }
0x166: {  	(v2sf) =	vpush v1, $0xF;
	_ =	sdelay $0x3  }
0x167: {  	v1, _, _ =	vpop (xrf0)  }
0x168: {  	(v2sf) =	vpush v1, $0xF;
	_ =	sdelay $0x7  }
0x169: {  	s4 =	sshll.u32 s1, $0x4;
	s1 =	smov.u32 s3  }
0x16a: {  	s2 =	sadd.s32 $0x10, s2;
	s4 =	sand.u32 $0xFFFFFFC0, s4  }
0x16b: {  	s5 =	sadd.s32 s4, s2;
	s6 =	ssub.s32 s2, s4;
	s4 =	spop (v2sf)  }
0x16c: {  	s7 =	sand.u32 $0x70, s6;
	s5 =	sand.u32 $0xFFFFFF80, s5;
	s0 =	sadd.s32 s4, s0  }
0x16d: {  	s4 =	sor.u32 s7, s5;
	s0 =	sadd.s32 $0x80000000, s0  }
0x16e: {  	v2 =	vld [tilespmem:s4+$0x4700];
	p1 =	slt.s32 s0, $0x3F0  }
0x16f: {  	v1 =	vld [tilespmem:s4+$0x4F00];
	s4 =	smov.u32 s0  }
.Ltmp5:
0x170: {  	s4 =	simm.s32 @!p1 $0x3F0;
	(pc) =	sbr.rel @p0 .LBB3_11-.Ltmp5, $4  }
0x171: {  	s5 =	spop (v2sf)  }
0x172: {  	v3 =	vor.u32 s6, v0;
	s5 =	sxor.u32 $0x80000000, s5  }
0x173: {  	vm0 =	vlt.s32 v3, s5  }
0x174: {  	s3 =	sadd.s32 $0x1, s3;
	s5 =	sshll.u32 s1, $0x5;
	[tilespmem:s4+$0x5F80] =	vst.msk vm0, v2;
	v2 =	vmpcnt.ones.xlane vm0  }
0x175: {  	s3 =	sand.u32 $0x3FFFFF80, s5;
	[tilespmem:s4+$0x6380] =	vst.msk vm0, v1  }
0x176: {  	v1 =	vld [tilespmem:s3+$0x5700];
	_ =	sdelay $0x3  }
0x177: {  	v2 =	vxor.u32 $0x80000000, v2  }
0x178: {  	(xrf0) =	vmax.scan.msk.u32 $0xffff, v2;
	v1 =	vxor.u32 $0x80000000, v1  }
0x179: {  	(xrf0) =	vmax.scan.msk.u32 $0xffff, v1;
	_ =	sdelay $0x4  }
0x17a: {  	v1, _, _ =	vpop (xrf0)  }
0x17b: {  	(v2sf) =	vpush v1, $0xF;
	v1, _, _ =	vpop (xrf0)  }
0x17c: {  	(v2sf) =	vpush v1, $0xF;
	_ =	sdelay $0xc  }
0x17d: {  	s1 =	sshll.u32 s1, $0x4  }
0x17e: {  	s2 =	sadd.s32 $0x10, s2;
	s1 =	sand.u32 $0xFFFFFFC0, s1;
	s15 =	spop (v2sf)  }
0x17f: {  	s16 =	ssub.s32 s2, s1;
	s20 =	spop (v2sf)  }
0x180: {  	v0 =	vor.u32 s16, v0;
	s5 =	sxor.u32 $0x80000000, s20  }
0x181: {  	vm15 =	vlt.s32 v0, s5  }
0x182: {  	v0 =	vmpcnt.ones.xlane vm15;
	_ =	sdelay $0x1  }
0x183: {  	v0 =	vxor.u32 $0x80000000, v0  }
0x184: {  	(xrf0) =	vmax.scan.msk.u32 $0xffff, v0;
	_ =	sdelay $0x5  }
0x185: {  	v0, _, _ =	vpop (xrf0)  }
0x186: {  	(v2sf) =	vpush v0, $0xF;
	_ =	sdelay $0x5  }
0x187: {  	s1 =	sadd.s32 s1, s2  }
0x188: {  	s21 =	sand.u32 $0x70, s16;
	s1 =	sand.u32 $0xFFFFFF80, s1  }
0x189: {  	s1 =	sor.u32 s21, s1  }
0x18a: {  	v0 =	vld [tilespmem:s1+$0x4700]  }
0x18b: {  	v1 =	vld [tilespmem:s1+$0x4F00];
	s0 =	sadd.s32 s15, s0  }
0x18c: {  	s0 =	sadd.s32 $0x80000000, s0  }
0x18d: {  	p0 =	slt.s32 s0, $0x3F0;
	s1 =	smov.u32 s0  }
0x18e: {  	s1 =	simm.s32 @!p0 $0x3F0  }
0x18f: {  	[tilespmem:s1+$0x5F80] =	vst.msk vm15, v0  }
0x190: {  	s23 =	sadd.s32 s19, s18;
	[tilespmem:s1+$0x6380] =	vst.msk vm15, v1;
	s1 =	spop (v2sf)  }
0x191: {  	s24 =	sadd.s32 s19, s17;
	[dreg:$0x13] =	wrdreg s23;
	v8 =	vld [tilespmem:$0x4600];
	s22 =	sadd.s32 s1, s0  }
0x192: {  	s25 =	sadd.s32 s19, s9;
	[dreg:$0x14] =	wrdreg s24;
	v7 =	vld [tilespmem:$0x4610];
	s2 =	sadd.s32 $0x80000000, s22  }
0x193: {  	s26 =	sadd.s32 s19, s10;
	[dreg:$0x15] =	wrdreg s25;
	v5 =	vld [tilespmem:$0x4620];
	p0 =	slt.s32 s2, $0x1  }
.Ltmp6:
0x194: {  	s28 =	sadd.s32 s19, s11;
	[dreg:$0x16] =	wrdreg s26;
	v1 =	vld [tilespmem:$0x4630];
	(pc) =	sbr.rel @p0 .LBB3_19-.Ltmp6, $4  }
0x195: {  	s29 =	sshll.u32 s8, $0x5;
	[dreg:$0x17] =	wrdreg s28;
	v6 =	vld [tilespmem:$0x4680]  }
0x196: {  	s30 =	sshll.u32 s8, $0x2;
	s31 =	smul.u32 $0x30, s8;
	[dreg:$0x10] =	wrdreg s29;
	v2 =	vld [tilespmem:$0x46B0]  }
0x197: {  	v12 =	vimm.s32 $0x0;
	v11 =	vimm.s32 $0x0;
	[dreg:$0x11] =	wrdreg s30;
	v4 =	vld [tilespmem:$0x4690]  }
0x198: {  	v10 =	vimm.s32 $0x0;
	v9 =	vimm.s32 $0x0;
	[dreg:$0x12] =	wrdreg s31;
	v0 =	vimm.s32 $0x0;
	v3 =	vld [tilespmem:$0x46A0]  }
0x199: {  	s0 =	sadd.s32 s0, s1;
	s3 =	simm.s32 $0x0  }
0x19a: {  	s0 =	sadd.s32 $0x80000000, s0;
	v9 =	vmov s3  }
0x19b: {  	p1 =	seq.s32 s0, $0x1  }
.Ltmp7:
0x19c: {  	_ = 	snop;
	(pc) =	sbr.rel @p1 .LBB3_14-.Ltmp7, $4  }
0x19d: {  	_ = 	snop  }
0x19e: {  	s1 =	simm.s32 $0x5F80  }
0x19f: {  	s2 =	simm.s32 $0x6380;
	v15 =	vld.idx.msk [tilespmem:v9+s1+$0x0], $0xffff  }
0x1a0: {  	v10 =	vimm.s32 $0x0;
	p0 =	por $0x0, $0x0;
	s3 =	simm.s32 $0x1;
	v12 =	vld.idx.msk [tilespmem:v9+s2+$0x0], $0xffff  }
0x1a1: {  	_ =	sdelay $0x2  }
0x1a2: {  	v13 =	vmov s3;
	vm0 =	veq.s32 v15, v8  }
0x1a3: {  	vm1 =	veq.s32 v15, v7;
	vm2 =	veq.s32 v15, v5;
	vm4 =	veq.s32 v15, v1  }
0x1a4: {  	vm7 =	vgt.s32 v15, v1;
	vm12 =	vgt.s32 v15, v8;
	vm13 =	vgt.s32 v15, v7  }
0x1a5: {  	vm14 =	vgt.s32 v15, v5;
	vm3 =	vlt.s32 v12, v6;
	vm5 =	vlt.s32 v12, v2  }
0x1a6: {  	p1 =	seq.s32 s0, $0x2;
	vm6 =	vlt.s32 v12, v4;
	vm11 =	vlt.s32 v12, v3;
	vm4 =	vmand vm4, vm5  }
.Ltmp8:
0x1a7: {  	vm0 =	vmand vm0, vm3;
	vm1 =	vmand vm1, vm6;
	vm2 =	vmand vm2, vm11;
	(pc) =	sbr.rel @p1 .LBB3_16-.Ltmp8, $4  }
0x1a8: {  	v15 =	vld.idx.msk [tilespmem:v13+s1+$0x0], $0xffff;
	vm4 =	vmor vm7, vm4;
	vm0 =	vmor vm12, vm0;
	vm1 =	vmor vm13, vm1  }
0x1a9: {  	v12 =	vld.idx.msk [tilespmem:v13+s2+$0x0], $0xffff;
	vm15 =	vmor vm14, vm2;
	v9 =	vsel vm4, $0x1, v10;
	v11 =	vsel vm0, $0x1, v10  }
0x1aa: {  	v14 =	vsel vm1, $0x1, v10;
	v16 =	vsel vm15, $0x1, v10;
	v9 =	vadd.s32 v9, v10  }
0x1ab: {  	s3 =	simm.s32 $0x2;
	p0 =	por $0x1, $0x1;
	v11 =	vadd.s32 v11, v10;
	v13 =	vadd.s32 v14, v10;
	v14 =	vimm.s32 $0x0  }
.LBB3_17:
0x1ac: {  	v17 =	vmov s3;
	v14 =	vadd.s32 v16, v14  }
0x1ad: {  	s3 =	sadd.s32 $0x1, s3;
	vm0 =	veq.s32 v15, v8;
	vm1 =	veq.s32 v15, v7;
	vm2 =	veq.s32 v15, v5;
	v16 =	vmovc v15  }
0x1ae: {  	p1 =	seq.s32 s0, s3;
	vm3 =	vlt.s32 v12, v6;
	vm4 =	veq.s32 v16, v1;
	vm5 =	vlt.s32 v12, v2  }
0x1af: {  	vm6 =	vlt.s32 v12, v4;
	vm7 =	vgt.s32 v16, v1;
	vm4 =	vmand vm4, vm5  }
0x1b0: {  	vm0 =	vmand vm0, vm3;
	vm3 =	vlt.s32 v12, v3;
	vm4 =	vmor vm7, vm4  }
.Ltmp9:
0x1b1: {  	vm1 =	vmand vm1, vm6;
	vm2 =	vmand vm2, vm3;
	v18 =	vsel vm4, $0x1, v10;
	v15 =	vld.idx.msk [tilespmem:v17+s1+$0x0], $0xffff;
	(pc) =	sbr.rel @!p1 .LBB3_17-.Ltmp9, $4  }
0x1b2: {  	vm3 =	vgt.s32 v16, v8;
	vm4 =	vgt.s32 v16, v7;
	v9 =	vadd.s32 v18, v9;
	v12 =	vld.idx.msk [tilespmem:v17+s2+$0x0], $0xffff  }
0x1b3: {  	vm0 =	vmor vm3, vm0;
	vm3 =	vgt.s32 v16, v5;
	vm1 =	vmor vm4, vm1  }
0x1b4: {  	v16 =	vsel vm0, $0x1, v10;
	vm0 =	vmor vm3, vm2;
	v17 =	vsel vm1, $0x1, v10  }
0x1b5: {  	v11 =	vadd.s32 v16, v11;
	v16 =	vsel vm0, $0x1, v10;
	v13 =	vadd.s32 v17, v13  }
.LBB3_18:
0x1b6: {  	v14 =	vadd.s32 @p0 v16, v14;
	vm0 =	veq.s32 v15, v8;
	vm1 =	veq.s32 v15, v7  }
0x1b7: {  	vm2 =	veq.s32 v15, v5;
	vm4 =	veq.s32 v15, v1;
	vm7 =	vgt.s32 v15, v1  }
0x1b8: {  	vm12 =	vgt.s32 v15, v8;
	vm13 =	vgt.s32 v15, v7;
	vm14 =	vgt.s32 v15, v5  }
0x1b9: {  	vm3 =	vlt.s32 v12, v6;
	vm5 =	vlt.s32 v12, v2;
	vm6 =	vlt.s32 v12, v4  }
0x1ba: {  	vm11 =	vlt.s32 v12, v3;
	vm4 =	vmand vm4, vm5;
	vm0 =	vmand vm0, vm3  }
0x1bb: {  	vm1 =	vmand vm1, vm6;
	vm2 =	vmand vm2, vm11;
	vm4 =	vmor vm7, vm4  }
0x1bc: {  	vm0 =	vmor vm12, vm0;
	vm1 =	vmor vm13, vm1;
	vm15 =	vmor vm14, vm2  }
0x1bd: {  	v12 =	vsel vm4, $0x1, v10;
	v15 =	vsel vm1, $0x1, v10;
	v63 =	vsel vm15, $0x1, v10  }
0x1be: {  	v9 =	vadd.s32 v12, v9;
	v12 =	vsel vm0, $0x1, v10;
	v10 =	vpsel p0, v14, v10  }
0x1bf: {  	v12 =	vadd.s32 v12, v11;
	v11 =	vadd.s32 v15, v13;
	v10 =	vadd.s32 v63, v10  }
.LBB3_19:
0x1c0: {  	_ = 	snop  }
0x1c1: {  	(v2sf) =	vpush v6, $0xD  }
0x1c2: {  	(v2sf) =	vpush v6, $0xC  }
0x1c3: {  	(v2sf) =	vpush v6, $0xE  }
0x1c4: {  	(v2sf) =	vpush v6, $0xF  }
0x1c5: {  	(v2sf) =	vpush v6, $0x9;
	_ =	sdelay $0x1  }
0x1c6: {  	(v2sf) =	vpush v6, $0x8  }
0x1c7: {  	(v2sf) =	vpush v6, $0xA;
	_ =	sdelay $0x1  }
0x1c8: {  	(v2sf) =	vpush v6, $0xB  }
0x1c9: {  	vm0 =	vlt.s32 v12, $0x12C;
	vm1 =	vgt.s32 v8, $0x0;
	(v2sf) =	vpush v6, $0x1  }
0x1ca: {  	vm0 =	vmand vm1, vm0  }
0x1cb: {  	v13 =	vmpcnt.ones.xlane vm0;
	(v2sf) =	vpush v6, $0x0  }
0x1cc: {  	(v2sf) =	vpush v6, $0x2  }
0x1cd: {  	v13 =	vxor.u32 $0x80000000, v13  }
0x1ce: {  	(xrf0) =	vmax.scan.msk.u32 $0xffff, v13;
	(v2sf) =	vpush v6, $0x3;
	s13 =	spop (v2sf)  }
0x1cf: {  	s3 =	spop (v2sf);
	s1 =	sshra.s32 s13, $0x1F  }
0x1d0: {  	(v2sf) =	vpush v6, $0x4;
	s6 =	spop (v2sf);
	s0 =	smul.u32 $0x88888889, s1;
	s5 =	sshra.s32 s3, $0x1F  }
0x1d1: {  	(v2sf) =	vpush v6, $0x5;
	s7 =	spop (v2sf);
	s8 =	smul.u32 $0x88888889, s5  }
0x1d2: {  	(v2sf) =	vpush v6, $0x6;
	s9 =	sshra.s32 s6, $0x1F;
	[smem:$0x7CB] =	sst s0;
	s31 =	spop (v2sf)  }
0x1d3: {  	(v2sf) =	vpush v6, $0x7;
	s10 =	smul.u32 $0x88888889, s9;
	s11 =	sshra.s32 s7, $0x1F;
	[smem:$0x7CC] =	sst s8  }
0x1d4: {  	v13, _, _ =	vpop (xrf0);
	s4 =	spop (v2sf);
	s12 =	smul.u32 $0x88888889, s11  }
0x1d5: {  	(v2sf) =	vpush v13, $0xF;
	s14 =	sshra.s32 s31, $0x1F;
	[smem:$0x7CD] =	sst s10;
	s26 =	spop (v2sf)  }
0x1d6: {  	s15 =	smul.u32 $0x88888889, s14;
	s16 =	sshra.s32 s4, $0x1F;
	[smem:$0x7CE] =	sst s12  }
0x1d7: {  	(v2sf) =	vpush v4, $0xD;
	s24 =	spop (v2sf);
	s17 =	smul.u32 $0x88888889, s16  }
0x1d8: {  	s18 =	sshra.s32 s26, $0x1F;
	[smem:$0x7CF] =	sst s15;
	s28 =	spop (v2sf)  }
0x1d9: {  	(v2sf) =	vpush v4, $0xC;
	s19 =	smul.u32 $0x88888889, s18;
	s20 =	sshra.s32 s24, $0x1F;
	[smem:$0x7D0] =	sst s17  }
0x1da: {  	(v2sf) =	vpush v4, $0xE;
	s12 =	spop (v2sf);
	s21 =	smul.u32 $0x88888889, s20  }
0x1db: {  	(v2sf) =	vpush v4, $0xF;
	s22 =	sshra.s32 s28, $0x1F;
	[smem:$0x7D1] =	sst s19;
	s30 =	spop (v2sf)  }
0x1dc: {  	s23 =	smul.u32 $0x88888889, s22;
	s25 =	sshra.s32 s12, $0x1F;
	[smem:$0x7D2] =	sst s21  }
0x1dd: {  	(v2sf) =	vpush v4, $0x9;
	s14 =	spop (v2sf);
	s29 =	smul.u32 $0x88888889, s25;
	s0 =	sshra.s32 s30, $0x1F  }
0x1de: {  	(v2sf) =	vpush v4, $0x8;
	[smem:$0x7D3] =	sst s23;
	s1 =	smul.u32 $0x88888889, s0  }
0x1df: {  	s16 =	spop (v2sf);
	[smem:$0x7D4] =	sst s29  }
0x1e0: {  	s5 =	sshra.s32 s14, $0x1F;
	s2 =	spop (v2sf);
	[smem:$0x7D5] =	sst s1  }
0x1e1: {  	(v2sf) =	vpush v4, $0xA;
	s1 =	smul.u32 $0x88888889, s5;
	s15 =	spop (v2sf)  }
0x1e2: {  	(v2sf) =	vpush v4, $0xB;
	[smem:$0x7D7] =	sst s2;
	s9 =	sshra.s32 s2, $0x1F;
	s18 =	spop (v2sf)  }
0x1e3: {  	(v2sf) =	vpush v4, $0x1;
	s8 =	sshra.s32 s16, $0x1F;
	s0 =	smul.u32 $0x88888889, s9;
	[smem:$0x7D6] =	sst s1  }
0x1e4: {  	s11 =	sshra.s32 s15, $0x1F;
	s1 =	smul.u32 $0x88888889, s8;
	s10 =	spop (v2sf)  }
0x1e5: {  	s17 =	smul.u32 $0x88888889, s11;
	[smem:$0x7D9] =	sst s0  }
0x1e6: {  	(v2sf) =	vpush v4, $0x0;
	s19 =	sshra.s32 s18, $0x1F;
	[dreg:$0x18] =	wrdreg s10;
	s10 =	spop (v2sf)  }
0x1e7: {  	(v2sf) =	vpush v4, $0x2;
	s20 =	smul.u32 $0x88888889, s19;
	[smem:$0x7D8] =	sst s1  }
0x1e8: {  	[smem:$0x7DA] =	sst s17;
	s8 =	spop (v2sf);
	s5 =	sshra.s32 s10, $0x1F  }
0x1e9: {  	(v2sf) =	vpush v4, $0x3;
	s21 =	smul.u32 $0x88888889, s5;
	s5 =	spop (v2sf);
	s9 =	sshra.s32 s8, $0x1F  }
0x1ea: {  	s22 =	smul.u32 $0x88888889, s9;
	s23 =	sshra.s32 s5, $0x1F;
	s11 =	spop (v2sf)  }
0x1eb: {  	[smem:$0x7DB] =	sst s20;
	s25 =	smul.u32 $0x88888889, s23;
	s17 =	sshra.s32 s11, $0x1F  }
0x1ec: {  	(v2sf) =	vpush v4, $0x4;
	s9 =	spop (v2sf);
	s29 =	smul.u32 $0x88888889, s17  }
0x1ed: {  	vm13 =	vlt.s32 v11, $0x12C;
	vm2 =	vgt.s32 v7, $0x0;
	s0 =	sshra.s32 s9, $0x1F;
	[smem:$0x7DE] =	sst s25;
	s25 =	spop (v2sf)  }
0x1ee: {  	vm1 =	vmand vm2, vm13;
	[smem:$0x7DC] =	sst s21;
	s1 =	smul.u32 $0x88888889, s0;
	s2 =	sshra.s32 s25, $0x1F  }
0x1ef: {  	v45 =	vmpcnt.ones.xlane vm1;
	(v2sf) =	vpush v4, $0x5;
	[smem:$0x7DD] =	sst s22;
	s20 =	smul.u32 $0x88888889, s2  }
0x1f0: {  	[smem:$0x7DF] =	sst s29;
	s19 =	spop (v2sf)  }
0x1f1: {  	v13 =	vxor.u32 $0x80000000, v45;
	s21 =	sshra.s32 s19, $0x1F;
	[smem:$0x7E1] =	sst s20;
	s20 =	spop (v2sf)  }
0x1f2: {  	(xrf0) =	vmax.scan.msk.u32 $0xffff, v13;
	s22 =	smul.u32 $0x88888889, s21;
	s23 =	sshra.s32 s20, $0x1F;
	s21 =	spop (v2sf)  }
0x1f3: {  	[smem:$0x7E0] =	sst s1;
	s29 =	smul.u32 $0x88888889, s23;
	s1 =	sshra.s32 s21, $0x1F  }
0x1f4: {  	(v2sf) =	vpush v4, $0x6;
	[smem:$0x7E2] =	sst s22;
	s22 =	smul.u32 $0x88888889, s1  }
0x1f5: {  	s2 =	spop (v2sf);
	[smem:$0x7E3] =	sst s29  }
0x1f6: {  	s29 =	spop (v2sf);
	[smem:$0x7E5] =	sst s22;
	s22 =	sshra.s32 s2, $0x1F  }
0x1f7: {  	(v2sf) =	vpush v4, $0x7;
	[smem:$0x7E4] =	sst s2;
	s23 =	sshra.s32 s29, $0x1F;
	s0 =	smul.u32 $0x88888889, s22  }
0x1f8: {  	v13, _, _ =	vpop (xrf0);
	s22 =	spop (v2sf);
	s23 =	smul.u32 $0x88888889, s23  }
0x1f9: {  	s17 =	smulhi.u32 $0x88888889, s13;
	(v2sf) =	vpush v13, $0xF;
	s1 =	sshra.s32 s22, $0x1F;
	[smem:$0x7E6] =	sst s0  }
0x1fa: {  	[smem:$0x7E7] =	sst s23;
	s2 =	smul.u32 $0x88888889, s1  }
0x1fb: {  	s23 =	spop (v2sf);
	s1 =	ssub.s32 s17, s13;
	s17 =	sld [smem:$0x7CB]  }
0x1fc: {  	s0 =	sshra.s32 s23, $0x1F;
	[smem:$0x7E9] =	sst s2;
	s2 =	smulhi.u32 $0x88888889, s3  }
0x1fd: {  	[smem:$0x7E8] =	sst s23;
	s0 =	smul.u32 $0x88888889, s0  }
0x1fe: {  	s23 =	spop (v2sf);
	s1 =	sadd.s32 s17, s1;
	s17 =	sld [smem:$0x7CC]  }
0x1ff: {  	[smem:$0x7EA] =	sst s0;
	s0 =	ssub.s32 s2, s3;
	s2 =	smulhi.u32 $0x88888889, s6  }
0x200: {  	[smem:$0x7EE] =	sst s1;
	s1 =	smulhi.u32 $0x88888889, s7  }
0x201: {  	s3 =	sshra.s32 s23, $0x1F;
	s0 =	sadd.s32 s17, s0;
	s17 =	sld [smem:$0x7CD]  }
0x202: {  	s3 =	smul.u32 $0x88888889, s3;
	s1 =	ssub.s32 s1, s7;
	s7 =	sld [smem:$0x7CE]  }
0x203: {  	s13 =	spop (v2sf);
	[smem:$0x7ED] =	sst s0  }
0x204: {  	s6 =	ssub.s32 s2, s6;
	[smem:$0x7EB] =	sst s3;
	s3 =	smulhi.u32 $0x88888889, s31  }
0x205: {  	s0 =	sadd.s32 s17, s6;
	s1 =	sadd.s32 s7, s1;
	s7 =	sld [smem:$0x7D0]  }
0x206: {  	s6 =	sshra.s32 s13, $0x1F;
	s17 =	spop (v2sf);
	[dreg:$0x1e] =	wrdreg s0  }
0x207: {  	(v2sf) =	vpush v3, $0xD;
	s2 =	smul.u32 $0x88888889, s6;
	s0 =	ssub.s32 s3, s31;
	s31 =	sld [smem:$0x7CF]  }
0x208: {  	[dreg:$0x1b] =	wrdreg s1;
	s6 =	spop (v2sf)  }
0x209: {  	(v2sf) =	vpush v3, $0xC;
	s3 =	sshra.s32 s17, $0x1F;
	[smem:$0x7EC] =	sst s2;
	s2 =	smulhi.u32 $0x88888889, s4  }
0x20a: {  	[dreg:$0x19] =	wrdreg s6;
	s0 =	sadd.s32 s31, s0;
	s31 =	smul.u32 $0x88888889, s3  }
0x20b: {  	s6 =	sld [smem:$0x7D1];
	s3 =	ssub.s32 s2, s4;
	s4 =	smulhi.u32 $0x88888889, s26  }
0x20c: {  	(v2sf) =	vpush v3, $0xE;
	[dreg:$0x1c] =	wrdreg s0;
	s0 =	sadd.s32 s7, s3;
	s3 =	smulhi.u32 $0x88888889, s24  }
0x20d: {  	[smem:$0x7F0] =	sst s0  }
0x20e: {  	s1 =	ssub.s32 s4, s26;
	s0 =	ssub.s32 s3, s24;
	s24 =	sld [smem:$0x7D2]  }
0x20f: {  	s4 =	smulhi.u32 $0x88888889, s12;
	s1 =	sadd.s32 s6, s1;
	s6 =	sld [smem:$0x7D3]  }
0x210: {  	s2 =	smulhi.u32 $0x88888889, s28;
	[dreg:$0x1d] =	wrdreg s1  }
0x211: {  	s1 =	ssub.s32 s4, s12;
	s4 =	sld [smem:$0x7D4]  }
0x212: {  	(v2sf) =	vpush v3, $0xF;
	s3 =	ssub.s32 s2, s28;
	s12 =	sld [smem:$0x7D5];
	s0 =	sadd.s32 s24, s0  }
0x213: {  	s24 =	smulhi.u32 $0x88888889, s30;
	[dreg:$0x1a] =	wrdreg s0;
	s0 =	sadd.s32 s6, s3  }
0x214: {  	[smem:$0x7F1] =	sst s0  }
0x215: {  	s2 =	smulhi.u32 $0x88888889, s14;
	s0 =	ssub.s32 s24, s30;
	s30 =	sld [smem:$0x7D6]  }
0x216: {  	s7 =	spop (v2sf);
	s1 =	sadd.s32 s4, s1;
	s3 =	sld [smem:$0x7D9]  }
0x217: {  	s14 =	ssub.s32 s2, s14;
	[smem:$0x7EF] =	sst s1;
	s0 =	sadd.s32 s12, s0  }
0x218: {  	s6 =	spop (v2sf);
	[smem:$0x7F2] =	sst s0;
	s0 =	sadd.s32 s30, s14  }
0x219: {  	(v2sf) =	vpush v3, $0x9;
	s2 =	smulhi.u32 $0x88888889, s5;
	s28 =	sshra.s32 s6, $0x1F;
	[smem:$0x7F3] =	sst s0  }
0x21a: {  	s24 =	smul.u32 $0x88888889, s28;
	s0 =	sld [smem:$0x7D7]  }
0x21b: {  	s4 =	spop (v2sf);
	s28 =	smulhi.u32 $0x88888889, s16  }
0x21c: {  	s12 =	smulhi.u32 $0x88888889, s15;
	s30 =	sld [smem:$0x7D8]  }
0x21d: {  	s1 =	ssub.s32 s28, s16;
	s28 =	sshra.s32 s4, $0x1F;
	s14 =	smulhi.u32 $0x88888889, s0  }
0x21e: {  	(v2sf) =	vpush v3, $0x8;
	s5 =	ssub.s32 s2, s5;
	s2 =	sld [smem:$0x7DF];
	s16 =	smul.u32 $0x88888889, s28  }
0x21f: {  	s28 =	sld [smem:$0x7DA];
	s1 =	sadd.s32 s30, s1;
	s0 =	ssub.s32 s14, s0  }
0x220: {  	[smem:$0x7F4] =	sst s1;
	s0 =	sadd.s32 s3, s0  }
0x221: {  	s12 =	ssub.s32 s12, s15;
	s15 =	spop (v2sf);
	[smem:$0x7F5] =	sst s0  }
0x222: {  	s30 =	smulhi.u32 $0x88888889, s10;
	s0 =	sadd.s32 s28, s12;
	s28 =	sld [smem:$0x7DB]  }
0x223: {  	s14 =	smulhi.u32 $0x88888889, s18;
	[smem:$0x7F6] =	sst s0  }
0x224: {  	s3 =	smulhi.u32 $0x88888889, s8;
	s0 =	ssub.s32 s30, s10;
	s30 =	sld [smem:$0x7DC]  }
0x225: {  	s1 =	ssub.s32 s14, s18;
	s12 =	sshra.s32 s15, $0x1F;
	s10 =	sld [smem:$0x7DD]  }
0x226: {  	(v2sf) =	vpush v3, $0xA;
	s14 =	smul.u32 $0x88888889, s12;
	s1 =	sadd.s32 s28, s1;
	s28 =	sld [smem:$0x7DE]  }
0x227: {  	s12 =	smulhi.u32 $0x88888889, s11;
	[dreg:$0x1f] =	wrdreg s1  }
0x228: {  	s0 =	sadd.s32 s30, s0;
	s1 =	ssub.s32 s3, s8;
	s3 =	spop (v2sf)  }
0x229: {  	s8 =	smulhi.u32 $0x88888889, s9;
	[smem:$0x7F7] =	sst s0;
	s30 =	sadd.s32 s10, s1  }
0x22a: {  	s18 =	sshra.s32 s3, $0x1F;
	s0 =	ssub.s32 s12, s11;
	s11 =	smulhi.u32 $0x88888889, s19  }
0x22b: {  	s10 =	sld [smem:$0x7E0];
	s1 =	sadd.s32 s28, s5;
	s12 =	smul.u32 $0x88888889, s18  }
0x22c: {  	s5 =	ssub.s32 s8, s9;
	s8 =	smulhi.u32 $0x88888889, s25;
	s28 =	sld [smem:$0x7E1]  }
0x22d: {  	(v2sf) =	vpush v3, $0xB;
	s0 =	sadd.s32 s2, s0;
	s9 =	spop (v2sf);
	s2 =	sld [smem:$0x7E2]  }
0x22e: {  	s18 =	smulhi.u32 $0x88888889, s20;
	[smem:$0x7F8] =	sst s1  }
0x22f: {  	[smem:$0x7F9] =	sst s0;
	s0 =	sadd.s32 s10, s5;
	s5 =	ssub.s32 s8, s25  }
0x230: {  	s25 =	sshra.s32 s9, $0x1F;
	s8 =	smulhi.u32 $0x88888889, s21;
	[smem:$0x7FB] =	sst s0  }
0x231: {  	(v2sf) =	vpush v3, $0x1;
	s1 =	sadd.s32 s28, s5;
	s0 =	ssub.s32 s11, s19;
	s11 =	sld [smem:$0x7E3]  }
0x232: {  	s5 =	ssub.s32 s18, s20;
	s18 =	sld [smem:$0x7E4];
	s0 =	sadd.s32 s2, s0  }
0x233: {  	s10 =	smul.u32 $0x88888889, s25;
	[smem:$0x7FC] =	sst s0  }
0x234: {  	s0 =	sadd.s32 s11, s5;
	s5 =	ssub.s32 s8, s21;
	s8 =	sld [smem:$0x7E5]  }
0x235: {  	s20 =	spop (v2sf);
	[smem:$0x7FA] =	sst s1  }
0x236: {  	s25 =	sshra.s32 s20, $0x1F;
	s19 =	smulhi.u32 $0x88888889, s18;
	s11 =	sld [smem:$0x7E6]  }
0x237: {  	(v2sf) =	vpush v3, $0x0;
	s28 =	sadd.s32 s8, s5;
	s8 =	smul.u32 $0x88888889, s25;
	s25 =	sld [smem:$0x7E7]  }
0x238: {  	s26 =	sshra.s32 s7, $0x1F;
	s21 =	smulhi.u32 $0x88888889, s29;
	s5 =	sld [smem:$0x7E8]  }
0x239: {  	s26 =	smul.u32 $0x88888889, s26;
	[smem:$0x7FD] =	sst s0  }
0x23a: {  	s0 =	ssub.s32 s19, s18;
	s19 =	ssub.s32 s21, s29;
	s21 =	smulhi.u32 $0x88888889, s22  }
0x23b: {  	(v2sf) =	vpush v3, $0x2;
	s29 =	sld [smem:$0x7E9];
	s19 =	sadd.s32 s25, s19;
	s25 =	smulhi.u32 $0x88888889, s5  }
0x23c: {  	s2 =	spop (v2sf);
	s11 =	sadd.s32 s11, s0;
	s0 =	smulhi.u32 $0x88888889, s23  }
0x23d: {  	s18 =	ssub.s32 s21, s22;
	s1 =	ssub.s32 s25, s5;
	s25 =	sld [smem:$0x7EA]  }
0x23e: {  	s22 =	sshra.s32 s2, $0x1F;
	s21 =	sadd.s32 s29, s18;
	s29 =	smulhi.u32 $0x88888889, s13  }
0x23f: {  	s0 =	ssub.s32 s0, s23;
	s5 =	smul.u32 $0x88888889, s22  }
0x240: {  	s23 =	spop (v2sf);
	s22 =	sadd.s32 s25, s1;
	s1 =	smulhi.u32 $0x88888889, s17  }
0x241: {  	(v2sf) =	vpush v3, $0x3;
	s13 =	ssub.s32 s29, s13;
	s29 =	sshra.s32 s23, $0x1F;
	s25 =	sld [smem:$0x7EB]  }
0x242: {  	s18 =	sld [smem:$0x7EC];
	s1 =	ssub.s32 s1, s17;
	s17 =	smul.u32 $0x88888889, s29  }
0x243: {  	s29 =	smulhi.u32 $0x88888889, s6  }
0x244: {  	s25 =	sadd.s32 s25, s0;
	s0 =	smulhi.u32 $0x88888889, s7  }
0x245: {  	vm14 =	vlt.s32 v10, $0x12C;
	vm3 =	vgt.s32 v5, $0x0;
	s18 =	sadd.s32 s18, s13;
	s13 =	sadd.s32 s31, s1;
	s1 =	ssub.s32 s29, s6  }
0x246: {  	vm2 =	vmand vm3, vm14;
	s29 =	smulhi.u32 $0x88888889, s15;
	s0 =	ssub.s32 s0, s7;
	s7 =	spop (v2sf)  }
0x247: {  	v46 =	vmpcnt.ones.xlane vm2;
	(v2sf) =	vpush v3, $0x4;
	s31 =	sadd.s32 s26, s0;
	s0 =	smulhi.u32 $0x88888889, s4;
	s26 =	sshra.s32 s7, $0x1F  }
0x248: {  	s6 =	sadd.s32 s24, s1;
	s15 =	ssub.s32 s29, s15;
	s1 =	smul.u32 $0x88888889, s26  }
0x249: {  	v13 =	vxor.u32 $0x80000000, v46;
	(v2sf) =	vpush v3, $0x5;
	s24 =	sadd.s32 s14, s15;
	s14 =	smulhi.u32 $0x88888889, s9;
	s0 =	ssub.s32 s0, s4  }
0x24a: {  	(xrf0) =	vmax.scan.msk.u32 $0xffff, v13;
	s29 =	spop (v2sf);
	s26 =	sadd.s32 s16, s0;
	s16 =	smulhi.u32 $0x88888889, s3  }
0x24b: {  	v17 =	vmov s30;
	s30 =	sld [smem:$0x7F7];
	s15 =	sshra.s32 s29, $0x1F;
	s4 =	smulhi.u32 $0x88888889, s20  }
0x24c: {  	s0 =	ssub.s32 s14, s9;
	s9 =	sld [smem:$0x7ED];
	s3 =	ssub.s32 s16, s3  }
0x24d: {  	s14 =	sadd.s32 s10, s0;
	s16 =	sadd.s32 s12, s3;
	s3 =	smul.u32 $0x88888889, s15  }
0x24e: {  	vm8 =	vcmask $0xB08;
	s10 =	sld [smem:$0x7EE];
	s15 =	ssub.s32 s4, s20;
	s20 =	smulhi.u32 $0x88888889, s2  }
0x24f: {  	v17 =	vsel vm8, s30, v17;
	s30 =	sld [smem:$0x7FA];
	(v2sf) =	vpush v3, $0x6;
	s4 =	smulhi.u32 $0x88888889, s7  }
0x250: {  	v13, _, _ =	vpop (xrf0);
	(v2sf) =	vpush v3, $0x7;
	s12 =	spop (v2sf);
	v47 =	vmov s9;
	s9 =	smulhi.u32 $0x88888889, s29  }
0x251: {  	(v2sf) =	vpush v13, $0xF;
	s15 =	sadd.s32 s8, s15;
	s8 =	smulhi.u32 $0x88888889, s23;
	v13 =	vsel vm8, s10, v47;
	s10 =	rddreg [dreg:$0x1e]  }
0x252: {  	s0 =	ssub.s32 s20, s2;
	s2 =	sshra.s32 s12, $0x1F;
	s20 =	sld [smem:$0x7EF]  }
0x253: {  	s4 =	ssub.s32 s4, s7;
	s0 =	sadd.s32 s5, s0;
	s23 =	ssub.s32 s8, s23  }
0x254: {  	vm9 =	vcmask $0x1310;
	s8 =	smul.u32 $0x88888889, s2;
	s5 =	ssub.s32 s9, s29;
	s29 =	rddreg [dreg:$0x1c]  }
0x255: {  	v13 =	vsel vm9, s10, v13;
	s10 =	sadd.s32 s1, s4;
	s1 =	smulhi.u32 $0x88888889, s12;
	v14 =	vmov s20;
	s20 =	sld [smem:$0x7F1]  }
0x256: {  	vm10 =	vcmask $0x300;
	(v2sf) =	vpush v2, $0xD;
	s4 =	spop (v2sf);
	s2 =	sadd.s32 s17, s23;
	s17 =	sld [smem:$0x7F0]  }
0x257: {  	(v2sf) =	vpush v2, $0xC;
	s7 =	smulhi.u32 $0x88888889, s4;
	s23 =	rddreg [dreg:$0x1b];
	v14 =	vnsel vm10, $0x0, v14  }
0x258: {  	s9 =	sadd.s32 s3, s5;
	s5 =	spop (v2sf);
	v14 =	vsel vm8, s20, v14;
	s20 =	sld [smem:$0x7F2]  }
0x259: {  	vm4 =	vcmask $0x1B18;
	s1 =	ssub.s32 s1, s12;
	s12 =	rddreg [dreg:$0x1d];
	v15 =	vmov s17;
	s17 =	sshra.s32 s4, $0x1F  }
0x25a: {  	(v2sf) =	vpush v2, $0xE;
	v13 =	vsel vm4, s23, v13;
	s4 =	ssub.s32 s7, s4;
	v15 =	vsel vm8, s29, v15;
	s23 =	smul.u32 $0x88888889, s17;
	s29 =	sld [smem:$0x7F3]  }
0x25b: {  	(v2sf) =	vpush v2, $0xF;
	s17 =	smulhi.u32 $0x88888889, s5;
	v15 =	vsel vm9, s12, v15;
	s12 =	sadd.s32 s8, s1;
	v14 =	vsel vm9, s20, v14;
	s20 =	sld [smem:$0x7F4]  }
0x25c: {  	vm7 =	vcmask $0x2320;
	(v2sf) =	vpush v2, $0x9;
	s7 =	sadd.s32 s23, s4;
	s23 =	sshra.s32 s5, $0x1F;
	s4 =	sld [smem:$0x7F5]  }
0x25d: {  	vm6 =	vcmask $0x2B28;
	vm3 =	vcmask $0x3330;
	s8 =	ssub.s32 s17, s5;
	s17 =	sld [smem:$0x7F6];
	s1 =	smul.u32 $0x88888889, s23;
	v14 =	vsel vm4, s29, v14  }
0x25e: {  	v50 =	vmov s30;
	v48 =	vmov s11;
	s29 =	rddreg [dreg:$0x1a];
	v14 =	vsel vm7, s20, v14  }
0x25f: {  	s30 =	sld [smem:$0x7FB];
	v16 =	vsel vm4, s29, v15;
	s8 =	sadd.s32 s1, s8;
	v15 =	vnsel vm10, $0x0, v48;
	v14 =	vsel vm6, s4, v14;
	s4 =	spop (v2sf)  }
0x260: {  	(v2sf) =	vpush v2, $0x8;
	v15 =	vsel vm8, s28, v15;
	v14 =	vsel vm3, s17, v14;
	s5 =	smulhi.u32 $0x88888889, s4;
	s20 =	sshra.s32 s4, $0x1F;
	s17 =	spop (v2sf)  }
0x261: {  	v15 =	vsel vm9, s19, v15;
	s23 =	smul.u32 $0x88888889, s20;
	s29 =	sshra.s32 s17, $0x1F;
	s20 =	rddreg [dreg:$0x1f]  }
0x262: {  	(v2sf) =	vpush v2, $0xA;
	v15 =	vsel vm4, s21, v15;
	s5 =	ssub.s32 s5, s4;
	s3 =	smul.u32 $0x88888889, s29;
	s29 =	sld [smem:$0x7F9]  }
0x263: {  	(v2sf) =	vpush v2, $0xB;
	s1 =	smulhi.u32 $0x88888889, s17;
	v15 =	vsel vm7, s22, v15;
	s5 =	sadd.s32 s23, s5;
	s23 =	sld [smem:$0x7F8]  }
0x264: {  	vm5 =	vcmask $0x3B38;
	s4 =	spop (v2sf);
	v15 =	vsel vm6, s25, v15;
	s25 =	sld [smem:$0x7FC]  }
0x265: {  	(v2sf) =	vpush v2, $0x1;
	v18 =	vsel vm5, s20, v14;
	v14 =	vsel vm8, s30, v50;
	s30 =	sld [smem:$0x7FD];
	s11 =	spop (v2sf)  }
0x266: {  	s19 =	smulhi.u32 $0x88888889, s11;
	s28 =	sshra.s32 s11, $0x1F;
	s21 =	spop (v2sf);
	v49 =	vsel vm9, s23, v17  }
0x267: {  	s1 =	ssub.s32 s1, s17;
	s28 =	smul.u32 $0x88888889, s28;
	v17 =	vsel vm4, s29, v49;
	s29 =	sshra.s32 s21, $0x1F  }
0x268: {  	v19 =	vmov s6;
	s1 =	sadd.s32 s3, s1;
	s23 =	ssub.s32 s19, s11;
	s11 =	smul.u32 $0x88888889, s29  }
0x269: {  	v51 =	vsel vm8, s31, v19;
	(v2sf) =	vpush v2, $0x0;
	s3 =	sadd.s32 s28, s23;
	s28 =	spop (v2sf);
	s29 =	smulhi.u32 $0x88888889, s21  }
0x26a: {  	v19 =	vsel vm9, s26, v51;
	s19 =	smulhi.u32 $0x88888889, s28;
	s20 =	sshra.s32 s28, $0x1F;
	s22 =	spop (v2sf)  }
0x26b: {  	v52 =	vmov s10;
	(v2sf) =	vpush v2, $0x2;
	v14 =	vsel vm9, s25, v14;
	s25 =	smul.u32 $0x88888889, s20;
	s26 =	spop (v2sf)  }
0x26c: {  	v53 =	vimm.s32 $0xECA86420;
	v20 =	vsel vm4, s30, v14;
	v14 =	vnsel vm10, $0x0, v52;
	s6 =	ssub.s32 s19, s28;
	s28 =	smulhi.u32 $0x88888889, s26  }
0x26d: {  	v54 =	vlaneseq.u32;
	v57 =	vmov s14;
	v23 =	vsel vm8, s2, v14;
	s14 =	sshra.s32 s22, $0x1F;
	s23 =	ssub.s32 s29, s21;
	s29 =	smulhi.u32 $0x88888889, s22  }
0x26e: {  	vm11 =	vmmov $0xff;
	v15 =	vsel vm3, s18, v15;
	v23 =	vsel vm9, s9, v23;
	s30 =	sshra.s32 s26, $0x1F;
	s9 =	smul.u32 $0x88888889, s14  }
0x26f: {  	v42 =	vadd.s32 $0x3F000000, v8;
	v21 =	vsel vm5, s13, v15;
	(v2sf) =	vpush v2, $0x3;
	s31 =	spop (v2sf);
	s13 =	smul.u32 $0x88888889, s30  }
0x270: {  	v22 =	vunpack.c.l.s4.s8 v53;
	v56 =	vmul.u32 $0x2, v54;
	vm15 =	vlt.s32 v6, $0x1;
	s10 =	sadd.s32 s11, s23;
	s2 =	sadd.s32 s25, s6;
	s18 =	smulhi.u32 $0x88888889, s31  }
0x271: {  	v62 =	vadd.s32 $0x12C, v54;
	(v2sf) =	vpush v2, $0x4;
	v23 =	vsel vm4, s12, v23;
	s19 =	sshra.s32 s31, $0x1F;
	s21 =	spop (v2sf);
	s11 =	ssub.s32 s28, s26  }
0x272: {  	v63 =	vadd.s32 $0x13C, v54;
	v30 =	vadd.s32 $0x14C, v54;
	v23 =	vsel vm7, s7, v23;
	s6 =	ssub.s32 s29, s22;
	s7 =	spop (v2sf);
	s22 =	smulhi.u32 $0x88888889, s21  }
0x273: {  	v34 =	vadd.s32 $0x15C, v54;
	v36 =	vadd.s32 $0x16C, v54;
	(v2sf) =	vpush v2, $0x5;
	s23 =	sshra.s32 s21, $0x1F;
	s11 =	sadd.s32 s13, s11;
	s13 =	smul.u32 $0x88888889, s19  }
0x274: {  	v55 =	vunpack.c.0.s8.s32 v22;
	v16 =	vcombine.low v16, v13;
	(v2sf) =	vpush v2, $0x6;
	s25 =	smul.u32 $0x88888889, s23;
	s26 =	spop (v2sf)  }
0x275: {  	v39 =	vadd.s32 $0x17C, v54;
	v40 =	vadd.s32 $0x18C, v54;
	v19 =	vsel vm4, s24, v19;
	s20 =	ssub.s32 s18, s31;
	s29 =	smulhi.u32 $0x88888889, s26;
	s18 =	sshra.s32 s26, $0x1F  }
0x276: {  	v22 =	vsel vm8, s16, v57;
	v16 =	vperm.xlane v16, v55;
	v18 =	vperm.xlane v18, v56;
	s6 =	sadd.s32 s9, s6;
	s24 =	sadd.s32 s13, s20;
	s20 =	smul.u32 $0x88888889, s18  }
0x277: {  	v58 =	vsel vm9, s15, v22;
	(v2sf) =	vpush v2, $0x7;
	v61 =	vmov s10;
	s14 =	ssub.s32 s22, s21;
	s17 =	ssub.s32 s29, s26;
	s26 =	smulhi.u32 $0x88888889, s7  }
0x278: {  	v16 =	vsel vm11, v18, v16;
	v59 =	vsel vm6, s8, v23;
	v23 =	vsel vm8, s3, v61;
	s30 =	sadd.s32 s25, s14;
	s28 =	spop (v2sf);
	s3 =	sadd.s32 s20, s17  }
0x279: {  	v15 =	vadd.s32 $0x19C, v54;
	v16 =	vadd.s32 v6, v16;
	v23 =	vsel vm9, s2, v23;
	s31 =	smulhi.u32 $0x88888889, s28;
	s14 =	sshra.s32 s28, $0x1F;
	s2 =	ssub.s32 s26, s7  }
0x27a: {  	v18 =	vsel vm4, s0, v58;
	v60 =	vshrl.u32 v16, $0x1F;
	v16 =	vshra.s32 v16, $0x3;
	s26 =	simm.s32 $0x6880;
	s12 =	smul.u32 $0x88888889, s14;
	s21 =	spop (v2sf)  }
0x27b: {  	v18 =	vcombine.low v18, v19;
	v16 =	vadd.s32 v60, v16;
	v24 =	vmov s24;
	s19 =	ssub.s32 s31, s28;
	s23 =	smulhi.u32 $0x88888889, s21;
	s24 =	sshra.s32 s21, $0x1F  }
0x27c: {  	v17 =	vcombine.low v20, v17;
	v22 =	vsel vm3, s5, v59;
	v24 =	vsel vm8, s11, v24;
	s28 =	sshra.s32 s7, $0x1F;
	s22 =	sadd.s32 s12, s19;
	s25 =	smul.u32 $0x88888889, s24  }
0x27d: {  	v25 =	vmul.u32 $0xFFFFFFF1, v16;
	v22 =	vsel vm5, s1, v22;
	v24 =	vsel vm9, s30, v24;
	s30 =	smul.u32 $0x88888889, s28;
	s28 =	simm.s32 $0x6900;
	s1 =	ssub.s32 s23, s21  }
0x27e: {  	v31 =	vperm.xlane v21, v56;
	v49 =	vadd.s32 $0x3F000000, v7;
	v26 =	vmov s22;
	s22 =	simm.s32 $0x6780;
	s0 =	sadd.s32 s25, s1;
	s29 =	spop (v2sf)  }
0x27f: {  	[tilespmem:$0x6780] =	vst v62;
	v18 =	vperm.xlane v18, v55;
	v17 =	vperm.xlane v17, v55;
	v25 =	vadd.s32 v6, v25;
	s2 =	sadd.s32 s30, s2;
	s31 =	smulhi.u32 $0x88888889, s29;
	s7 =	sshra.s32 s29, $0x1F  }
0x280: {  	[tilespmem:$0x6790] =	vst v63;
	vm12 =	vne.s32 v25, $0x0;
	vm13 =	vlt.s32 v25, $0x0;
	v26 =	vnsel vm10, $0x0, v26;
	s25 =	simm.s32 $0x6800;
	s8 =	spop (v2sf);
	s5 =	smul.u32 $0x88888889, s7  }
0x281: {  	[tilespmem:$0x67A0] =	vst v30;
	v27 =	vadd.s32 $0xF, v25;
	v17 =	vsel vm11, v31, v17;
	s30 =	simm.s32 $0x6980;
	v26 =	vsel vm8, s3, v26;
	s9 =	smulhi.u32 $0x88888889, s8;
	s10 =	sshra.s32 s8, $0x1F  }
0x282: {  	[tilespmem:$0x67B0] =	vst v34;
	v25 =	vsel vm13, v27, v25;
	v32 =	vsel vm4, s6, v23;
	v26 =	vsel vm9, s0, v26;
	s11 =	spop (v2sf);
	s0 =	ssub.s32 s31, s29;
	s6 =	smul.u32 $0x88888889, s10  }
0x283: {  	[tilespmem:$0x67C0] =	vst v36;
	vm12 =	vmand vm15, vm12;
	v17 =	vadd.s32 v4, v17;
	v22 =	vperm.xlane v22, v56;
	s13 =	smulhi.u32 $0x88888889, s11;
	s14 =	sshra.s32 s11, $0x1F;
	s15 =	spop (v2sf)  }
0x284: {  	[tilespmem:$0x67D0] =	vst v39;
	vm15 =	vlt.s32 v4, $0x1;
	v41 =	vshrl.u32 v17, $0x1F;
	v17 =	vshra.s32 v17, $0x3;
	s29 =	rddreg [dreg:$0x18];
	s0 =	sadd.s32 s5, s0;
	s3 =	smul.u32 $0x88888889, s14  }
0x285: {  	[tilespmem:$0x67E0] =	vst v40;
	v33 =	vsel vm12, $0xFFFFFFFF, v0;
	v43 =	vadd.s32 v41, v17;
	v18 =	vsel vm11, v22, v18;
	s12 =	ssub.s32 s9, s8;
	s17 =	smulhi.u32 $0x88888889, s15;
	s18 =	sshra.s32 s15, $0x1F  }
0x286: {  	[tilespmem:$0x67F0] =	vst v15;
	v44 =	vadd.s32 v3, v18;
	v37 =	vsel vm4, s2, v24;
	s19 =	spop (v2sf);
	v35 =	vsel vm4, s0, v26;
	s0 =	sadd.s32 s6, s12;
	s2 =	smul.u32 $0x88888889, s18  }
0x287: {  	v45 =	vmul.u32 $0xFFFFFFF1, v43;
	v18 =	vshrl.u32 v44, $0x1F;
	v17 =	vshra.s32 v44, $0x3;
	[tilespmem:s22+$0x0] =	vst.msk vm0, v12;
	s16 =	ssub.s32 s13, s11;
	s20 =	smulhi.u32 $0x88888889, s19;
	s21 =	sshra.s32 s19, $0x1F  }
0x288: {  	v16 =	vadd.s32 v33, v16;
	v46 =	vadd.s32 v18, v17;
	[tilespmem:s25+$0x0] =	vst.msk vm0, v42;
	v38 =	vsel vm7, s0, v35;
	s0 =	sadd.s32 s3, s16;
	s1 =	ssub.s32 s17, s15;
	s23 =	smul.u32 $0x88888889, s21  }
0x289: {  	v53 =	vmul.u32 $0xFFFFFFF1, v46;
	v12 =	vadd.s32 v4, v45;
	[tilespmem:s26+$0x0] =	vst.msk vm0, v25;
	s6 =	sxor.u32 $0x80000000, s29;
	v20 =	vsel vm6, s0, v38;
	s24 =	sadd.s32 s2, s1;
	s3 =	ssub.s32 s20, s19  }
0x28a: {  	vm13 =	vne.s32 v12, $0x0;
	v47 =	vcombine.low v37, v32;
	[tilespmem:s28+$0x0] =	vst.msk vm0, v16;
	p0 =	slt.s32 s6, $0x70;
	s7 =	smov.u32 s6;
	v48 =	vsel vm3, s24, v20;
	s5 =	sadd.s32 s23, s3  }
0x28b: {  	vm14 =	vlt.s32 v12, $0x0;
	v51 =	vadd.s32 $0xF, v12;
	[tilespmem:s30+$0x0] =	vst.msk vm0, v6;
	s7 =	simm.s32 @!p0 $0x70;
	v18 =	vsel vm5, s5, v48  }
0x28c: {  	s31 =	rddreg [dreg:$0x19];
	v50 =	vperm.xlane v47, v55;
	vm7 =	vmand vm15, vm13;
	[tilespmem:s7+$0x6780] =	vst.msk vm1, v11;
	v13 =	vperm.xlane v18, v56  }
0x28d: {  	vm10 =	vlt.s32 v3, $0x1;
	v54 =	vsel vm14, v51, v12;
	s6 =	sadd.s32 s31, s6;
	v52 =	vsel vm7, $0xFFFFFFFF, v0;
	[tilespmem:s7+$0x6800] =	vst.msk vm1, v49  }
0x28e: {  	s6 =	sadd.s32 $0x80000000, s6;
	v11 =	vadd.s32 v52, v43;
	[tilespmem:s7+$0x6880] =	vst.msk vm1, v54;
	v56 =	vadd.s32 v3, v53;
	v6 =	vsel vm11, v13, v50  }
0x28f: {  	v55 =	vadd.s32 $0x3F000000, v5;
	p0 =	slt.s32 s6, $0x70;
	s8 =	smov.u32 s6;
	[tilespmem:s7+$0x6900] =	vst.msk vm1, v11;
	vm8 =	vne.s32 v56, $0x0;
	v6 =	vadd.s32 v2, v6  }
0x290: {  	s8 =	simm.s32 @!p0 $0x70;
	vm9 =	vlt.s32 v56, $0x0;
	[tilespmem:s7+$0x6980] =	vst.msk vm1, v4;
	v57 =	vshrl.u32 v6, $0x1F;
	v6 =	vshra.s32 v6, $0x3  }
0x291: {  	v58 =	vadd.s32 $0xF, v56;
	vm0 =	vmand vm10, vm8;
	[tilespmem:s8+$0x6780] =	vst.msk vm2, v10;
	v4 =	vadd.s32 v57, v6  }
0x292: {  	s4 =	sadd.s32 s4, s6;
	v59 =	vsel vm9, v58, v56;
	v60 =	vsel vm0, $0xFFFFFFFF, v0;
	[tilespmem:s8+$0x6800] =	vst.msk vm2, v55;
	v61 =	vmul.u32 $0xFFFFFFF1, v4  }
0x293: {  	vm12 =	vgt.s32 v1, $0x0;
	s4 =	sadd.s32 $0x80000000, s4;
	v62 =	vadd.s32 v60, v46;
	[tilespmem:s8+$0x6880] =	vst.msk vm2, v59  }
0x294: {  	v1 =	vadd.s32 $0x3F000000, v1;
	p0 =	slt.s32 s4, $0x70;
	vm11 =	vlt.s32 v9, $0x12C;
	[tilespmem:s8+$0x6900] =	vst.msk vm2, v62;
	v63 =	vadd.s32 v2, v61  }
0x295: {  	vm14 =	vlt.s32 v2, $0x1;
	s4 =	simm.s32 @!p0 $0x70;
	vm0 =	vmand vm12, vm11;
	[tilespmem:s8+$0x6980] =	vst.msk vm2, v3;
	vm13 =	vne.s32 v63, $0x0  }
0x296: {  	[tilespmem:s4+$0x6780] =	vst.msk vm0, v9;
	vm15 =	vlt.s32 v63, $0x0;
	v3 =	vadd.s32 $0xF, v63;
	vm1 =	vmand vm14, vm13  }
0x297: {  	[tilespmem:s4+$0x6800] =	vst.msk vm0, v1;
	v1 =	vsel vm15, v3, v63;
	v3 =	vsel vm1, $0xFFFFFFFF, v0  }
0x298: {  	[tilespmem:s4+$0x6880] =	vst.msk vm0, v1;
	v1 =	vadd.s32 v3, v4  }
0x299: {  	[tilespmem:s4+$0x6900] =	vst.msk vm0, v1  }
0x29a: {  	s9 =	rddreg [dreg:$0x13];
	[tilespmem:s4+$0x6980] =	vst.msk vm0, v2  }
0x29b: {  	[spmem:s9] =	stream.linear.scatter [tilespmem:s22], [sflag:$0x1], $0x80, $0x38;
	[tilespmem:$0x9C80] =	vst v63  }
0x29c: {  	s10 =	rddreg [dreg:$0x14]  }
0x29d: {  	[spmem:s10] =	stream.linear.scatter [tilespmem:s25], [sflag:$0x1], $0x80, $0x38;
	[tilespmem:$0x9C80] =	vst v63  }
0x29e: {  	s11 =	rddreg [dreg:$0x15]  }
0x29f: {  	[spmem:s11] =	stream.linear.scatter [tilespmem:s26], [sflag:$0x1], $0x80, $0x38;
	[tilespmem:$0x9C80] =	vst v63  }
0x2a0: {  	s12 =	rddreg [dreg:$0x16]  }
0x2a1: {  	[spmem:s12] =	stream.linear.scatter [tilespmem:s28], [sflag:$0x1], $0x80, $0x38;
	[tilespmem:$0x9C80] =	vst v63  }
0x2a2: {  	s14 =	simm.s32 $0x1;
	s13 =	rddreg [dreg:$0x17]  }
0x2a3: {  	[spmem:s13] =	stream.linear.scatter [tilespmem:s30], [sflag:$0x1], $0x80, $0x38;
	[tilespmem:$0x9C80] =	vst v63  }
0x2a4: {  	_ =	swait.ge [sflag:s14], $0x80  }
0x2a5: {  	[sflag:s14] =	ssyncset.done $0x0  }
0x2a6: {  	[sflag:s14] =	ssyncadd.s32 $0xFFFFFF80  }
0x2a7: {  	_ =	swait.ge [sflag:s14], $0x80  }
0x2a8: {  	[sflag:s14] =	ssyncset.done $0x0  }
0x2a9: {  	[sflag:s14] =	ssyncadd.s32 $0xFFFFFF80  }
0x2aa: {  	_ =	swait.ge [sflag:s14], $0x80  }
0x2ab: {  	[sflag:s14] =	ssyncset.done $0x0  }
0x2ac: {  	[sflag:s14] =	ssyncadd.s32 $0xFFFFFF80  }
0x2ad: {  	_ =	swait.ge [sflag:s14], $0x80  }
0x2ae: {  	[sflag:s14] =	ssyncset.done $0x0  }
0x2af: {  	[sflag:s14] =	ssyncadd.s32 $0xFFFFFF80  }
0x2b0: {  	_ =	swait.ge [sflag:s14], $0x80  }
0x2b1: {  	[sflag:s14] =	ssyncset.done $0x0  }
0x2b2: {  	[sflag:s14] =	ssyncadd.s32 $0xFFFFFF80  }
0x2b3: {  	[bflag:$0x0] =	sbarrier.arrive $0xFFFF  }
0x2b4: {  	s15 =	simm.s32 $0x6A00;
	s16 =	rddreg [dreg:$0x9]  }
0x2b5: {  	[tilespmem:s15], [sflag:$0x1] =	stream.linear.gather [spmem:s16], $0x800, $0x38;
	[tilespmem:$0x9C80] =	vst v63  }
0x2b6: {  	s17 =	simm.s32 $0x7200;
	s18 =	rddreg [dreg:$0xa]  }
0x2b7: {  	[tilespmem:s17], [sflag:$0x1] =	stream.linear.gather [spmem:s18], $0x800, $0x38;
	[tilespmem:$0x9C80] =	vst v63  }
0x2b8: {  	s19 =	simm.s32 $0x7A00;
	s20 =	rddreg [dreg:$0xb]  }
0x2b9: {  	[tilespmem:s19], [sflag:$0x1] =	stream.linear.gather [spmem:s20], $0x800, $0x38;
	[tilespmem:$0x9C80] =	vst v63  }
0x2ba: {  	s21 =	simm.s32 $0x8200;
	s22 =	rddreg [dreg:$0xc]  }
0x2bb: {  	[tilespmem:s21], [sflag:$0x1] =	stream.linear.gather [spmem:s22], $0x800, $0x38;
	[tilespmem:$0x9C80] =	vst v63  }
0x2bc: {  	s23 =	simm.s32 $0x8A00;
	s24 =	rddreg [dreg:$0xd]  }
0x2bd: {  	[tilespmem:s23], [sflag:$0x1] =	stream.linear.gather [spmem:s24], $0x800, $0x38;
	[tilespmem:$0x9C80] =	vst v63  }
0x2be: {  	_ =	swait.ge [sflag:s14], $0x800  }
0x2bf: {  	[sflag:s14] =	ssyncset.done $0x0  }
0x2c0: {  	[sflag:s14] =	ssyncadd.s32 $0xFFFFF800  }
0x2c1: {  	_ =	swait.ge [sflag:s14], $0x800  }
0x2c2: {  	[sflag:s14] =	ssyncset.done $0x0  }
0x2c3: {  	[sflag:s14] =	ssyncadd.s32 $0xFFFFF800  }
0x2c4: {  	_ =	swait.ge [sflag:s14], $0x800  }
0x2c5: {  	[sflag:s14] =	ssyncset.done $0x0  }
0x2c6: {  	[sflag:s14] =	ssyncadd.s32 $0xFFFFF800  }
0x2c7: {  	_ =	swait.ge [sflag:s14], $0x800  }
0x2c8: {  	[sflag:s14] =	ssyncset.done $0x0  }
0x2c9: {  	[sflag:s14] =	ssyncadd.s32 $0xFFFFF800  }
0x2ca: {  	_ =	swait.ge [sflag:s14], $0x800  }
0x2cb: {  	[sflag:s14] =	ssyncset.done $0x0  }
0x2cc: {  	v1 =	vimm.f32 $-1.000000000e+00;
	[sflag:s14] =	ssyncadd.s32 $0xFFFFF800  }
0x2cd: {  	v2 =	vimm.s32 $0xFFFFFFFF;
	s25 =	rddreg [dreg:$0x11];
	[tilespmem:$0x9200] =	vst v1  }
0x2ce: {  	s30 =	rddreg [dreg:$0x12];
	[tilespmem:$0x9280] =	vst v2  }
0x2cf: {  	s31 =	rddreg [dreg:$0x10];
	[tilespmem:$0x9300] =	vst v2  }
0x2d0: {  	s1 =	simm.s32 $0x9200;
	[tilespmem:$0x9380] =	vst v0;
	s0 =	rddreg [dreg:$0x1]  }
0x2d1: {  	s2 =	simm.s32 $0x9300;
	s6 =	simm.s32 $0x9280;
	[tilespmem:$0x9210] =	vst v1;
	s26 =	rddreg [dreg:$0x2]  }
0x2d2: {  	s8 =	simm.s32 $0x0;
	s9 =	simm.s32 $0x40;
	[tilespmem:$0x9290] =	vst v2;
	s28 =	rddreg [dreg:$0x4]  }
0x2d3: {  	s29 =	rddreg [dreg:$0x3];
	[tilespmem:$0x9310] =	vst v2;
	s7 =	sadd.s32 s0, s25;
	s4 =	sadd.s32 s26, s25  }
0x2d4: {  	v1 =	vmov s31;
	[tilespmem:$0x9390] =	vst v0;
	s5 =	sadd.s32 s28, s25;
	s3 =	sadd.s32 s29, s30;
	s0 =	simm.s32 $0x9380  }
.LBB3_20:
0x2d5: {  	p0 =	sne.s32 s9, $0x1FC0;
	v0 =	vld [tilespmem:s8+$0x6A00]  }
0x2d6: {  	v2 =	vld [tilespmem:s8+$0x7200];
	_ =	sdelay $0x3  }
0x2d7: {  	v0 =	vsub.s32 v0, v1  }
0x2d8: {  	vm0 =	vlt.u32 v0, $0x20;
	_ =	sdelay $0x5  }
0x2d9: {  	[tilespmem:v0+s1+$0x0] =	vst.idx.msk vm0, v2  }
0x2da: {  	v2 =	vld [tilespmem:s8+$0x7A00];
	_ =	sdelay $0x4  }
0x2db: {  	[tilespmem:v0+s6+$0x0] =	vst.idx.msk vm0, v2  }
0x2dc: {  	v2 =	vld [tilespmem:s8+$0x8200];
	_ =	sdelay $0x4  }
0x2dd: {  	[tilespmem:v0+s2+$0x0] =	vst.idx.msk vm0, v2  }
0x2de: {  	v2 =	vld [tilespmem:s8+$0x8A00]  }
.Ltmp10:
0x2df: {  	(pc) =	sbr.rel @p0 .LBB3_20-.Ltmp10, $2  }
0x2e0: {  	_ =	sdelay $0x2  }
0x2e1: {  	s8 =	sshra.s32 s9, $0x2;
	s9 =	sadd.s32 $0x40, s9;
	[tilespmem:v0+s0+$0x0] =	vst.idx.msk vm0, v2  }
0x2e2: {  	v0 =	vld [tilespmem:s8+$0x6A00];
	_ =	sdelay $0x4  }
0x2e3: {  	v0 =	vsub.s32 v0, v1  }
0x2e4: {  	vm1 =	vlt.u32 v0, $0x20  }
0x2e5: {  	v1 =	vld [tilespmem:s8+$0x7200];
	_ =	sdelay $0x4  }
0x2e6: {  	[tilespmem:v0+s1+$0x0] =	vst.idx.msk vm1, v1  }
0x2e7: {  	v1 =	vld [tilespmem:s8+$0x7A00];
	_ =	sdelay $0x4  }
0x2e8: {  	[tilespmem:v0+s6+$0x0] =	vst.idx.msk vm1, v1  }
0x2e9: {  	v1 =	vld [tilespmem:s8+$0x8200];
	_ =	sdelay $0x4  }
0x2ea: {  	[tilespmem:v0+s2+$0x0] =	vst.idx.msk vm1, v1  }
0x2eb: {  	vm0 =	vcmask $0x2F00;
	v2 =	vimm.s32 $0x1;
	v1 =	vld [tilespmem:s8+$0x8A00]  }
0x2ec: {  	v2 =	vsel vm0, $0x0, v2;
	_ =	sdelay $0x3  }
0x2ed: {  	s21 =	simm.s32 $0x9380;
	[tilespmem:v0+s0+$0x0] =	vst.idx.msk vm1, v1;
	v0 =	vimm.s32 $0x76543210;
	v1 =	vimm.s32 $0x3210BA98  }
0x2ee: {  	v2 =	vld.idx.msk [tilespmem:v2+s21+$0x0], $0xffff;
	v0 =	vunpack.c.l.s4.s8 v0;
	v1 =	vunpack.c.l.s4.s8 v1;
	_ =	sdelay $0x1  }
0x2ef: {  	v3 =	vunpack.c.0.s8.s32 v0;
	v4 =	vunpack.c.0.s8.s32 v1;
	v0 =	vlaneseq.u32  }
0x2f0: {  	v1 =	vshrl.u32 v0, $0x3  }
0x2f1: {  	v5 =	vcombine.low v3, v4;
	v6 =	vadd.s32 $0x1, v1  }
0x2f2: {  	v2 =	vmul.u32 $0xC, v2  }
0x2f3: {  	v5 =	vand.u32 $0xF, v5  }
0x2f4: {  	v2 =	vadd.s32 v5, v2  }
0x2f5: {  	[tilespmem:$0x9400] =	vst v2;
	v2 =	vimm.s32 $0xBA987654  }
0x2f6: {  	v6 =	vld.idx.msk [tilespmem:v6+s21+$0x0], $0xffff;
	v2 =	vunpack.c.l.s4.s8 v2;
	_ =	sdelay $0x1  }
0x2f7: {  	v2 =	vunpack.c.0.s8.s32 v2  }
0x2f8: {  	vm11 =	vcmask $0xF00;
	v7 =	vimm.s32 $0x3  }
0x2f9: {  	v7 =	vsel vm11, $0x2, v7;
	v8 =	vand.u32 $0xF, v2  }
0x2fa: {  	v3 =	vcombine.low v8, v3;
	v6 =	vmul.u32 $0xC, v6;
	_ =	sdelay $0x1  }
0x2fb: {  	v6 =	vadd.s32 v3, v6  }
0x2fc: {  	[tilespmem:$0x9410] =	vst v6  }
0x2fd: {  	v6 =	vld.idx.msk [tilespmem:v7+s21+$0x0], $0xffff;
	_ =	sdelay $0x2  }
0x2fe: {  	v7 =	vimm.s32 $0x5  }
0x2ff: {  	v2 =	vcombine.low v4, v2;
	v4 =	vsel vm0, $0x4, v7  }
0x300: {  	v6 =	vmul.u32 $0xC, v6  }
0x301: {  	v2 =	vand.u32 $0xF, v2  }
0x302: {  	v6 =	vadd.s32 v2, v6  }
0x303: {  	[tilespmem:$0x9420] =	vst v6  }
0x304: {  	v4 =	vld.idx.msk [tilespmem:v4+s21+$0x0], $0xffff;
	_ =	sdelay $0x3  }
0x305: {  	v6 =	vadd.s32 $0x5, v1  }
0x306: {  	v4 =	vmul.u32 $0xC, v4;
	_ =	sdelay $0x1  }
0x307: {  	v4 =	vadd.s32 v5, v4  }
0x308: {  	[tilespmem:$0x9430] =	vst v4  }
0x309: {  	v4 =	vld.idx.msk [tilespmem:v6+s21+$0x0], $0xffff;
	_ =	sdelay $0x2  }
0x30a: {  	v6 =	vimm.s32 $0x7  }
0x30b: {  	v6 =	vsel vm11, $0x6, v6  }
0x30c: {  	v4 =	vmul.u32 $0xC, v4;
	_ =	sdelay $0x1  }
0x30d: {  	v4 =	vadd.s32 v3, v4  }
0x30e: {  	[tilespmem:$0x9440] =	vst v4  }
0x30f: {  	v4 =	vld.idx.msk [tilespmem:v6+s21+$0x0], $0xffff;
	_ =	sdelay $0x2  }
0x310: {  	v6 =	vimm.s32 $0x9  }
0x311: {  	v6 =	vsel vm0, $0x8, v6  }
0x312: {  	v4 =	vmul.u32 $0xC, v4;
	_ =	sdelay $0x1  }
0x313: {  	v4 =	vadd.s32 v2, v4  }
0x314: {  	[tilespmem:$0x9450] =	vst v4  }
0x315: {  	v4 =	vld.idx.msk [tilespmem:v6+s21+$0x0], $0xffff;
	_ =	sdelay $0x3  }
0x316: {  	v6 =	vadd.s32 $0x9, v1  }
0x317: {  	v4 =	vmul.u32 $0xC, v4;
	_ =	sdelay $0x1  }
0x318: {  	v4 =	vadd.s32 v5, v4  }
0x319: {  	[tilespmem:$0x9460] =	vst v4  }
0x31a: {  	v4 =	vld.idx.msk [tilespmem:v6+s21+$0x0], $0xffff;
	_ =	sdelay $0x2  }
0x31b: {  	v6 =	vimm.s32 $0xB  }
0x31c: {  	v6 =	vsel vm11, $0xA, v6  }
0x31d: {  	v4 =	vmul.u32 $0xC, v4;
	_ =	sdelay $0x1  }
0x31e: {  	v4 =	vadd.s32 v3, v4  }
0x31f: {  	[tilespmem:$0x9470] =	vst v4  }
0x320: {  	v4 =	vld.idx.msk [tilespmem:v6+s21+$0x0], $0xffff;
	_ =	sdelay $0x2  }
0x321: {  	v6 =	vimm.s32 $0xD  }
0x322: {  	v6 =	vsel vm0, $0xC, v6  }
0x323: {  	v4 =	vmul.u32 $0xC, v4;
	_ =	sdelay $0x1  }
0x324: {  	v4 =	vadd.s32 v2, v4  }
0x325: {  	[tilespmem:$0x9480] =	vst v4  }
0x326: {  	v4 =	vld.idx.msk [tilespmem:v6+s21+$0x0], $0xffff;
	_ =	sdelay $0x3  }
0x327: {  	v6 =	vadd.s32 $0xD, v1  }
0x328: {  	v4 =	vmul.u32 $0xC, v4;
	_ =	sdelay $0x1  }
0x329: {  	v4 =	vadd.s32 v5, v4  }
0x32a: {  	[tilespmem:$0x9490] =	vst v4  }
0x32b: {  	v4 =	vld.idx.msk [tilespmem:v6+s21+$0x0], $0xffff;
	_ =	sdelay $0x2  }
0x32c: {  	v6 =	vimm.s32 $0xF  }
0x32d: {  	v6 =	vsel vm11, $0xE, v6  }
0x32e: {  	v4 =	vmul.u32 $0xC, v4;
	_ =	sdelay $0x1  }
0x32f: {  	v4 =	vadd.s32 v3, v4  }
0x330: {  	[tilespmem:$0x94A0] =	vst v4  }
0x331: {  	v4 =	vld.idx.msk [tilespmem:v6+s21+$0x0], $0xffff;
	_ =	sdelay $0x2  }
0x332: {  	v6 =	vimm.s32 $0x11  }
0x333: {  	v6 =	vsel vm0, $0x10, v6  }
0x334: {  	v4 =	vmul.u32 $0xC, v4;
	_ =	sdelay $0x1  }
0x335: {  	v4 =	vadd.s32 v2, v4  }
0x336: {  	[tilespmem:$0x94B0] =	vst v4  }
0x337: {  	v4 =	vld.idx.msk [tilespmem:v6+s21+$0x0], $0xffff;
	_ =	sdelay $0x3  }
0x338: {  	v6 =	vadd.s32 $0x11, v1  }
0x339: {  	v4 =	vmul.u32 $0xC, v4;
	_ =	sdelay $0x1  }
0x33a: {  	v4 =	vadd.s32 v5, v4  }
0x33b: {  	[tilespmem:$0x94C0] =	vst v4  }
0x33c: {  	v4 =	vld.idx.msk [tilespmem:v6+s21+$0x0], $0xffff;
	_ =	sdelay $0x2  }
0x33d: {  	v6 =	vimm.s32 $0x13  }
0x33e: {  	v6 =	vsel vm11, $0x12, v6  }
0x33f: {  	v4 =	vmul.u32 $0xC, v4;
	_ =	sdelay $0x1  }
0x340: {  	v4 =	vadd.s32 v3, v4  }
0x341: {  	[tilespmem:$0x94D0] =	vst v4  }
0x342: {  	v4 =	vld.idx.msk [tilespmem:v6+s21+$0x0], $0xffff;
	_ =	sdelay $0x2  }
0x343: {  	v6 =	vimm.s32 $0x15  }
0x344: {  	v6 =	vsel vm0, $0x14, v6  }
0x345: {  	v4 =	vmul.u32 $0xC, v4;
	_ =	sdelay $0x1  }
0x346: {  	v4 =	vadd.s32 v2, v4  }
0x347: {  	[tilespmem:$0x94E0] =	vst v4  }
0x348: {  	v4 =	vld.idx.msk [tilespmem:v6+s21+$0x0], $0xffff;
	_ =	sdelay $0x3  }
0x349: {  	v6 =	vadd.s32 $0x15, v1  }
0x34a: {  	v4 =	vmul.u32 $0xC, v4;
	_ =	sdelay $0x1  }
0x34b: {  	v4 =	vadd.s32 v5, v4  }
0x34c: {  	[tilespmem:$0x94F0] =	vst v4  }
0x34d: {  	v4 =	vld.idx.msk [tilespmem:v6+s21+$0x0], $0xffff;
	_ =	sdelay $0x2  }
0x34e: {  	v6 =	vimm.s32 $0x17  }
0x34f: {  	v6 =	vsel vm11, $0x16, v6  }
0x350: {  	v4 =	vmul.u32 $0xC, v4;
	_ =	sdelay $0x1  }
0x351: {  	v4 =	vadd.s32 v3, v4  }
0x352: {  	[tilespmem:$0x9500] =	vst v4  }
0x353: {  	v4 =	vld.idx.msk [tilespmem:v6+s21+$0x0], $0xffff;
	_ =	sdelay $0x2  }
0x354: {  	v6 =	vimm.s32 $0x19  }
0x355: {  	v6 =	vsel vm0, $0x18, v6  }
0x356: {  	v4 =	vmul.u32 $0xC, v4;
	_ =	sdelay $0x1  }
0x357: {  	v4 =	vadd.s32 v2, v4  }
0x358: {  	[tilespmem:$0x9510] =	vst v4  }
0x359: {  	v4 =	vld.idx.msk [tilespmem:v6+s21+$0x0], $0xffff;
	_ =	sdelay $0x3  }
0x35a: {  	v6 =	vadd.s32 $0x19, v1  }
0x35b: {  	v4 =	vmul.u32 $0xC, v4;
	_ =	sdelay $0x1  }
0x35c: {  	v4 =	vadd.s32 v5, v4  }
0x35d: {  	[tilespmem:$0x9520] =	vst v4  }
0x35e: {  	v4 =	vld.idx.msk [tilespmem:v6+s21+$0x0], $0xffff;
	_ =	sdelay $0x2  }
0x35f: {  	v6 =	vimm.s32 $0x1B  }
0x360: {  	v6 =	vsel vm11, $0x1A, v6  }
0x361: {  	v4 =	vmul.u32 $0xC, v4;
	_ =	sdelay $0x1  }
0x362: {  	v4 =	vadd.s32 v3, v4  }
0x363: {  	[tilespmem:$0x9530] =	vst v4  }
0x364: {  	v4 =	vld.idx.msk [tilespmem:v6+s21+$0x0], $0xffff;
	_ =	sdelay $0x2  }
0x365: {  	v6 =	vimm.s32 $0x1D  }
0x366: {  	v6 =	vsel vm0, $0x1C, v6  }
0x367: {  	v4 =	vmul.u32 $0xC, v4;
	_ =	sdelay $0x1  }
0x368: {  	v4 =	vadd.s32 v2, v4  }
0x369: {  	[tilespmem:$0x9540] =	vst v4  }
0x36a: {  	v4 =	vld.idx.msk [tilespmem:v6+s21+$0x0], $0xffff;
	_ =	sdelay $0x3  }
0x36b: {  	v1 =	vadd.s32 $0x1D, v1  }
0x36c: {  	v4 =	vmul.u32 $0xC, v4;
	_ =	sdelay $0x1  }
0x36d: {  	v4 =	vadd.s32 v5, v4  }
0x36e: {  	[tilespmem:$0x9550] =	vst v4  }
0x36f: {  	v1 =	vld.idx.msk [tilespmem:v1+s21+$0x0], $0xffff;
	_ =	sdelay $0x2  }
0x370: {  	v4 =	vimm.s32 $0x1F  }
0x371: {  	v4 =	vsel vm11, $0x1E, v4  }
0x372: {  	v1 =	vmul.u32 $0xC, v1;
	_ =	sdelay $0x1  }
0x373: {  	v1 =	vadd.s32 v3, v1  }
0x374: {  	[tilespmem:$0x9560] =	vst v1  }
0x375: {  	v1 =	vld.idx.msk [tilespmem:v4+s21+$0x0], $0xffff;
	_ =	sdelay $0x4  }
0x376: {  	v1 =	vmul.u32 $0xC, v1;
	_ =	sdelay $0x1  }
0x377: {  	s22 =	simm.s32 $0x80;
	s23 =	simm.s32 $0x9400;
	v1 =	vadd.s32 v2, v1  }
0x378: {  	s9 =	rddreg [dreg:$0xf];
	s24 =	simm.s32 $0x0;
	s0 =	simm.s32 $0x9600;
	[tilespmem:$0x9570] =	vst v1  }
0x379: {  	v1 =	vor.u32 s24, v0;
	[tilespmem:s0], [sflag:$0x1] =	stream.indirect.gather [hbm4b:s9+s22], $0x1, s23, s22, $0xb8;
	[tilespmem:$0x9C80] =	vst v63  }
0x37a: {  	s25 =	simm.s32 $0x9480;
	s26 =	simm.s32 $0x9680;
	v2 =	vmulhi.u32 $0xAAAAAAAB, v1  }
0x37b: {  	[tilespmem:s26], [sflag:$0x1] =	stream.indirect.gather [hbm4b:s9+s22], $0x1, s25, s22, $0xb8;
	[tilespmem:$0x9C80] =	vst v63  }
0x37c: {  	s28 =	simm.s32 $0x9500;
	s29 =	simm.s32 $0x9700;
	s30 =	simm.s32 $0x1;
	v2 =	vshrl.u32 v2, $0x3  }
0x37d: {  	v3 =	vmul.u32 $0xFFFFFFF4, v2;
	[tilespmem:s29], [sflag:$0x1] =	stream.indirect.gather [hbm4b:s9+s22], $0x1, s28, s22, $0xb8;
	[tilespmem:$0x9C80] =	vst v63  }
0x37e: {  	v4 =	vmov s24;
	v1 =	vsub.s32 $0x0, v1;
	_ =	swait.ge [sflag:s30], $0x80  }
0x37f: {  	vm12 =	veq.s32 v4, v0;
	vm13 =	vne.s32 v3, v1;
	[sflag:s30] =	ssyncset.done $0x0  }
0x380: {  	s31 =	simm.s32 $0x10;
	v1 =	vimm.s32 $0x0;
	vm0 =	vmand vm12, vm13;
	[sflag:s30] =	ssyncadd.s32 $0xFFFFFF80  }
0x381: {  	v3 =	vor.u32 s31, v0;
	v5 =	vsel vm0, $0xFFFFFFFF, v1;
	_ =	swait.ge [sflag:s30], $0x80  }
0x382: {  	v4 =	vmulhi.u32 $0xAAAAAAAB, v3;
	v2 =	vadd.s32 v5, v2;
	[sflag:s30] =	ssyncset.done $0x0  }
0x383: {  	[sflag:s30] =	ssyncadd.s32 $0xFFFFFF80  }
0x384: {  	v4 =	vshrl.u32 v4, $0x3;
	_ =	swait.ge [sflag:s30], $0x80  }
0x385: {  	v5 =	vmul.u32 $0xFFFFFFF4, v4;
	[sflag:s30] =	ssyncset.done $0x0  }
0x386: {  	s1 =	simm.s32 $0x9200;
	v6 =	vmov s31;
	v3 =	vsub.s32 $0x0, v3;
	[sflag:s30] =	ssyncadd.s32 $0xFFFFFF80  }
0x387: {  	vm14 =	veq.s32 v6, v0;
	vm15 =	vne.s32 v5, v3;
	v3 =	vld.idx.msk [tilespmem:v2+s1+$0x0], $0xffff  }
0x388: {  	vm0 =	vmand vm14, vm15;
	v5 =	vld [tilespmem:s0+$0x0]  }
0x389: {  	s2 =	simm.s32 $0x20;
	v6 =	vsel vm0, $0xFFFFFFFF, v1  }
0x38a: {  	s6 =	simm.s32 $0x30;
	v2 =	vor.u32 s2, v0;
	v4 =	vadd.s32 v6, v4  }
.LBB3_22:
0x38b: {  	p0 =	sne.s32 s6, $0x170;
	v6 =	vmulhi.u32 $0xAAAAAAAB, v2  }
0x38c: {  	vm0 =	vgt.f32 v3, $0.0e+00  }
0x38d: {  	v6 =	vshrl.u32 v6, $0x3;
	v3 =	vnsel vm0, $0xBF800000, v5  }
0x38e: {  	v5 =	vmul.u32 $0xFFFFFFF4, v6;
	[tilespmem:s0+$0x0] =	vst v3  }
.Ltmp11:
0x38f: {  	v7 =	vmov s2;
	v2 =	vsub.s32 $0x0, v2;
	s2 =	smov.u32 s6;
	v3 =	vld.idx.msk [tilespmem:v4+s1+$0x0], $0xffff;
	(pc) =	sbr.rel @p0 .LBB3_22-.Ltmp11, $4  }
0x390: {  	vm0 =	veq.s32 v7, v0;
	s0 =	sadd.s32 $0x10, s0;
	vm1 =	vne.s32 v5, v2  }
0x391: {  	vm0 =	vmand vm0, vm1;
	v5 =	vld [tilespmem:s0+$0x0]  }
0x392: {  	v4 =	vsel vm0, $0xFFFFFFFF, v1  }
0x393: {  	s6 =	sadd.s32 $0x10, s6;
	v2 =	vor.u32 s2, v0;
	v4 =	vadd.s32 v4, v6  }
0x394: {  	v6 =	vmulhi.u32 $0xAAAAAAAB, v2;
	_ =	sdelay $0x1  }
0x395: {  	vm0 =	vgt.f32 v3, $0.0e+00;
	v59 =	vshrl.u32 v6, $0x3  }
0x396: {  	v5 =	vnsel vm0, $0xBF800000, v5;
	v6 =	vmul.u32 $0xFFFFFFF4, v59  }
0x397: {  	v60 =	vmov s2;
	v61 =	vsub.s32 $0x0, v2;
	[tilespmem:s0+$0x0] =	vst v5  }
0x398: {  	s23 =	sadd.s32 $0x10, s0;
	vm13 =	veq.s32 v60, v0;
	v4 =	vld.idx.msk [tilespmem:v4+s1+$0x0], $0xffff;
	vm1 =	vne.s32 v6, v61  }
0x399: {  	v62 =	vld [tilespmem:s23+$0x0];
	vm0 =	vmand vm13, vm1  }
0x39a: {  	v1 =	vsel vm0, $0xFFFFFFFF, v1  }
0x39b: {  	v1 =	vadd.s32 v1, v59;
	_ =	sdelay $0x1  }
0x39c: {  	vm14 =	vgt.f32 v4, $0.0e+00  }
0x39d: {  	v0 =	vnsel vm14, $0xBF800000, v62  }
0x39e: {  	[tilespmem:s23+$0x0] =	vst v0  }
0x39f: {  	s0 =	sadd.s32 $0x10, s23;
	v0 =	vld.idx.msk [tilespmem:v1+s1+$0x0], $0xffff  }
0x3a0: {  	v63 =	vld [tilespmem:s0+$0x0];
	_ =	sdelay $0x3  }
0x3a1: {  	vm15 =	vgt.f32 v0, $0.0e+00  }
0x3a2: {  	v0 =	vnsel vm15, $0xBF800000, v63  }
0x3a3: {  	s24 =	simm.s32 $0x0;
	s25 =	simm.s32 $0x9200;
	[tilespmem:s0+$0x0] =	vst v0  }
0x3a4: {  	[hbm4b:s7+s24] =	stream.linear.scatter [tilespmem:s25], [sflag:$0x1], $0x20, $0x38;
	[tilespmem:$0x9C80] =	vst v63  }
0x3a5: {  	s26 =	simm.s32 $0x9280  }
0x3a6: {  	[hbm4b:s4+s24] =	stream.linear.scatter [tilespmem:s26], [sflag:$0x1], $0x20, $0x38;
	[tilespmem:$0x9C80] =	vst v63  }
0x3a7: {  	s28 =	simm.s32 $0x9300  }
0x3a8: {  	[hbm4b:s5+s24] =	stream.linear.scatter [tilespmem:s28], [sflag:$0x1], $0x20, $0x38;
	[tilespmem:$0x9C80] =	vst v63  }
0x3a9: {  	s29 =	simm.s32 $0x9600;
	s30 =	simm.s32 $0x1  }
0x3aa: {  	[hbm4b:s3+s24] =	stream.linear.scatter [tilespmem:s29], [sflag:$0x1], $0x180, $0x38;
	[tilespmem:$0x9C80] =	vst v63  }
0x3ab: {  	_ =	swait.ge [sflag:s30], $0x20  }
0x3ac: {  	[sflag:s30] =	ssyncset.done $0x0  }
0x3ad: {  	[sflag:s30] =	ssyncadd.s32 $0xFFFFFFE0  }
0x3ae: {  	_ =	swait.ge [sflag:s30], $0x20  }
0x3af: {  	[sflag:s30] =	ssyncset.done $0x0  }
0x3b0: {  	[sflag:s30] =	ssyncadd.s32 $0xFFFFFFE0  }
0x3b1: {  	_ =	swait.ge [sflag:s30], $0x20  }
0x3b2: {  	[sflag:s30] =	ssyncset.done $0x0  }
0x3b3: {  	[sflag:s30] =	ssyncadd.s32 $0xFFFFFFE0  }
0x3b4: {  	_ =	swait.ge [sflag:s30], $0x180  }
0x3b5: {  	[sflag:s30] =	ssyncset.done $0x0  }
0x3b6: {  	[sflag:s30] =	ssyncadd.s32 $0xFFFFFE80  }
0x3b7: {  	_ =	sfence.sel $0x180000  }
0x3b8: {  	[bflag:$0x0] =	sbarrier.arrive $0xFFFF  }
0x3b9: {  	_ =	strace $0x90000047  }
0x3ba: {  	s31 =	stileid.u32;
	[bflag:$0x2] =	sbarrier.arrive $0xFFFF  }
0x3bb: {  	p0 =	sne.s32 s31, $0x0;
	s0 =	rddreg [dreg:$0xe]  }
0x3bc: {  	s0 =	sadd.s32 @!p0 $0x100000, s0  }
0x3bd: {  	[sflag:s0] =	ssyncadd.tile.s32 @!p0 $0x1;
	_ =	shalt  }
.LBB3_14:
.Ltmp12:
0x3be: {  	(pc) =	sbr.rel .LBB3_18-.Ltmp12, $3  }
0x3bf: {  	_ =	sdelay $0x1  }
0x3c0: {  	v14 =	vimm.s32 $0x0  }
0x3c1: {  	v9 =	vimm.s32 $0x0;
	v11 =	vimm.s32 $0x0;
	v13 =	vimm.s32 $0x0  }
.LBB3_16:
.Ltmp13:
0x3c2: {  	(pc) =	sbr.rel .LBB3_18-.Ltmp13, $2  }
0x3c3: {  	_ =	sdelay $0x2  }
0x3c4: {  	v14 =	vimm.s32 $0x0  }
.Lfunc_end3:
_tile_overlayer_lowered:
.L_overlay_start_3:
0x3c5: {  	(tag) =	ssettag $0x3  }
0x3c6: {  	s0 =	rddreg [dreg:$0x0];
	s2 =	stileid.u32  }
0x3c7: {  	s1 =	rddreg [dreg:$0x1];
	p0 =	sne.s32 s2, $0x0  }
0x3c8: {  	s3 =	rddreg [dreg:$0x2];
	[bflag:$0x3] =	sbarrier.arrive $0xFFFF;
	s2 =	simm.s32 @!p0 $0x1C02  }
0x3c9: {  	[timem:s3], [sflag:s2] =	dma.local @!p0 [hbm:s0], s1  }
0x3ca: {  	s0 =	simm.s32 @!p0 $0x2  }
0x3cb: {  	_ =	swait.ge @!p0 [sflag:s0], s1  }
0x3cc: {  	s1 =	ssub.s32 @!p0 $0x0, s1;
	[sflag:s0] =	ssyncset.done @!p0 $0x0  }
0x3cd: {  	[sflag:s0] =	ssyncadd.s32 @!p0 s1  }
0x3ce: {  	[bflag:$0x3] =	sbarrier.arrive $0xFFFF  }
0x3cf: {  	_ =	shalt  }

</sc_bundles>
